<compile_context>
chip_gen: v7x
topology: tpu7x:2x2x1
jax: 0.10.2.dev20260603
libtpu: 0.0.44.dev20260713+nightly
codegen_flags: <defaults>
</compile_context>

<pallas_src>
import functools

import jax
import jax.numpy as jnp
from jax import lax
from jax.experimental import pallas as pl
from jax.experimental.pallas import tpu as pltpu
from jax.experimental.pallas import tpu_sc as plsc

N_ROWS = 320000
D = 128
NCLS = 3
NC = 2
NS = 16
NW = NC * NS
CH = 400
NCHUNK = 13
RPW = CH * NCHUNK
N_SC = NW * RPW
GRP = CH // 16

TB = 3200
N_TC = N_ROWS - N_SC
TC_OFF = N_SC // TB
TC_BLOCKS = N_TC // TB


def _sc_body(feat_hbm, lab_hbm, psum_hbm, buf_v, labs_v, accv, sem_f, sem_l):
  c = lax.axis_index("c")
  s = lax.axis_index("s")
  wid = s * NC + c
  base = wid * RPW

  pltpu.async_copy(lab_hbm.at[pl.ds(base, RPW)], labs_v, sem_l).wait()
  pltpu.async_copy(feat_hbm.at[pl.ds(base, CH)],
                   buf_v.at[pl.ds(0, CH)], sem_f)

  zf = jnp.zeros((16,), jnp.float32)
  for i in range(NCLS * D // 16):
    accv[pl.ds(i * 16, 16)] = zf

  def chunk_body(g, carry):
    @pl.when(g + 1 < NCHUNK)
    def _():
      nslot = lax.rem(g + 1, 2)
      pltpu.async_copy(
          feat_hbm.at[pl.ds(base + (g + 1) * CH, CH)],
          buf_v.at[pl.ds(nslot * CH, CH)], sem_f)

    pltpu.make_async_copy(feat_hbm.at[pl.ds(0, CH)],
                          buf_v.at[pl.ds(0, CH)], sem_f).wait()
    rowoff = lax.rem(g, 2) * CH
    labbase = g * CH

    def grp_body(t, cr):
      lab_vec = labs_v[pl.ds(labbase + t * 16, 16)]
      m0v = (1 - jnp.minimum(lab_vec, 1)).astype(jnp.float32)
      m1v = (lab_vec & 1).astype(jnp.float32)
      tot = [None] * 8
      a0 = [None] * 8
      a1 = [None] * 8
      for j in range(16):
        idxj = jnp.full((16,), j, jnp.int32)
        m0 = jnp.take_along_axis(m0v, idxj, axis=0, mode="promise_in_bounds")
        m1 = jnp.take_along_axis(m1v, idxj, axis=0, mode="promise_in_bounds")
        r = rowoff + t * 16 + j
        for cc in range(8):
          x = buf_v[r, pl.ds(cc * 16, 16)]
          if j == 0:
            tot[cc] = x
            a0[cc] = x * m0
            a1[cc] = x * m1
          else:
            tot[cc] = tot[cc] + x
            a0[cc] = a0[cc] + x * m0
            a1[cc] = a1[cc] + x * m1
      for cc in range(8):
        plsc.addupdate(accv.at[pl.ds(cc * 16, 16)], a0[cc])
        plsc.addupdate(accv.at[pl.ds(D + cc * 16, 16)], a1[cc])
        plsc.addupdate(accv.at[pl.ds(2 * D + cc * 16, 16)],
                       tot[cc] - a0[cc] - a1[cc])
      return cr

    return plsc.parallel_loop(0, GRP, 1, unroll=2, carry=carry)(grp_body)

  lax.fori_loop(0, NCHUNK, chunk_body, 0)

  pltpu.sync_copy(accv, psum_hbm.at[wid])


@functools.partial(
    pl.kernel,
    out_type=(jax.ShapeDtypeStruct((NW, NCLS * D), jnp.float32),),
    mesh=plsc.VectorSubcoreMesh(core_axis_name="c", subcore_axis_name="s"),
    scratch_types=[
        pltpu.VMEM((2 * CH, D), jnp.float32),
        pltpu.VMEM((RPW,), jnp.int32),
        pltpu.VMEM((NCLS * D,), jnp.float32),
        pltpu.SemaphoreType.DMA,
        pltpu.SemaphoreType.DMA,
    ],
)
def _sc_partials(*args):
  _sc_body(*args)


def _tc_body(lab_ref, feat_ref, out_ref):
  i = pl.program_id(0)
  labs = lab_ref[0, 0, :]
  oh = (labs[None, :] == lax.broadcasted_iota(jnp.int32, (NCLS, TB), 0))
  oh = oh.astype(jnp.float32)
  part = lax.dot_general(oh, feat_ref[...], (((1,), (0,)), ((), ())),
                         preferred_element_type=jnp.float32)

  @pl.when(i == 0)
  def _():
    out_ref[...] = jnp.zeros_like(out_ref)

  out_ref[...] += part


def _finish_body(ps_ref, tc_ref, out_ref):
  rows = [tc_ref[k, :] + jnp.sum(ps_ref[:, k * D:(k + 1) * D], axis=0)
          for k in range(NCLS)]
  sums = jnp.stack(rows, axis=0)
  nrm = jnp.sqrt(jnp.sum(sums * sums, axis=1, keepdims=True))
  out_ref[...] = sums / jnp.maximum(nrm, 1e-12)


def kernel(features, labels):
  (psums,) = _sc_partials(features, labels)
  labs3 = labels.reshape(N_ROWS // TB, 1, TB)
  tc_sums = pl.pallas_call(
      _tc_body,
      grid=(TC_BLOCKS,),
      in_specs=[
          pl.BlockSpec((1, 1, TB), lambda i: (TC_OFF + i, 0, 0)),
          pl.BlockSpec((TB, D), lambda i: (TC_OFF + i, 0)),
      ],
      out_specs=pl.BlockSpec((NCLS, D), lambda i: (0, 0)),
      out_shape=jax.ShapeDtypeStruct((NCLS, D), jnp.float32),
  )(labs3, features)
  fea_center = pl.pallas_call(
      _finish_body,
      out_shape=jax.ShapeDtypeStruct((NCLS, D), jnp.float32),
  )(psums, tc_sums)
  target = jnp.arange(NCLS, dtype=jnp.int32)
  return (fea_center, target)

# --- scband reference (transcript-rebuilt; emitter-appended) ---
"""Pipeline reference for scband-centercompute-val-38027640439209 (READ-ONLY COPY).

The authoritative reference and input builder live on the scoring server;
editing this copy changes nothing except your own understanding.
"""

import jax, jax.numpy as jnp
import numpy as np

NUM_CLASSES = 3

def setup_inputs(seed: int = 0) -> dict:
    key = jax.random.key(seed)
    k1, k2 = jax.random.split(key)
    features = jax.random.normal(k1, (320000, 128), dtype=jnp.float32)
    labels = jax.random.randint(k2, (320000,), 0, 3, dtype=jnp.int32)
    return {"features": features, "labels": labels}

def reference(features, labels):
    # Per-class mean of feature rows (classes 0=happy, 1=repssion, 2=sur),
    # expressed as a segment reduction instead of the original Python loop.
    sums = jax.ops.segment_sum(features, labels, num_segments=NUM_CLASSES)
    counts = jnp.bincount(labels, length=NUM_CLASSES).astype(features.dtype)
    centers = sums / counts[:, None]
    # F.normalize(fea_center, dim=1) with default p=2, eps=1e-12
    norms = jnp.sqrt(jnp.sum(centers * centers, axis=1, keepdims=True))
    fea_center = centers / jnp.maximum(norms, 1e-12)
    target = jnp.array([0, 1, 2], dtype=jnp.int32)
    return (fea_center, target)

if __name__ == "__main__":
    import jax
    _d = setup_inputs()
    print(jax.jit(kernel)(*tuple(_d.values())))

</pallas_src>

<mosaic_0001>
#map = affine_map<(d0, d1) -> (0, 0)>
#map1 = affine_map<(d0, d1) -> (0)>
module attributes {stable_mosaic.version = 14 : i64} {
  func.func @_sc_partials(%arg0: i32, %arg1: i32, %arg2: memref<320000x128xf32, #tpu.memory_space<hbm>>, %arg3: memref<320000xi32, #tpu.memory_space<hbm>>, %arg4: memref<32x384xf32, #tpu.memory_space<hbm>>, %arg5: memref<800x128xf32, #tpu.memory_space<vmem>>, %arg6: memref<5200xi32, #tpu.memory_space<vmem>>, %arg7: memref<384xf32, #tpu.memory_space<vmem>>, %arg8: memref<!tpu.dma_semaphore, #tpu.memory_space<semaphore_mem>>, %arg9: memref<!tpu.dma_semaphore, #tpu.memory_space<semaphore_mem>>) attributes {dimension_semantics = [#tpu.dimension_semantics<core_parallel>, #tpu.dimension_semantics<subcore_parallel>], iteration_bounds = array<i64: 2, 16>, scalar_prefetch = 0 : i64, scratch_operands = 5 : i64, tpu.core_type = #tpu.core_type<sc_vector_subcore>, window_params = [{transform_indices = #map}, {transform_indices = #map1}, {transform_indices = #map}]} {
    %mul3A = arith.constant 2 : i32
    %mul3A_0 = arith.muli %arg1, %mul3A : i32
    %add3A = arith.addi %mul3A_0, %arg0 : i32
    %mul3A_1 = arith.constant 5200 : i32
    %mul3A_2 = arith.muli %add3A, %mul3A_1 : i32
    %dma_start3A = tpu.memref_slice %arg3[%mul3A_2] : memref<320000xi32, #tpu.memory_space<hbm>> -> memref<5200xi32, #tpu.memory_space<hbm>>
    %dma_start3A_3 = tpu.memref_slice %arg3[%mul3A_2] : memref<320000xi32, #tpu.memory_space<hbm>> -> memref<5200xi32, #tpu.memory_space<hbm>>
    tpu.enqueue_dma source(%dma_start3A_3 : memref<5200xi32, #tpu.memory_space<hbm>>) target(%arg6 : memref<5200xi32, #tpu.memory_space<vmem>>) target_semaphore(%arg9 : memref<!tpu.dma_semaphore, #tpu.memory_space<semaphore_mem>>)
    %dma_wait3A = tpu.memref_slice %arg3[%mul3A_2] : memref<320000xi32, #tpu.memory_space<hbm>> -> memref<5200xi32, #tpu.memory_space<hbm>>
    %dma_wait3A_4 = tpu.memref_slice %arg3[%mul3A_2] : memref<320000xi32, #tpu.memory_space<hbm>> -> memref<5200xi32, #tpu.memory_space<hbm>>
    tpu.wait_dma2 semaphore(%arg9 : memref<!tpu.dma_semaphore, #tpu.memory_space<semaphore_mem>>) src(%dma_wait3A_4 : memref<5200xi32, #tpu.memory_space<hbm>>) dst(%arg6 : memref<5200xi32, #tpu.memory_space<vmem>>)
    %dma_start3A_5 = arith.constant 0 : i32
    %dma_start3A_6 = arith.constant 0 : i32
    %dma_start3A_7 = tpu.memref_slice %arg5[%dma_start3A_5, %dma_start3A_6] : memref<800x128xf32, #tpu.memory_space<vmem>> -> memref<400x128xf32, #tpu.memory_space<vmem>>
    %dma_start3A_8 = arith.constant 0 : i32
    %dma_start3A_9 = tpu.memref_slice %arg2[%mul3A_2, %dma_start3A_8] : memref<320000x128xf32, #tpu.memory_space<hbm>> -> memref<400x128xf32, #tpu.memory_space<hbm>>
    %dma_start3A_10 = arith.constant 0 : i32
    %dma_start3A_11 = arith.constant 0 : i32
    %dma_start3A_12 = tpu.memref_slice %arg5[%dma_start3A_10, %dma_start3A_11] : memref<800x128xf32, #tpu.memory_space<vmem>> -> memref<400x128xf32, #tpu.memory_space<vmem>>
    %dma_start3A_13 = arith.constant 0 : i32
    %dma_start3A_14 = tpu.memref_slice %arg2[%mul3A_2, %dma_start3A_13] : memref<320000x128xf32, #tpu.memory_space<hbm>> -> memref<400x128xf32, #tpu.memory_space<hbm>>
    tpu.enqueue_dma source(%dma_start3A_14 : memref<400x128xf32, #tpu.memory_space<hbm>>) target(%dma_start3A_12 : memref<400x128xf32, #tpu.memory_space<vmem>>) target_semaphore(%arg8 : memref<!tpu.dma_semaphore, #tpu.memory_space<semaphore_mem>>)
    %broadcast_in_dim3A = arith.constant 0.000000e+00 : f32
    %broadcast_in_dim3A_15 = vector.broadcast %broadcast_in_dim3A : f32 to vector<16xf32>
    %swap3A = arith.constant 0 : index
    %swap3A_16 = tpu.vector_load %arg7[%swap3A] {strides = array<i32>} : memref<384xf32, #tpu.memory_space<vmem>>, vector<16xf32>,
    %swap3A_17 = vector.shape_cast %swap3A_16 : vector<16xf32> to vector<16xf32>
    %swap3A_18 = vector.shape_cast %broadcast_in_dim3A_15 : vector<16xf32> to vector<16xf32>
    tpu.vector_store %arg7[%swap3A], %swap3A_18 {strides = array<i32>} : memref<384xf32, #tpu.memory_space<vmem>>, vector<16xf32>,
    %swap3A_19 = arith.constant 16 : index
    %swap3A_20 = tpu.vector_load %arg7[%swap3A_19] {strides = array<i32>} : memref<384xf32, #tpu.memory_space<vmem>>, vector<16xf32>,
    %swap3A_21 = vector.shape_cast %swap3A_20 : vector<16xf32> to vector<16xf32>
    %swap3A_22 = vector.shape_cast %broadcast_in_dim3A_15 : vector<16xf32> to vector<16xf32>
    tpu.vector_store %arg7[%swap3A_19], %swap3A_22 {strides = array<i32>} : memref<384xf32, #tpu.memory_space<vmem>>, vector<16xf32>,
    %swap3A_23 = arith.constant 32 : index
    %swap3A_24 = tpu.vector_load %arg7[%swap3A_23] {strides = array<i32>} : memref<384xf32, #tpu.memory_space<vmem>>, vector<16xf32>,
    %swap3A_25 = vector.shape_cast %swap3A_24 : vector<16xf32> to vector<16xf32>
    %swap3A_26 = vector.shape_cast %broadcast_in_dim3A_15 : vector<16xf32> to vector<16xf32>
    tpu.vector_store %arg7[%swap3A_23], %swap3A_26 {strides = array<i32>} : memref<384xf32, #tpu.memory_space<vmem>>, vector<16xf32>,
    %swap3A_27 = arith.constant 48 : index
    %swap3A_28 = tpu.vector_load %arg7[%swap3A_27] {strides = array<i32>} : memref<384xf32, #tpu.memory_space<vmem>>, vector<16xf32>,
    %swap3A_29 = vector.shape_cast %swap3A_28 : vector<16xf32> to vector<16xf32>
    %swap3A_30 = vector.shape_cast %broadcast_in_dim3A_15 : vector<16xf32> to vector<16xf32>
    tpu.vector_store %arg7[%swap3A_27], %swap3A_30 {strides = array<i32>} : memref<384xf32, #tpu.memory_space<vmem>>, vector<16xf32>,
    %swap3A_31 = arith.constant 64 : index
    %swap3A_32 = tpu.vector_load %arg7[%swap3A_31] {strides = array<i32>} : memref<384xf32, #tpu.memory_space<vmem>>, vector<16xf32>,
    %swap3A_33 = vector.shape_cast %swap3A_32 : vector<16xf32> to vector<16xf32>
    %swap3A_34 = vector.shape_cast %broadcast_in_dim3A_15 : vector<16xf32> to vector<16xf32>
    tpu.vector_store %arg7[%swap3A_31], %swap3A_34 {strides = array<i32>} : memref<384xf32, #tpu.memory_space<vmem>>, vector<16xf32>,
    %swap3A_35 = arith.constant 80 : index
    %swap3A_36 = tpu.vector_load %arg7[%swap3A_35] {strides = array<i32>} : memref<384xf32, #tpu.memory_space<vmem>>, vector<16xf32>,
    %swap3A_37 = vector.shape_cast %swap3A_36 : vector<16xf32> to vector<16xf32>
    %swap3A_38 = vector.shape_cast %broadcast_in_dim3A_15 : vector<16xf32> to vector<16xf32>
    tpu.vector_store %arg7[%swap3A_35], %swap3A_38 {strides = array<i32>} : memref<384xf32, #tpu.memory_space<vmem>>, vector<16xf32>,
    %swap3A_39 = arith.constant 96 : index
    %swap3A_40 = tpu.vector_load %arg7[%swap3A_39] {strides = array<i32>} : memref<384xf32, #tpu.memory_space<vmem>>, vector<16xf32>,
    %swap3A_41 = vector.shape_cast %swap3A_40 : vector<16xf32> to vector<16xf32>
    %swap3A_42 = vector.shape_cast %broadcast_in_dim3A_15 : vector<16xf32> to vector<16xf32>
    tpu.vector_store %arg7[%swap3A_39], %swap3A_42 {strides = array<i32>} : memref<384xf32, #tpu.memory_space<vmem>>, vector<16xf32>,
    %swap3A_43 = arith.constant 112 : index
    %swap3A_44 = tpu.vector_load %arg7[%swap3A_43] {strides = array<i32>} : memref<384xf32, #tpu.memory_space<vmem>>, vector<16xf32>,
    %swap3A_45 = vector.shape_cast %swap3A_44 : vector<16xf32> to vector<16xf32>
    %swap3A_46 = vector.shape_cast %broadcast_in_dim3A_15 : vector<16xf32> to vector<16xf32>
    tpu.vector_store %arg7[%swap3A_43], %swap3A_46 {strides = array<i32>} : memref<384xf32, #tpu.memory_space<vmem>>, vector<16xf32>,
    %swap3A_47 = arith.constant 128 : index
    %swap3A_48 = tpu.vector_load %arg7[%swap3A_47] {strides = array<i32>} : memref<384xf32, #tpu.memory_space<vmem>>, vector<16xf32>,
    %swap3A_49 = vector.shape_cast %swap3A_48 : vector<16xf32> to vector<16xf32>
    %swap3A_50 = vector.shape_cast %broadcast_in_dim3A_15 : vector<16xf32> to vector<16xf32>
    tpu.vector_store %arg7[%swap3A_47], %swap3A_50 {strides = array<i32>} : memref<384xf32, #tpu.memory_space<vmem>>, vector<16xf32>,
    %swap3A_51 = arith.constant 144 : index
    %swap3A_52 = tpu.vector_load %arg7[%swap3A_51] {strides = array<i32>} : memref<384xf32, #tpu.memory_space<vmem>>, vector<16xf32>,
    %swap3A_53 = vector.shape_cast %swap3A_52 : vector<16xf32> to vector<16xf32>
    %swap3A_54 = vector.shape_cast %broadcast_in_dim3A_15 : vector<16xf32> to vector<16xf32>
    tpu.vector_store %arg7[%swap3A_51], %swap3A_54 {strides = array<i32>} : memref<384xf32, #tpu.memory_space<vmem>>, vector<16xf32>,
    %swap3A_55 = arith.constant 160 : index
    %swap3A_56 = tpu.vector_load %arg7[%swap3A_55] {strides = array<i32>} : memref<384xf32, #tpu.memory_space<vmem>>, vector<16xf32>,
    %swap3A_57 = vector.shape_cast %swap3A_56 : vector<16xf32> to vector<16xf32>
    %swap3A_58 = vector.shape_cast %broadcast_in_dim3A_15 : vector<16xf32> to vector<16xf32>
    tpu.vector_store %arg7[%swap3A_55], %swap3A_58 {strides = array<i32>} : memref<384xf32, #tpu.memory_space<vmem>>, vector<16xf32>,
    %swap3A_59 = arith.constant 176 : index
    %swap3A_60 = tpu.vector_load %arg7[%swap3A_59] {strides = array<i32>} : memref<384xf32, #tpu.memory_space<vmem>>, vector<16xf32>,
    %swap3A_61 = vector.shape_cast %swap3A_60 : vector<16xf32> to vector<16xf32>
    %swap3A_62 = vector.shape_cast %broadcast_in_dim3A_15 : vector<16xf32> to vector<16xf32>
    tpu.vector_store %arg7[%swap3A_59], %swap3A_62 {strides = array<i32>} : memref<384xf32, #tpu.memory_space<vmem>>, vector<16xf32>,
    %swap3A_63 = arith.constant 192 : index
    %swap3A_64 = tpu.vector_load %arg7[%swap3A_63] {strides = array<i32>} : memref<384xf32, #tpu.memory_space<vmem>>, vector<16xf32>,
    %swap3A_65 = vector.shape_cast %swap3A_64 : vector<16xf32> to vector<16xf32>
    %swap3A_66 = vector.shape_cast %broadcast_in_dim3A_15 : vector<16xf32> to vector<16xf32>
    tpu.vector_store %arg7[%swap3A_63], %swap3A_66 {strides = array<i32>} : memref<384xf32, #tpu.memory_space<vmem>>, vector<16xf32>,
    %swap3A_67 = arith.constant 208 : index
    %swap3A_68 = tpu.vector_load %arg7[%swap3A_67] {strides = array<i32>} : memref<384xf32, #tpu.memory_space<vmem>>, vector<16xf32>,
    %swap3A_69 = vector.shape_cast %swap3A_68 : vector<16xf32> to vector<16xf32>
    %swap3A_70 = vector.shape_cast %broadcast_in_dim3A_15 : vector<16xf32> to vector<16xf32>
    tpu.vector_store %arg7[%swap3A_67], %swap3A_70 {strides = array<i32>} : memref<384xf32, #tpu.memory_space<vmem>>, vector<16xf32>,
    %swap3A_71 = arith.constant 224 : index
    %swap3A_72 = tpu.vector_load %arg7[%swap3A_71] {strides = array<i32>} : memref<384xf32, #tpu.memory_space<vmem>>, vector<16xf32>,
    %swap3A_73 = vector.shape_cast %swap3A_72 : vector<16xf32> to vector<16xf32>
    %swap3A_74 = vector.shape_cast %broadcast_in_dim3A_15 : vector<16xf32> to vector<16xf32>
    tpu.vector_store %arg7[%swap3A_71], %swap3A_74 {strides = array<i32>} : memref<384xf32, #tpu.memory_space<vmem>>, vector<16xf32>,
    %swap3A_75 = arith.constant 240 : index
    %swap3A_76 = tpu.vector_load %arg7[%swap3A_75] {strides = array<i32>} : memref<384xf32, #tpu.memory_space<vmem>>, vector<16xf32>,
    %swap3A_77 = vector.shape_cast %swap3A_76 : vector<16xf32> to vector<16xf32>
    %swap3A_78 = vector.shape_cast %broadcast_in_dim3A_15 : vector<16xf32> to vector<16xf32>
    tpu.vector_store %arg7[%swap3A_75], %swap3A_78 {strides = array<i32>} : memref<384xf32, #tpu.memory_space<vmem>>, vector<16xf32>,
    %swap3A_79 = arith.constant 256 : index
    %swap3A_80 = tpu.vector_load %arg7[%swap3A_79] {strides = array<i32>} : memref<384xf32, #tpu.memory_space<vmem>>, vector<16xf32>,
    %swap3A_81 = vector.shape_cast %swap3A_80 : vector<16xf32> to vector<16xf32>
    %swap3A_82 = vector.shape_cast %broadcast_in_dim3A_15 : vector<16xf32> to vector<16xf32>
    tpu.vector_store %arg7[%swap3A_79], %swap3A_82 {strides = array<i32>} : memref<384xf32, #tpu.memory_space<vmem>>, vector<16xf32>,
    %swap3A_83 = arith.constant 272 : index
    %swap3A_84 = tpu.vector_load %arg7[%swap3A_83] {strides = array<i32>} : memref<384xf32, #tpu.memory_space<vmem>>, vector<16xf32>,
    %swap3A_85 = vector.shape_cast %swap3A_84 : vector<16xf32> to vector<16xf32>
    %swap3A_86 = vector.shape_cast %broadcast_in_dim3A_15 : vector<16xf32> to vector<16xf32>
    tpu.vector_store %arg7[%swap3A_83], %swap3A_86 {strides = array<i32>} : memref<384xf32, #tpu.memory_space<vmem>>, vector<16xf32>,
    %swap3A_87 = arith.constant 288 : index
    %swap3A_88 = tpu.vector_load %arg7[%swap3A_87] {strides = array<i32>} : memref<384xf32, #tpu.memory_space<vmem>>, vector<16xf32>,
    %swap3A_89 = vector.shape_cast %swap3A_88 : vector<16xf32> to vector<16xf32>
    %swap3A_90 = vector.shape_cast %broadcast_in_dim3A_15 : vector<16xf32> to vector<16xf32>
    tpu.vector_store %arg7[%swap3A_87], %swap3A_90 {strides = array<i32>} : memref<384xf32, #tpu.memory_space<vmem>>, vector<16xf32>,
    %swap3A_91 = arith.constant 304 : index
    %swap3A_92 = tpu.vector_load %arg7[%swap3A_91] {strides = array<i32>} : memref<384xf32, #tpu.memory_space<vmem>>, vector<16xf32>,
    %swap3A_93 = vector.shape_cast %swap3A_92 : vector<16xf32> to vector<16xf32>
    %swap3A_94 = vector.shape_cast %broadcast_in_dim3A_15 : vector<16xf32> to vector<16xf32>
    tpu.vector_store %arg7[%swap3A_91], %swap3A_94 {strides = array<i32>} : memref<384xf32, #tpu.memory_space<vmem>>, vector<16xf32>,
    %swap3A_95 = arith.constant 320 : index
    %swap3A_96 = tpu.vector_load %arg7[%swap3A_95] {strides = array<i32>} : memref<384xf32, #tpu.memory_space<vmem>>, vector<16xf32>,
    %swap3A_97 = vector.shape_cast %swap3A_96 : vector<16xf32> to vector<16xf32>
    %swap3A_98 = vector.shape_cast %broadcast_in_dim3A_15 : vector<16xf32> to vector<16xf32>
    tpu.vector_store %arg7[%swap3A_95], %swap3A_98 {strides = array<i32>} : memref<384xf32, #tpu.memory_space<vmem>>, vector<16xf32>,
    %swap3A_99 = arith.constant 336 : index
    %swap3A_100 = tpu.vector_load %arg7[%swap3A_99] {strides = array<i32>} : memref<384xf32, #tpu.memory_space<vmem>>, vector<16xf32>,
    %swap3A_101 = vector.shape_cast %swap3A_100 : vector<16xf32> to vector<16xf32>
    %swap3A_102 = vector.shape_cast %broadcast_in_dim3A_15 : vector<16xf32> to vector<16xf32>
    tpu.vector_store %arg7[%swap3A_99], %swap3A_102 {strides = array<i32>} : memref<384xf32, #tpu.memory_space<vmem>>, vector<16xf32>,
    %swap3A_103 = arith.constant 352 : index
    %swap3A_104 = tpu.vector_load %arg7[%swap3A_103] {strides = array<i32>} : memref<384xf32, #tpu.memory_space<vmem>>, vector<16xf32>,
    %swap3A_105 = vector.shape_cast %swap3A_104 : vector<16xf32> to vector<16xf32>
    %swap3A_106 = vector.shape_cast %broadcast_in_dim3A_15 : vector<16xf32> to vector<16xf32>
    tpu.vector_store %arg7[%swap3A_103], %swap3A_106 {strides = array<i32>} : memref<384xf32, #tpu.memory_space<vmem>>, vector<16xf32>,
    %swap3A_107 = arith.constant 368 : index
    %swap3A_108 = tpu.vector_load %arg7[%swap3A_107] {strides = array<i32>} : memref<384xf32, #tpu.memory_space<vmem>>, vector<16xf32>,
    %swap3A_109 = vector.shape_cast %swap3A_108 : vector<16xf32> to vector<16xf32>
    %swap3A_110 = vector.shape_cast %broadcast_in_dim3A_15 : vector<16xf32> to vector<16xf32>
    tpu.vector_store %arg7[%swap3A_107], %swap3A_110 {strides = array<i32>} : memref<384xf32, #tpu.memory_space<vmem>>, vector<16xf32>,
    %scan3A = arith.constant 0 : i32
    %scan3A_111 = arith.constant 0 : i32
    %scan3A_112 = arith.constant 13 : i32
    %scan3A_113 = arith.addi %scan3A_111, %scan3A_112 : i32
    %scan3A_114 = arith.constant 1 : i32
    %scan3A_115 = scf.for %scan3A_117 = %scan3A_111 to %scan3A_113 step %scan3A_114 iter_args(%scan3A_118 = %scan3A) -> (i32)  : i32 {
      %add3A_119 = arith.constant 1 : i32
      %add3A_120 = arith.addi %scan3A_117, %add3A_119 : i32
      %lt3A = arith.constant 13 : i32
      %lt3A_121 = arith.cmpi slt, %add3A_120, %lt3A : i32
      %convert_element_type3A = arith.extui %lt3A_121 : i1 to i32
      %cond3A = arith.constant 0 : i32
      %cond3A_122 = arith.cmpi ne, %convert_element_type3A, %cond3A : i32
      scf.if %cond3A_122 {
        %add3A_143 = arith.constant 1 : i32
        %add3A_144 = arith.addi %scan3A_117, %add3A_143 : i32
        %rem3A_145 = arith.constant 2 : i32
        %rem3A_146 = arith.remsi %add3A_144, %rem3A_145 : i32
        %add3A_147 = arith.constant 1 : i32
        %add3A_148 = arith.addi %scan3A_117, %add3A_147 : i32
        %mul3A_149 = arith.constant 400 : i32
        %mul3A_150 = arith.muli %add3A_148, %mul3A_149 : i32
        %add3A_151 = arith.addi %mul3A_2, %mul3A_150 : i32
        %mul3A_152 = arith.constant 400 : i32
        %mul3A_153 = arith.muli %rem3A_146, %mul3A_152 : i32
        %dma_start3A_154 = arith.constant 0 : i32
        %dma_start3A_155 = tpu.memref_slice %arg5[%mul3A_153, %dma_start3A_154] : memref<800x128xf32, #tpu.memory_space<vmem>> -> memref<400x128xf32, #tpu.memory_space<vmem>>
        %dma_start3A_156 = arith.constant 0 : i32
        %dma_start3A_157 = tpu.memref_slice %arg2[%add3A_151, %dma_start3A_156] : memref<320000x128xf32, #tpu.memory_space<hbm>> -> memref<400x128xf32, #tpu.memory_space<hbm>>
        %dma_start3A_158 = arith.constant 0 : i32
        %dma_start3A_159 = tpu.memref_slice %arg5[%mul3A_153, %dma_start3A_158] : memref<800x128xf32, #tpu.memory_space<vmem>> -> memref<400x128xf32, #tpu.memory_space<vmem>>
        %dma_start3A_160 = arith.constant 0 : i32
        %dma_start3A_161 = tpu.memref_slice %arg2[%add3A_151, %dma_start3A_160] : memref<320000x128xf32, #tpu.memory_space<hbm>> -> memref<400x128xf32, #tpu.memory_space<hbm>>
        tpu.enqueue_dma source(%dma_start3A_161 : memref<400x128xf32, #tpu.memory_space<hbm>>) target(%dma_start3A_159 : memref<400x128xf32, #tpu.memory_space<vmem>>) target_semaphore(%arg8 : memref<!tpu.dma_semaphore, #tpu.memory_space<semaphore_mem>>)
      } else {
      }
      %dma_wait3A_123 = arith.constant 0 : i32
      %dma_wait3A_124 = arith.constant 0 : i32
      %dma_wait3A_125 = tpu.memref_slice %arg5[%dma_wait3A_123, %dma_wait3A_124] : memref<800x128xf32, #tpu.memory_space<vmem>> -> memref<400x128xf32, #tpu.memory_space<vmem>>
      %dma_wait3A_126 = arith.constant 0 : i32
      %dma_wait3A_127 = arith.constant 0 : i32
      %dma_wait3A_128 = tpu.memref_slice %arg2[%dma_wait3A_126, %dma_wait3A_127] : memref<320000x128xf32, #tpu.memory_space<hbm>> -> memref<400x128xf32, #tpu.memory_space<hbm>>
      %dma_wait3A_129 = arith.constant 0 : i32
      %dma_wait3A_130 = arith.constant 0 : i32
      %dma_wait3A_131 = tpu.memref_slice %arg5[%dma_wait3A_129, %dma_wait3A_130] : memref<800x128xf32, #tpu.memory_space<vmem>> -> memref<400x128xf32, #tpu.memory_space<vmem>>
      %dma_wait3A_132 = arith.constant 0 : i32
      %dma_wait3A_133 = arith.constant 0 : i32
      %dma_wait3A_134 = tpu.memref_slice %arg2[%dma_wait3A_132, %dma_wait3A_133] : memref<320000x128xf32, #tpu.memory_space<hbm>> -> memref<400x128xf32, #tpu.memory_space<hbm>>
      tpu.wait_dma2 semaphore(%arg8 : memref<!tpu.dma_semaphore, #tpu.memory_space<semaphore_mem>>) src(%dma_wait3A_134 : memref<400x128xf32, #tpu.memory_space<hbm>>) dst(%dma_wait3A_131 : memref<400x128xf32, #tpu.memory_space<vmem>>)
      %rem3A = arith.constant 2 : i32
      %rem3A_135 = arith.remsi %scan3A_117, %rem3A : i32
      %mul3A_136 = arith.constant 400 : i32
      %mul3A_137 = arith.muli %rem3A_135, %mul3A_136 : i32
      %mul3A_138 = arith.constant 400 : i32
      %mul3A_139 = arith.muli %scan3A_117, %mul3A_138 : i32
      %parallel_loop3A = arith.constant 0 : i32
      %parallel_loop3A_140 = arith.constant 25 : i32
      %parallel_loop3A_141 = arith.constant 1 : i32
      %parallel_loop3A_142 = scf.for %parallel_loop3A_143 = %parallel_loop3A to %parallel_loop3A_140 step %parallel_loop3A_141 iter_args(%parallel_loop3A_144 = %scan3A_118) -> (i32)  : i32 {
        %parallel_loop3A_145 = arith.constant 16 : i32
        %parallel_loop3A_146 = arith.muli %parallel_loop3A_143, %parallel_loop3A_145 : i32
        %parallel_loop3A_147 = arith.addi %mul3A_139, %parallel_loop3A_146 : i32
        %parallel_loop3A_148 = arith.index_cast %parallel_loop3A_147 : i32 to index
        %parallel_loop3A_149 = tpu.vector_load %arg6[%parallel_loop3A_148] {strides = array<i32>} : memref<5200xi32, #tpu.memory_space<vmem>>, vector<16xi32>,
        %parallel_loop3A_150 = vector.shape_cast %parallel_loop3A_149 : vector<16xi32> to vector<16xi32>
        %parallel_loop3A_151 = arith.constant 1 : i32
        %parallel_loop3A_152 = vector.broadcast %parallel_loop3A_151 : i32 to vector<16xi32>
        %parallel_loop3A_153 = arith.minsi %parallel_loop3A_150, %parallel_loop3A_152 : vector<16xi32>
        %parallel_loop3A_154 = arith.constant 1 : i32
        %parallel_loop3A_155 = vector.broadcast %parallel_loop3A_154 : i32 to vector<16xi32>
        %parallel_loop3A_156 = arith.subi %parallel_loop3A_155, %parallel_loop3A_153 : vector<16xi32>
        %parallel_loop3A_157 = arith.sitofp %parallel_loop3A_156 : vector<16xi32> to vector<16xf32>
        %parallel_loop3A_158 = arith.constant 1 : i32
        %parallel_loop3A_159 = vector.broadcast %parallel_loop3A_158 : i32 to vector<16xi32>
        %parallel_loop3A_160 = arith.andi %parallel_loop3A_150, %parallel_loop3A_159 : vector<16xi32>
        %parallel_loop3A_161 = arith.sitofp %parallel_loop3A_160 : vector<16xi32> to vector<16xf32>
        %parallel_loop3A_162 = arith.constant 0 : i32
        %parallel_loop3A_163 = vector.broadcast %parallel_loop3A_162 : i32 to vector<16xi32>
        %parallel_loop3A_164 = vector.shape_cast %parallel_loop3A_163 : vector<16xi32> to vector<16x1xi32>
        %parallel_loop3A_165 = vector.shape_cast %parallel_loop3A_164 : vector<16x1xi32> to vector<16xi32>
        %parallel_loop3A_166 = tpu.dynamic_gather %parallel_loop3A_157[%parallel_loop3A_165] in [0] : vector<16xf32>, vector<16xi32> -> vector<16xf32>
        %parallel_loop3A_167 = vector.shape_cast %parallel_loop3A_163 : vector<16xi32> to vector<16x1xi32>
        %parallel_loop3A_168 = vector.shape_cast %parallel_loop3A_167 : vector<16x1xi32> to vector<16xi32>
        %parallel_loop3A_169 = tpu.dynamic_gather %parallel_loop3A_161[%parallel_loop3A_168] in [0] : vector<16xf32>, vector<16xi32> -> vector<16xf32>
        %parallel_loop3A_170 = arith.constant 16 : i32
        %parallel_loop3A_171 = arith.muli %parallel_loop3A_143, %parallel_loop3A_170 : i32
        %parallel_loop3A_172 = arith.addi %mul3A_137, %parallel_loop3A_171 : i32
        %parallel_loop3A_173 = arith.constant 0 : i32
        %parallel_loop3A_174 = arith.addi %parallel_loop3A_172, %parallel_loop3A_173 : i32
        %parallel_loop3A_175 = arith.index_cast %parallel_loop3A_174 : i32 to index
        %parallel_loop3A_176 = arith.constant 0 : index
        %parallel_loop3A_177 = tpu.vector_load %arg5[%parallel_loop3A_175, %parallel_loop3A_176] {strides = array<i32>} : memref<800x128xf32, #tpu.memory_space<vmem>>, vector<1x16xf32>,
        %parallel_loop3A_178 = vector.shape_cast %parallel_loop3A_177 : vector<1x16xf32> to vector<16xf32>
        %parallel_loop3A_179 = arith.mulf %parallel_loop3A_178, %parallel_loop3A_166 : vector<16xf32>
        %parallel_loop3A_180 = arith.mulf %parallel_loop3A_178, %parallel_loop3A_169 : vector<16xf32>
        %parallel_loop3A_181 = arith.index_cast %parallel_loop3A_174 : i32 to index
        %parallel_loop3A_182 = arith.constant 16 : index
        %parallel_loop3A_183 = tpu.vector_load %arg5[%parallel_loop3A_181, %parallel_loop3A_182] {strides = array<i32>} : memref<800x128xf32, #tpu.memory_space<vmem>>, vector<1x16xf32>,
        %parallel_loop3A_184 = vector.shape_cast %parallel_loop3A_183 : vector<1x16xf32> to vector<16xf32>
        %parallel_loop3A_185 = arith.mulf %parallel_loop3A_184, %parallel_loop3A_166 : vector<16xf32>
        %parallel_loop3A_186 = arith.mulf %parallel_loop3A_184, %parallel_loop3A_169 : vector<16xf32>
        %parallel_loop3A_187 = arith.index_cast %parallel_loop3A_174 : i32 to index
        %parallel_loop3A_188 = arith.constant 32 : index
        %parallel_loop3A_189 = tpu.vector_load %arg5[%parallel_loop3A_187, %parallel_loop3A_188] {strides = array<i32>} : memref<800x128xf32, #tpu.memory_space<vmem>>, vector<1x16xf32>,
        %parallel_loop3A_190 = vector.shape_cast %parallel_loop3A_189 : vector<1x16xf32> to vector<16xf32>
        %parallel_loop3A_191 = arith.mulf %parallel_loop3A_190, %parallel_loop3A_166 : vector<16xf32>
        %parallel_loop3A_192 = arith.mulf %parallel_loop3A_190, %parallel_loop3A_169 : vector<16xf32>
        %parallel_loop3A_193 = arith.index_cast %parallel_loop3A_174 : i32 to index
        %parallel_loop3A_194 = arith.constant 48 : index
        %parallel_loop3A_195 = tpu.vector_load %arg5[%parallel_loop3A_193, %parallel_loop3A_194] {strides = array<i32>} : memref<800x128xf32, #tpu.memory_space<vmem>>, vector<1x16xf32>,
        %parallel_loop3A_196 = vector.shape_cast %parallel_loop3A_195 : vector<1x16xf32> to vector<16xf32>
        %parallel_loop3A_197 = arith.mulf %parallel_loop3A_196, %parallel_loop3A_166 : vector<16xf32>
        %parallel_loop3A_198 = arith.mulf %parallel_loop3A_196, %parallel_loop3A_169 : vector<16xf32>
        %parallel_loop3A_199 = arith.index_cast %parallel_loop3A_174 : i32 to index
        %parallel_loop3A_200 = arith.constant 64 : index
        %parallel_loop3A_201 = tpu.vector_load %arg5[%parallel_loop3A_199, %parallel_loop3A_200] {strides = array<i32>} : memref<800x128xf32, #tpu.memory_space<vmem>>, vector<1x16xf32>,
        %parallel_loop3A_202 = vector.shape_cast %parallel_loop3A_201 : vector<1x16xf32> to vector<16xf32>
        %parallel_loop3A_203 = arith.mulf %parallel_loop3A_202, %parallel_loop3A_166 : vector<16xf32>
        %parallel_loop3A_204 = arith.mulf %parallel_loop3A_202, %parallel_loop3A_169 : vector<16xf32>
        %parallel_loop3A_205 = arith.index_cast %parallel_loop3A_174 : i32 to index
        %parallel_loop3A_206 = arith.constant 80 : index
        %parallel_loop3A_207 = tpu.vector_load %arg5[%parallel_loop3A_205, %parallel_loop3A_206] {strides = array<i32>} : memref<800x128xf32, #tpu.memory_space<vmem>>, vector<1x16xf32>,
        %parallel_loop3A_208 = vector.shape_cast %parallel_loop3A_207 : vector<1x16xf32> to vector<16xf32>
        %parallel_loop3A_209 = arith.mulf %parallel_loop3A_208, %parallel_loop3A_166 : vector<16xf32>
        %parallel_loop3A_210 = arith.mulf %parallel_loop3A_208, %parallel_loop3A_169 : vector<16xf32>
        %parallel_loop3A_211 = arith.index_cast %parallel_loop3A_174 : i32 to index
        %parallel_loop3A_212 = arith.constant 96 : index
        %parallel_loop3A_213 = tpu.vector_load %arg5[%parallel_loop3A_211, %parallel_loop3A_212] {strides = array<i32>} : memref<800x128xf32, #tpu.memory_space<vmem>>, vector<1x16xf32>,
        %parallel_loop3A_214 = vector.shape_cast %parallel_loop3A_213 : vector<1x16xf32> to vector<16xf32>
        %parallel_loop3A_215 = arith.mulf %parallel_loop3A_214, %parallel_loop3A_166 : vector<16xf32>
        %parallel_loop3A_216 = arith.mulf %parallel_loop3A_214, %parallel_loop3A_169 : vector<16xf32>
        %parallel_loop3A_217 = arith.index_cast %parallel_loop3A_174 : i32 to index
        %parallel_loop3A_218 = arith.constant 112 : index
        %parallel_loop3A_219 = tpu.vector_load %arg5[%parallel_loop3A_217, %parallel_loop3A_218] {strides = array<i32>} : memref<800x128xf32, #tpu.memory_space<vmem>>, vector<1x16xf32>,
        %parallel_loop3A_220 = vector.shape_cast %parallel_loop3A_219 : vector<1x16xf32> to vector<16xf32>
        %parallel_loop3A_221 = arith.mulf %parallel_loop3A_220, %parallel_loop3A_166 : vector<16xf32>
        %parallel_loop3A_222 = arith.mulf %parallel_loop3A_220, %parallel_loop3A_169 : vector<16xf32>
        %parallel_loop3A_223 = arith.constant 1 : i32
        %parallel_loop3A_224 = vector.broadcast %parallel_loop3A_223 : i32 to vector<16xi32>
        %parallel_loop3A_225 = vector.shape_cast %parallel_loop3A_224 : vector<16xi32> to vector<16x1xi32>
        %parallel_loop3A_226 = vector.shape_cast %parallel_loop3A_225 : vector<16x1xi32> to vector<16xi32>
        %parallel_loop3A_227 = tpu.dynamic_gather %parallel_loop3A_157[%parallel_loop3A_226] in [0] : vector<16xf32>, vector<16xi32> -> vector<16xf32>
        %parallel_loop3A_228 = vector.shape_cast %parallel_loop3A_224 : vector<16xi32> to vector<16x1xi32>
        %parallel_loop3A_229 = vector.shape_cast %parallel_loop3A_228 : vector<16x1xi32> to vector<16xi32>
        %parallel_loop3A_230 = tpu.dynamic_gather %parallel_loop3A_161[%parallel_loop3A_229] in [0] : vector<16xf32>, vector<16xi32> -> vector<16xf32>
        %parallel_loop3A_231 = arith.constant 16 : i32
        %parallel_loop3A_232 = arith.muli %parallel_loop3A_143, %parallel_loop3A_231 : i32
        %parallel_loop3A_233 = arith.addi %mul3A_137, %parallel_loop3A_232 : i32
        %parallel_loop3A_234 = arith.constant 1 : i32
        %parallel_loop3A_235 = arith.addi %parallel_loop3A_233, %parallel_loop3A_234 : i32
        %parallel_loop3A_236 = arith.index_cast %parallel_loop3A_235 : i32 to index
        %parallel_loop3A_237 = arith.constant 0 : index
        %parallel_loop3A_238 = tpu.vector_load %arg5[%parallel_loop3A_236, %parallel_loop3A_237] {strides = array<i32>} : memref<800x128xf32, #tpu.memory_space<vmem>>, vector<1x16xf32>,
        %parallel_loop3A_239 = vector.shape_cast %parallel_loop3A_238 : vector<1x16xf32> to vector<16xf32>
        %parallel_loop3A_240 = arith.addf %parallel_loop3A_178, %parallel_loop3A_239 : vector<16xf32>
        %parallel_loop3A_241 = arith.mulf %parallel_loop3A_239, %parallel_loop3A_227 : vector<16xf32>
        %parallel_loop3A_242 = arith.addf %parallel_loop3A_179, %parallel_loop3A_241 : vector<16xf32>
        %parallel_loop3A_243 = arith.mulf %parallel_loop3A_239, %parallel_loop3A_230 : vector<16xf32>
        %parallel_loop3A_244 = arith.addf %parallel_loop3A_180, %parallel_loop3A_243 : vector<16xf32>
        %parallel_loop3A_245 = arith.index_cast %parallel_loop3A_235 : i32 to index
        %parallel_loop3A_246 = arith.constant 16 : index
        %parallel_loop3A_247 = tpu.vector_load %arg5[%parallel_loop3A_245, %parallel_loop3A_246] {strides = array<i32>} : memref<800x128xf32, #tpu.memory_space<vmem>>, vector<1x16xf32>,
        %parallel_loop3A_248 = vector.shape_cast %parallel_loop3A_247 : vector<1x16xf32> to vector<16xf32>
        %parallel_loop3A_249 = arith.addf %parallel_loop3A_184, %parallel_loop3A_248 : vector<16xf32>
        %parallel_loop3A_250 = arith.mulf %parallel_loop3A_248, %parallel_loop3A_227 : vector<16xf32>
        %parallel_loop3A_251 = arith.addf %parallel_loop3A_185, %parallel_loop3A_250 : vector<16xf32>
        %parallel_loop3A_252 = arith.mulf %parallel_loop3A_248, %parallel_loop3A_230 : vector<16xf32>
        %parallel_loop3A_253 = arith.addf %parallel_loop3A_186, %parallel_loop3A_252 : vector<16xf32>
        %parallel_loop3A_254 = arith.index_cast %parallel_loop3A_235 : i32 to index
        %parallel_loop3A_255 = arith.constant 32 : index
        %parallel_loop3A_256 = tpu.vector_load %arg5[%parallel_loop3A_254, %parallel_loop3A_255] {strides = array<i32>} : memref<800x128xf32, #tpu.memory_space<vmem>>, vector<1x16xf32>,
        %parallel_loop3A_257 = vector.shape_cast %parallel_loop3A_256 : vector<1x16xf32> to vector<16xf32>
        %parallel_loop3A_258 = arith.addf %parallel_loop3A_190, %parallel_loop3A_257 : vector<16xf32>
        %parallel_loop3A_259 = arith.mulf %parallel_loop3A_257, %parallel_loop3A_227 : vector<16xf32>
        %parallel_loop3A_260 = arith.addf %parallel_loop3A_191, %parallel_loop3A_259 : vector<16xf32>
        %parallel_loop3A_261 = arith.mulf %parallel_loop3A_257, %parallel_loop3A_230 : vector<16xf32>
        %parallel_loop3A_262 = arith.addf %parallel_loop3A_192, %parallel_loop3A_261 : vector<16xf32>
        %parallel_loop3A_263 = arith.index_cast %parallel_loop3A_235 : i32 to index
        %parallel_loop3A_264 = arith.constant 48 : index
        %parallel_loop3A_265 = tpu.vector_load %arg5[%parallel_loop3A_263, %parallel_loop3A_264] {strides = array<i32>} : memref<800x128xf32, #tpu.memory_space<vmem>>, vector<1x16xf32>,
        %parallel_loop3A_266 = vector.shape_cast %parallel_loop3A_265 : vector<1x16xf32> to vector<16xf32>
        %parallel_loop3A_267 = arith.addf %parallel_loop3A_196, %parallel_loop3A_266 : vector<16xf32>
        %parallel_loop3A_268 = arith.mulf %parallel_loop3A_266, %parallel_loop3A_227 : vector<16xf32>
        %parallel_loop3A_269 = arith.addf %parallel_loop3A_197, %parallel_loop3A_268 : vector<16xf32>
        %parallel_loop3A_270 = arith.mulf %parallel_loop3A_266, %parallel_loop3A_230 : vector<16xf32>
        %parallel_loop3A_271 = arith.addf %parallel_loop3A_198, %parallel_loop3A_270 : vector<16xf32>
        %parallel_loop3A_272 = arith.index_cast %parallel_loop3A_235 : i32 to index
        %parallel_loop3A_273 = arith.constant 64 : index
        %parallel_loop3A_274 = tpu.vector_load %arg5[%parallel_loop3A_272, %parallel_loop3A_273] {strides = array<i32>} : memref<800x128xf32, #tpu.memory_space<vmem>>, vector<1x16xf32>,
        %parallel_loop3A_275 = vector.shape_cast %parallel_loop3A_274 : vector<1x16xf32> to vector<16xf32>
        %parallel_loop3A_276 = arith.addf %parallel_loop3A_202, %parallel_loop3A_275 : vector<16xf32>
        %parallel_loop3A_277 = arith.mulf %parallel_loop3A_275, %parallel_loop3A_227 : vector<16xf32>
        %parallel_loop3A_278 = arith.addf %parallel_loop3A_203, %parallel_loop3A_277 : vector<16xf32>
        %parallel_loop3A_279 = arith.mulf %parallel_loop3A_275, %parallel_loop3A_230 : vector<16xf32>
        %parallel_loop3A_280 = arith.addf %parallel_loop3A_204, %parallel_loop3A_279 : vector<16xf32>
        %parallel_loop3A_281 = arith.index_cast %parallel_loop3A_235 : i32 to index
        %parallel_loop3A_282 = arith.constant 80 : index
        %parallel_loop3A_283 = tpu.vector_load %arg5[%parallel_loop3A_281, %parallel_loop3A_282] {strides = array<i32>} : memref<800x128xf32, #tpu.memory_space<vmem>>, vector<1x16xf32>,
        %parallel_loop3A_284 = vector.shape_cast %parallel_loop3A_283 : vector<1x16xf32> to vector<16xf32>
        %parallel_loop3A_285 = arith.addf %parallel_loop3A_208, %parallel_loop3A_284 : vector<16xf32>
        %parallel_loop3A_286 = arith.mulf %parallel_loop3A_284, %parallel_loop3A_227 : vector<16xf32>
        %parallel_loop3A_287 = arith.addf %parallel_loop3A_209, %parallel_loop3A_286 : vector<16xf32>
        %parallel_loop3A_288 = arith.mulf %parallel_loop3A_284, %parallel_loop3A_230 : vector<16xf32>
        %parallel_loop3A_289 = arith.addf %parallel_loop3A_210, %parallel_loop3A_288 : vector<16xf32>
        %parallel_loop3A_290 = arith.index_cast %parallel_loop3A_235 : i32 to index
        %parallel_loop3A_291 = arith.constant 96 : index
        %parallel_loop3A_292 = tpu.vector_load %arg5[%parallel_loop3A_290, %parallel_loop3A_291] {strides = array<i32>} : memref<800x128xf32, #tpu.memory_space<vmem>>, vector<1x16xf32>,
        %parallel_loop3A_293 = vector.shape_cast %parallel_loop3A_292 : vector<1x16xf32> to vector<16xf32>
        %parallel_loop3A_294 = arith.addf %parallel_loop3A_214, %parallel_loop3A_293 : vector<16xf32>
        %parallel_loop3A_295 = arith.mulf %parallel_loop3A_293, %parallel_loop3A_227 : vector<16xf32>
        %parallel_loop3A_296 = arith.addf %parallel_loop3A_215, %parallel_loop3A_295 : vector<16xf32>
        %parallel_loop3A_297 = arith.mulf %parallel_loop3A_293, %parallel_loop3A_230 : vector<16xf32>
        %parallel_loop3A_298 = arith.addf %parallel_loop3A_216, %parallel_loop3A_297 : vector<16xf32>
        %parallel_loop3A_299 = arith.index_cast %parallel_loop3A_235 : i32 to index
        %parallel_loop3A_300 = arith.constant 112 : index
        %parallel_loop3A_301 = tpu.vector_load %arg5[%parallel_loop3A_299, %parallel_loop3A_300] {strides = array<i32>} : memref<800x128xf32, #tpu.memory_space<vmem>>, vector<1x16xf32>,
        %parallel_loop3A_302 = vector.shape_cast %parallel_loop3A_301 : vector<1x16xf32> to vector<16xf32>
        %parallel_loop3A_303 = arith.addf %parallel_loop3A_220, %parallel_loop3A_302 : vector<16xf32>
        %parallel_loop3A_304 = arith.mulf %parallel_loop3A_302, %parallel_loop3A_227 : vector<16xf32>
        %parallel_loop3A_305 = arith.addf %parallel_loop3A_221, %parallel_loop3A_304 : vector<16xf32>
        %parallel_loop3A_306 = arith.mulf %parallel_loop3A_302, %parallel_loop3A_230 : vector<16xf32>
        %parallel_loop3A_307 = arith.addf %parallel_loop3A_222, %parallel_loop3A_306 : vector<16xf32>
        %parallel_loop3A_308 = arith.constant 2 : i32
        %parallel_loop3A_309 = vector.broadcast %parallel_loop3A_308 : i32 to vector<16xi32>
        %parallel_loop3A_310 = vector.shape_cast %parallel_loop3A_309 : vector<16xi32> to vector<16x1xi32>
        %parallel_loop3A_311 = vector.shape_cast %parallel_loop3A_310 : vector<16x1xi32> to vector<16xi32>
        %parallel_loop3A_312 = tpu.dynamic_gather %parallel_loop3A_157[%parallel_loop3A_311] in [0] : vector<16xf32>, vector<16xi32> -> vector<16xf32>
        %parallel_loop3A_313 = vector.shape_cast %parallel_loop3A_309 : vector<16xi32> to vector<16x1xi32>
        %parallel_loop3A_314 = vector.shape_cast %parallel_loop3A_313 : vector<16x1xi32> to vector<16xi32>
        %parallel_loop3A_315 = tpu.dynamic_gather %parallel_loop3A_161[%parallel_loop3A_314] in [0] : vector<16xf32>, vector<16xi32> -> vector<16xf32>
        %parallel_loop3A_316 = arith.constant 16 : i32
        %parallel_loop3A_317 = arith.muli %parallel_loop3A_143, %parallel_loop3A_316 : i32
        %parallel_loop3A_318 = arith.addi %mul3A_137, %parallel_loop3A_317 : i32
        %parallel_loop3A_319 = arith.constant 2 : i32
        %parallel_loop3A_320 = arith.addi %parallel_loop3A_318, %parallel_loop3A_319 : i32
        %parallel_loop3A_321 = arith.index_cast %parallel_loop3A_320 : i32 to index
        %parallel_loop3A_322 = arith.constant 0 : index
        %parallel_loop3A_323 = tpu.vector_load %arg5[%parallel_loop3A_321, %parallel_loop3A_322] {strides = array<i32>} : memref<800x128xf32, #tpu.memory_space<vmem>>, vector<1x16xf32>,
        %parallel_loop3A_324 = vector.shape_cast %parallel_loop3A_323 : vector<1x16xf32> to vector<16xf32>
        %parallel_loop3A_325 = arith.addf %parallel_loop3A_240, %parallel_loop3A_324 : vector<16xf32>
        %parallel_loop3A_326 = arith.mulf %parallel_loop3A_324, %parallel_loop3A_312 : vector<16xf32>
        %parallel_loop3A_327 = arith.addf %parallel_loop3A_242, %parallel_loop3A_326 : vector<16xf32>
        %parallel_loop3A_328 = arith.mulf %parallel_loop3A_324, %parallel_loop3A_315 : vector<16xf32>
        %parallel_loop3A_329 = arith.addf %parallel_loop3A_244, %parallel_loop3A_328 : vector<16xf32>
        %parallel_loop3A_330 = arith.index_cast %parallel_loop3A_320 : i32 to index
        %parallel_loop3A_331 = arith.constant 16 : index
        %parallel_loop3A_332 = tpu.vector_load %arg5[%parallel_loop3A_330, %parallel_loop3A_331] {strides = array<i32>} : memref<800x128xf32, #tpu.memory_space<vmem>>, vector<1x16xf32>,
        %parallel_loop3A_333 = vector.shape_cast %parallel_loop3A_332 : vector<1x16xf32> to vector<16xf32>
        %parallel_loop3A_334 = arith.addf %parallel_loop3A_249, %parallel_loop3A_333 : vector<16xf32>
        %parallel_loop3A_335 = arith.mulf %parallel_loop3A_333, %parallel_loop3A_312 : vector<16xf32>
        %parallel_loop3A_336 = arith.addf %parallel_loop3A_251, %parallel_loop3A_335 : vector<16xf32>
        %parallel_loop3A_337 = arith.mulf %parallel_loop3A_333, %parallel_loop3A_315 : vector<16xf32>
        %parallel_loop3A_338 = arith.addf %parallel_loop3A_253, %parallel_loop3A_337 : vector<16xf32>
        %parallel_loop3A_339 = arith.index_cast %parallel_loop3A_320 : i32 to index
        %parallel_loop3A_340 = arith.constant 32 : index
        %parallel_loop3A_341 = tpu.vector_load %arg5[%parallel_loop3A_339, %parallel_loop3A_340] {strides = array<i32>} : memref<800x128xf32, #tpu.memory_space<vmem>>, vector<1x16xf32>,
        %parallel_loop3A_342 = vector.shape_cast %parallel_loop3A_341 : vector<1x16xf32> to vector<16xf32>
        %parallel_loop3A_343 = arith.addf %parallel_loop3A_258, %parallel_loop3A_342 : vector<16xf32>
        %parallel_loop3A_344 = arith.mulf %parallel_loop3A_342, %parallel_loop3A_312 : vector<16xf32>
        %parallel_loop3A_345 = arith.addf %parallel_loop3A_260, %parallel_loop3A_344 : vector<16xf32>
        %parallel_loop3A_346 = arith.mulf %parallel_loop3A_342, %parallel_loop3A_315 : vector<16xf32>
        %parallel_loop3A_347 = arith.addf %parallel_loop3A_262, %parallel_loop3A_346 : vector<16xf32>
        %parallel_loop3A_348 = arith.index_cast %parallel_loop3A_320 : i32 to index
        %parallel_loop3A_349 = arith.constant 48 : index
        %parallel_loop3A_350 = tpu.vector_load %arg5[%parallel_loop3A_348, %parallel_loop3A_349] {strides = array<i32>} : memref<800x128xf32, #tpu.memory_space<vmem>>, vector<1x16xf32>,
        %parallel_loop3A_351 = vector.shape_cast %parallel_loop3A_350 : vector<1x16xf32> to vector<16xf32>
        %parallel_loop3A_352 = arith.addf %parallel_loop3A_267, %parallel_loop3A_351 : vector<16xf32>
        %parallel_loop3A_353 = arith.mulf %parallel_loop3A_351, %parallel_loop3A_312 : vector<16xf32>
        %parallel_loop3A_354 = arith.addf %parallel_loop3A_269, %parallel_loop3A_353 : vector<16xf32>
        %parallel_loop3A_355 = arith.mulf %parallel_loop3A_351, %parallel_loop3A_315 : vector<16xf32>
        %parallel_loop3A_356 = arith.addf %parallel_loop3A_271, %parallel_loop3A_355 : vector<16xf32>
        %parallel_loop3A_357 = arith.index_cast %parallel_loop3A_320 : i32 to index
        %parallel_loop3A_358 = arith.constant 64 : index
        %parallel_loop3A_359 = tpu.vector_load %arg5[%parallel_loop3A_357, %parallel_loop3A_358] {strides = array<i32>} : memref<800x128xf32, #tpu.memory_space<vmem>>, vector<1x16xf32>,
        %parallel_loop3A_360 = vector.shape_cast %parallel_loop3A_359 : vector<1x16xf32> to vector<16xf32>
        %parallel_loop3A_361 = arith.addf %parallel_loop3A_276, %parallel_loop3A_360 : vector<16xf32>
        %parallel_loop3A_362 = arith.mulf %parallel_loop3A_360, %parallel_loop3A_312 : vector<16xf32>
        %parallel_loop3A_363 = arith.addf %parallel_loop3A_278, %parallel_loop3A_362 : vector<16xf32>
        %parallel_loop3A_364 = arith.mulf %parallel_loop3A_360, %parallel_loop3A_315 : vector<16xf32>
        %parallel_loop3A_365 = arith.addf %parallel_loop3A_280, %parallel_loop3A_364 : vector<16xf32>
        %parallel_loop3A_366 = arith.index_cast %parallel_loop3A_320 : i32 to index
        %parallel_loop3A_367 = arith.constant 80 : index
        %parallel_loop3A_368 = tpu.vector_load %arg5[%parallel_loop3A_366, %parallel_loop3A_367] {strides = array<i32>} : memref<800x128xf32, #tpu.memory_space<vmem>>, vector<1x16xf32>,
        %parallel_loop3A_369 = vector.shape_cast %parallel_loop3A_368 : vector<1x16xf32> to vector<16xf32>
        %parallel_loop3A_370 = arith.addf %parallel_loop3A_285, %parallel_loop3A_369 : vector<16xf32>
        %parallel_loop3A_371 = arith.mulf %parallel_loop3A_369, %parallel_loop3A_312 : vector<16xf32>
        %parallel_loop3A_372 = arith.addf %parallel_loop3A_287, %parallel_loop3A_371 : vector<16xf32>
        %parallel_loop3A_373 = arith.mulf %parallel_loop3A_369, %parallel_loop3A_315 : vector<16xf32>
        %parallel_loop3A_374 = arith.addf %parallel_loop3A_289, %parallel_loop3A_373 : vector<16xf32>
        %parallel_loop3A_375 = arith.index_cast %parallel_loop3A_320 : i32 to index
        %parallel_loop3A_376 = arith.constant 96 : index
        %parallel_loop3A_377 = tpu.vector_load %arg5[%parallel_loop3A_375, %parallel_loop3A_376] {strides = array<i32>} : memref<800x128xf32, #tpu.memory_space<vmem>>, vector<1x16xf32>,
        %parallel_loop3A_378 = vector.shape_cast %parallel_loop3A_377 : vector<1x16xf32> to vector<16xf32>
        %parallel_loop3A_379 = arith.addf %parallel_loop3A_294, %parallel_loop3A_378 : vector<16xf32>
        %parallel_loop3A_380 = arith.mulf %parallel_loop3A_378, %parallel_loop3A_312 : vector<16xf32>
        %parallel_loop3A_381 = arith.addf %parallel_loop3A_296, %parallel_loop3A_380 : vector<16xf32>
        %parallel_loop3A_382 = arith.mulf %parallel_loop3A_378, %parallel_loop3A_315 : vector<16xf32>
        %parallel_loop3A_383 = arith.addf %parallel_loop3A_298, %parallel_loop3A_382 : vector<16xf32>
        %parallel_loop3A_384 = arith.index_cast %parallel_loop3A_320 : i32 to index
        %parallel_loop3A_385 = arith.constant 112 : index
        %parallel_loop3A_386 = tpu.vector_load %arg5[%parallel_loop3A_384, %parallel_loop3A_385] {strides = array<i32>} : memref<800x128xf32, #tpu.memory_space<vmem>>, vector<1x16xf32>,
        %parallel_loop3A_387 = vector.shape_cast %parallel_loop3A_386 : vector<1x16xf32> to vector<16xf32>
        %parallel_loop3A_388 = arith.addf %parallel_loop3A_303, %parallel_loop3A_387 : vector<16xf32>
        %parallel_loop3A_389 = arith.mulf %parallel_loop3A_387, %parallel_loop3A_312 : vector<16xf32>
        %parallel_loop3A_390 = arith.addf %parallel_loop3A_305, %parallel_loop3A_389 : vector<16xf32>
        %parallel_loop3A_391 = arith.mulf %parallel_loop3A_387, %parallel_loop3A_315 : vector<16xf32>
        %parallel_loop3A_392 = arith.addf %parallel_loop3A_307, %parallel_loop3A_391 : vector<16xf32>
        %parallel_loop3A_393 = arith.constant 3 : i32
        %parallel_loop3A_394 = vector.broadcast %parallel_loop3A_393 : i32 to vector<16xi32>
        %parallel_loop3A_395 = vector.shape_cast %parallel_loop3A_394 : vector<16xi32> to vector<16x1xi32>
        %parallel_loop3A_396 = vector.shape_cast %parallel_loop3A_395 : vector<16x1xi32> to vector<16xi32>
        %parallel_loop3A_397 = tpu.dynamic_gather %parallel_loop3A_157[%parallel_loop3A_396] in [0] : vector<16xf32>, vector<16xi32> -> vector<16xf32>
        %parallel_loop3A_398 = vector.shape_cast %parallel_loop3A_394 : vector<16xi32> to vector<16x1xi32>
        %parallel_loop3A_399 = vector.shape_cast %parallel_loop3A_398 : vector<16x1xi32> to vector<16xi32>
        %parallel_loop3A_400 = tpu.dynamic_gather %parallel_loop3A_161[%parallel_loop3A_399] in [0] : vector<16xf32>, vector<16xi32> -> vector<16xf32>
        %parallel_loop3A_401 = arith.constant 16 : i32
        %parallel_loop3A_402 = arith.muli %parallel_loop3A_143, %parallel_loop3A_401 : i32
        %parallel_loop3A_403 = arith.addi %mul3A_137, %parallel_loop3A_402 : i32
        %parallel_loop3A_404 = arith.constant 3 : i32
        %parallel_loop3A_405 = arith.addi %parallel_loop3A_403, %parallel_loop3A_404 : i32
        %parallel_loop3A_406 = arith.index_cast %parallel_loop3A_405 : i32 to index
        %parallel_loop3A_407 = arith.constant 0 : index
        %parallel_loop3A_408 = tpu.vector_load %arg5[%parallel_loop3A_406, %parallel_loop3A_407] {strides = array<i32>} : memref<800x128xf32, #tpu.memory_space<vmem>>, vector<1x16xf32>,
        %parallel_loop3A_409 = vector.shape_cast %parallel_loop3A_408 : vector<1x16xf32> to vector<16xf32>
        %parallel_loop3A_410 = arith.addf %parallel_loop3A_325, %parallel_loop3A_409 : vector<16xf32>
        %parallel_loop3A_411 = arith.mulf %parallel_loop3A_409, %parallel_loop3A_397 : vector<16xf32>
        %parallel_loop3A_412 = arith.addf %parallel_loop3A_327, %parallel_loop3A_411 : vector<16xf32>
        %parallel_loop3A_413 = arith.mulf %parallel_loop3A_409, %parallel_loop3A_400 : vector<16xf32>
        %parallel_loop3A_414 = arith.addf %parallel_loop3A_329, %parallel_loop3A_413 : vector<16xf32>
        %parallel_loop3A_415 = arith.index_cast %parallel_loop3A_405 : i32 to index
        %parallel_loop3A_416 = arith.constant 16 : index
        %parallel_loop3A_417 = tpu.vector_load %arg5[%parallel_loop3A_415, %parallel_loop3A_416] {strides = array<i32>} : memref<800x128xf32, #tpu.memory_space<vmem>>, vector<1x16xf32>,
        %parallel_loop3A_418 = vector.shape_cast %parallel_loop3A_417 : vector<1x16xf32> to vector<16xf32>
        %parallel_loop3A_419 = arith.addf %parallel_loop3A_334, %parallel_loop3A_418 : vector<16xf32>
        %parallel_loop3A_420 = arith.mulf %parallel_loop3A_418, %parallel_loop3A_397 : vector<16xf32>
        %parallel_loop3A_421 = arith.addf %parallel_loop3A_336, %parallel_loop3A_420 : vector<16xf32>
        %parallel_loop3A_422 = arith.mulf %parallel_loop3A_418, %parallel_loop3A_400 : vector<16xf32>
        %parallel_loop3A_423 = arith.addf %parallel_loop3A_338, %parallel_loop3A_422 : vector<16xf32>
        %parallel_loop3A_424 = arith.index_cast %parallel_loop3A_405 : i32 to index
        %parallel_loop3A_425 = arith.constant 32 : index
        %parallel_loop3A_426 = tpu.vector_load %arg5[%parallel_loop3A_424, %parallel_loop3A_425] {strides = array<i32>} : memref<800x128xf32, #tpu.memory_space<vmem>>, vector<1x16xf32>,
        %parallel_loop3A_427 = vector.shape_cast %parallel_loop3A_426 : vector<1x16xf32> to vector<16xf32>
        %parallel_loop3A_428 = arith.addf %parallel_loop3A_343, %parallel_loop3A_427 : vector<16xf32>
        %parallel_loop3A_429 = arith.mulf %parallel_loop3A_427, %parallel_loop3A_397 : vector<16xf32>
        %parallel_loop3A_430 = arith.addf %parallel_loop3A_345, %parallel_loop3A_429 : vector<16xf32>
        %parallel_loop3A_431 = arith.mulf %parallel_loop3A_427, %parallel_loop3A_400 : vector<16xf32>
        %parallel_loop3A_432 = arith.addf %parallel_loop3A_347, %parallel_loop3A_431 : vector<16xf32>
        %parallel_loop3A_433 = arith.index_cast %parallel_loop3A_405 : i32 to index
        %parallel_loop3A_434 = arith.constant 48 : index
        %parallel_loop3A_435 = tpu.vector_load %arg5[%parallel_loop3A_433, %parallel_loop3A_434] {strides = array<i32>} : memref<800x128xf32, #tpu.memory_space<vmem>>, vector<1x16xf32>,
        %parallel_loop3A_436 = vector.shape_cast %parallel_loop3A_435 : vector<1x16xf32> to vector<16xf32>
        %parallel_loop3A_437 = arith.addf %parallel_loop3A_352, %parallel_loop3A_436 : vector<16xf32>
        %parallel_loop3A_438 = arith.mulf %parallel_loop3A_436, %parallel_loop3A_397 : vector<16xf32>
        %parallel_loop3A_439 = arith.addf %parallel_loop3A_354, %parallel_loop3A_438 : vector<16xf32>
        %parallel_loop3A_440 = arith.mulf %parallel_loop3A_436, %parallel_loop3A_400 : vector<16xf32>
        %parallel_loop3A_441 = arith.addf %parallel_loop3A_356, %parallel_loop3A_440 : vector<16xf32>
        %parallel_loop3A_442 = arith.index_cast %parallel_loop3A_405 : i32 to index
        %parallel_loop3A_443 = arith.constant 64 : index
        %parallel_loop3A_444 = tpu.vector_load %arg5[%parallel_loop3A_442, %parallel_loop3A_443] {strides = array<i32>} : memref<800x128xf32, #tpu.memory_space<vmem>>, vector<1x16xf32>,
        %parallel_loop3A_445 = vector.shape_cast %parallel_loop3A_444 : vector<1x16xf32> to vector<16xf32>
        %parallel_loop3A_446 = arith.addf %parallel_loop3A_361, %parallel_loop3A_445 : vector<16xf32>
        %parallel_loop3A_447 = arith.mulf %parallel_loop3A_445, %parallel_loop3A_397 : vector<16xf32>
        %parallel_loop3A_448 = arith.addf %parallel_loop3A_363, %parallel_loop3A_447 : vector<16xf32>
        %parallel_loop3A_449 = arith.mulf %parallel_loop3A_445, %parallel_loop3A_400 : vector<16xf32>
        %parallel_loop3A_450 = arith.addf %parallel_loop3A_365, %parallel_loop3A_449 : vector<16xf32>
        %parallel_loop3A_451 = arith.index_cast %parallel_loop3A_405 : i32 to index
        %parallel_loop3A_452 = arith.constant 80 : index
        %parallel_loop3A_453 = tpu.vector_load %arg5[%parallel_loop3A_451, %parallel_loop3A_452] {strides = array<i32>} : memref<800x128xf32, #tpu.memory_space<vmem>>, vector<1x16xf32>,
        %parallel_loop3A_454 = vector.shape_cast %parallel_loop3A_453 : vector<1x16xf32> to vector<16xf32>
        %parallel_loop3A_455 = arith.addf %parallel_loop3A_370, %parallel_loop3A_454 : vector<16xf32>
        %parallel_loop3A_456 = arith.mulf %parallel_loop3A_454, %parallel_loop3A_397 : vector<16xf32>
        %parallel_loop3A_457 = arith.addf %parallel_loop3A_372, %parallel_loop3A_456 : vector<16xf32>
        %parallel_loop3A_458 = arith.mulf %parallel_loop3A_454, %parallel_loop3A_400 : vector<16xf32>
        %parallel_loop3A_459 = arith.addf %parallel_loop3A_374, %parallel_loop3A_458 : vector<16xf32>
        %parallel_loop3A_460 = arith.index_cast %parallel_loop3A_405 : i32 to index
        %parallel_loop3A_461 = arith.constant 96 : index
        %parallel_loop3A_462 = tpu.vector_load %arg5[%parallel_loop3A_460, %parallel_loop3A_461] {strides = array<i32>} : memref<800x128xf32, #tpu.memory_space<vmem>>, vector<1x16xf32>,
        %parallel_loop3A_463 = vector.shape_cast %parallel_loop3A_462 : vector<1x16xf32> to vector<16xf32>
        %parallel_loop3A_464 = arith.addf %parallel_loop3A_379, %parallel_loop3A_463 : vector<16xf32>
        %parallel_loop3A_465 = arith.mulf %parallel_loop3A_463, %parallel_loop3A_397 : vector<16xf32>
        %parallel_loop3A_466 = arith.addf %parallel_loop3A_381, %parallel_loop3A_465 : vector<16xf32>
        %parallel_loop3A_467 = arith.mulf %parallel_loop3A_463, %parallel_loop3A_400 : vector<16xf32>
        %parallel_loop3A_468 = arith.addf %parallel_loop3A_383, %parallel_loop3A_467 : vector<16xf32>
        %parallel_loop3A_469 = arith.index_cast %parallel_loop3A_405 : i32 to index
        %parallel_loop3A_470 = arith.constant 112 : index
        %parallel_loop3A_471 = tpu.vector_load %arg5[%parallel_loop3A_469, %parallel_loop3A_470] {strides = array<i32>} : memref<800x128xf32, #tpu.memory_space<vmem>>, vector<1x16xf32>,
        %parallel_loop3A_472 = vector.shape_cast %parallel_loop3A_471 : vector<1x16xf32> to vector<16xf32>
        %parallel_loop3A_473 = arith.addf %parallel_loop3A_388, %parallel_loop3A_472 : vector<16xf32>
        %parallel_loop3A_474 = arith.mulf %parallel_loop3A_472, %parallel_loop3A_397 : vector<16xf32>
        %parallel_loop3A_475 = arith.addf %parallel_loop3A_390, %parallel_loop3A_474 : vector<16xf32>
        %parallel_loop3A_476 = arith.mulf %parallel_loop3A_472, %parallel_loop3A_400 : vector<16xf32>
        %parallel_loop3A_477 = arith.addf %parallel_loop3A_392, %parallel_loop3A_476 : vector<16xf32>
        %parallel_loop3A_478 = arith.constant 4 : i32
        %parallel_loop3A_479 = vector.broadcast %parallel_loop3A_478 : i32 to vector<16xi32>
        %parallel_loop3A_480 = vector.shape_cast %parallel_loop3A_479 : vector<16xi32> to vector<16x1xi32>
        %parallel_loop3A_481 = vector.shape_cast %parallel_loop3A_480 : vector<16x1xi32> to vector<16xi32>
        %parallel_loop3A_482 = tpu.dynamic_gather %parallel_loop3A_157[%parallel_loop3A_481] in [0] : vector<16xf32>, vector<16xi32> -> vector<16xf32>
        %parallel_loop3A_483 = vector.shape_cast %parallel_loop3A_479 : vector<16xi32> to vector<16x1xi32>
        %parallel_loop3A_484 = vector.shape_cast %parallel_loop3A_483 : vector<16x1xi32> to vector<16xi32>
        %parallel_loop3A_485 = tpu.dynamic_gather %parallel_loop3A_161[%parallel_loop3A_484] in [0] : vector<16xf32>, vector<16xi32> -> vector<16xf32>
        %parallel_loop3A_486 = arith.constant 16 : i32
        %parallel_loop3A_487 = arith.muli %parallel_loop3A_143, %parallel_loop3A_486 : i32
        %parallel_loop3A_488 = arith.addi %mul3A_137, %parallel_loop3A_487 : i32
        %parallel_loop3A_489 = arith.constant 4 : i32
        %parallel_loop3A_490 = arith.addi %parallel_loop3A_488, %parallel_loop3A_489 : i32
        %parallel_loop3A_491 = arith.index_cast %parallel_loop3A_490 : i32 to index
        %parallel_loop3A_492 = arith.constant 0 : index
        %parallel_loop3A_493 = tpu.vector_load %arg5[%parallel_loop3A_491, %parallel_loop3A_492] {strides = array<i32>} : memref<800x128xf32, #tpu.memory_space<vmem>>, vector<1x16xf32>,
        %parallel_loop3A_494 = vector.shape_cast %parallel_loop3A_493 : vector<1x16xf32> to vector<16xf32>
        %parallel_loop3A_495 = arith.addf %parallel_loop3A_410, %parallel_loop3A_494 : vector<16xf32>
        %parallel_loop3A_496 = arith.mulf %parallel_loop3A_494, %parallel_loop3A_482 : vector<16xf32>
        %parallel_loop3A_497 = arith.addf %parallel_loop3A_412, %parallel_loop3A_496 : vector<16xf32>
        %parallel_loop3A_498 = arith.mulf %parallel_loop3A_494, %parallel_loop3A_485 : vector<16xf32>
        %parallel_loop3A_499 = arith.addf %parallel_loop3A_414, %parallel_loop3A_498 : vector<16xf32>
        %parallel_loop3A_500 = arith.index_cast %parallel_loop3A_490 : i32 to index
        %parallel_loop3A_501 = arith.constant 16 : index
        %parallel_loop3A_502 = tpu.vector_load %arg5[%parallel_loop3A_500, %parallel_loop3A_501] {strides = array<i32>} : memref<800x128xf32, #tpu.memory_space<vmem>>, vector<1x16xf32>,
        %parallel_loop3A_503 = vector.shape_cast %parallel_loop3A_502 : vector<1x16xf32> to vector<16xf32>
        %parallel_loop3A_504 = arith.addf %parallel_loop3A_419, %parallel_loop3A_503 : vector<16xf32>
        %parallel_loop3A_505 = arith.mulf %parallel_loop3A_503, %parallel_loop3A_482 : vector<16xf32>
        %parallel_loop3A_506 = arith.addf %parallel_loop3A_421, %parallel_loop3A_505 : vector<16xf32>
        %parallel_loop3A_507 = arith.mulf %parallel_loop3A_503, %parallel_loop3A_485 : vector<16xf32>
        %parallel_loop3A_508 = arith.addf %parallel_loop3A_423, %parallel_loop3A_507 : vector<16xf32>
        %parallel_loop3A_509 = arith.index_cast %parallel_loop3A_490 : i32 to index
        %parallel_loop3A_510 = arith.constant 32 : index
        %parallel_loop3A_511 = tpu.vector_load %arg5[%parallel_loop3A_509, %parallel_loop3A_510] {strides = array<i32>} : memref<800x128xf32, #tpu.memory_space<vmem>>, vector<1x16xf32>,
        %parallel_loop3A_512 = vector.shape_cast %parallel_loop3A_511 : vector<1x16xf32> to vector<16xf32>
        %parallel_loop3A_513 = arith.addf %parallel_loop3A_428, %parallel_loop3A_512 : vector<16xf32>
        %parallel_loop3A_514 = arith.mulf %parallel_loop3A_512, %parallel_loop3A_482 : vector<16xf32>
        %parallel_loop3A_515 = arith.addf %parallel_loop3A_430, %parallel_loop3A_514 : vector<16xf32>
        %parallel_loop3A_516 = arith.mulf %parallel_loop3A_512, %parallel_loop3A_485 : vector<16xf32>
        %parallel_loop3A_517 = arith.addf %parallel_loop3A_432, %parallel_loop3A_516 : vector<16xf32>
        %parallel_loop3A_518 = arith.index_cast %parallel_loop3A_490 : i32 to index
        %parallel_loop3A_519 = arith.constant 48 : index
        %parallel_loop3A_520 = tpu.vector_load %arg5[%parallel_loop3A_518, %parallel_loop3A_519] {strides = array<i32>} : memref<800x128xf32, #tpu.memory_space<vmem>>, vector<1x16xf32>,
        %parallel_loop3A_521 = vector.shape_cast %parallel_loop3A_520 : vector<1x16xf32> to vector<16xf32>
        %parallel_loop3A_522 = arith.addf %parallel_loop3A_437, %parallel_loop3A_521 : vector<16xf32>
        %parallel_loop3A_523 = arith.mulf %parallel_loop3A_521, %parallel_loop3A_482 : vector<16xf32>
        %parallel_loop3A_524 = arith.addf %parallel_loop3A_439, %parallel_loop3A_523 : vector<16xf32>
        %parallel_loop3A_525 = arith.mulf %parallel_loop3A_521, %parallel_loop3A_485 : vector<16xf32>
        %parallel_loop3A_526 = arith.addf %parallel_loop3A_441, %parallel_loop3A_525 : vector<16xf32>
        %parallel_loop3A_527 = arith.index_cast %parallel_loop3A_490 : i32 to index
        %parallel_loop3A_528 = arith.constant 64 : index
        %parallel_loop3A_529 = tpu.vector_load %arg5[%parallel_loop3A_527, %parallel_loop3A_528] {strides = array<i32>} : memref<800x128xf32, #tpu.memory_space<vmem>>, vector<1x16xf32>,
        %parallel_loop3A_530 = vector.shape_cast %parallel_loop3A_529 : vector<1x16xf32> to vector<16xf32>
        %parallel_loop3A_531 = arith.addf %parallel_loop3A_446, %parallel_loop3A_530 : vector<16xf32>
        %parallel_loop3A_532 = arith.mulf %parallel_loop3A_530, %parallel_loop3A_482 : vector<16xf32>
        %parallel_loop3A_533 = arith.addf %parallel_loop3A_448, %parallel_loop3A_532 : vector<16xf32>
        %parallel_loop3A_534 = arith.mulf %parallel_loop3A_530, %parallel_loop3A_485 : vector<16xf32>
        %parallel_loop3A_535 = arith.addf %parallel_loop3A_450, %parallel_loop3A_534 : vector<16xf32>
        %parallel_loop3A_536 = arith.index_cast %parallel_loop3A_490 : i32 to index
        %parallel_loop3A_537 = arith.constant 80 : index
        %parallel_loop3A_538 = tpu.vector_load %arg5[%parallel_loop3A_536, %parallel_loop3A_537] {strides = array<i32>} : memref<800x128xf32, #tpu.memory_space<vmem>>, vector<1x16xf32>,
        %parallel_loop3A_539 = vector.shape_cast %parallel_loop3A_538 : vector<1x16xf32> to vector<16xf32>
        %parallel_loop3A_540 = arith.addf %parallel_loop3A_455, %parallel_loop3A_539 : vector<16xf32>
        %parallel_loop3A_541 = arith.mulf %parallel_loop3A_539, %parallel_loop3A_482 : vector<16xf32>
        %parallel_loop3A_542 = arith.addf %parallel_loop3A_457, %parallel_loop3A_541 : vector<16xf32>
        %parallel_loop3A_543 = arith.mulf %parallel_loop3A_539, %parallel_loop3A_485 : vector<16xf32>
        %parallel_loop3A_544 = arith.addf %parallel_loop3A_459, %parallel_loop3A_543 : vector<16xf32>
        %parallel_loop3A_545 = arith.index_cast %parallel_loop3A_490 : i32 to index
        %parallel_loop3A_546 = arith.constant 96 : index
        %parallel_loop3A_547 = tpu.vector_load %arg5[%parallel_loop3A_545, %parallel_loop3A_546] {strides = array<i32>} : memref<800x128xf32, #tpu.memory_space<vmem>>, vector<1x16xf32>,
        %parallel_loop3A_548 = vector.shape_cast %parallel_loop3A_547 : vector<1x16xf32> to vector<16xf32>
        %parallel_loop3A_549 = arith.addf %parallel_loop3A_464, %parallel_loop3A_548 : vector<16xf32>
        %parallel_loop3A_550 = arith.mulf %parallel_loop3A_548, %parallel_loop3A_482 : vector<16xf32>
        %parallel_loop3A_551 = arith.addf %parallel_loop3A_466, %parallel_loop3A_550 : vector<16xf32>
        %parallel_loop3A_552 = arith.mulf %parallel_loop3A_548, %parallel_loop3A_485 : vector<16xf32>
        %parallel_loop3A_553 = arith.addf %parallel_loop3A_468, %parallel_loop3A_552 : vector<16xf32>
        %parallel_loop3A_554 = arith.index_cast %parallel_loop3A_490 : i32 to index
        %parallel_loop3A_555 = arith.constant 112 : index
        %parallel_loop3A_556 = tpu.vector_load %arg5[%parallel_loop3A_554, %parallel_loop3A_555] {strides = array<i32>} : memref<800x128xf32, #tpu.memory_space<vmem>>, vector<1x16xf32>,
        %parallel_loop3A_557 = vector.shape_cast %parallel_loop3A_556 : vector<1x16xf32> to vector<16xf32>
        %parallel_loop3A_558 = arith.addf %parallel_loop3A_473, %parallel_loop3A_557 : vector<16xf32>
        %parallel_loop3A_559 = arith.mulf %parallel_loop3A_557, %parallel_loop3A_482 : vector<16xf32>
        %parallel_loop3A_560 = arith.addf %parallel_loop3A_475, %parallel_loop3A_559 : vector<16xf32>
        %parallel_loop3A_561 = arith.mulf %parallel_loop3A_557, %parallel_loop3A_485 : vector<16xf32>
        %parallel_loop3A_562 = arith.addf %parallel_loop3A_477, %parallel_loop3A_561 : vector<16xf32>
        %parallel_loop3A_563 = arith.constant 5 : i32
        %parallel_loop3A_564 = vector.broadcast %parallel_loop3A_563 : i32 to vector<16xi32>
        %parallel_loop3A_565 = vector.shape_cast %parallel_loop3A_564 : vector<16xi32> to vector<16x1xi32>
        %parallel_loop3A_566 = vector.shape_cast %parallel_loop3A_565 : vector<16x1xi32> to vector<16xi32>
        %parallel_loop3A_567 = tpu.dynamic_gather %parallel_loop3A_157[%parallel_loop3A_566] in [0] : vector<16xf32>, vector<16xi32> -> vector<16xf32>
        %parallel_loop3A_568 = vector.shape_cast %parallel_loop3A_564 : vector<16xi32> to vector<16x1xi32>
        %parallel_loop3A_569 = vector.shape_cast %parallel_loop3A_568 : vector<16x1xi32> to vector<16xi32>
        %parallel_loop3A_570 = tpu.dynamic_gather %parallel_loop3A_161[%parallel_loop3A_569] in [0] : vector<16xf32>, vector<16xi32> -> vector<16xf32>
        %parallel_loop3A_571 = arith.constant 16 : i32
        %parallel_loop3A_572 = arith.muli %parallel_loop3A_143, %parallel_loop3A_571 : i32
        %parallel_loop3A_573 = arith.addi %mul3A_137, %parallel_loop3A_572 : i32
        %parallel_loop3A_574 = arith.constant 5 : i32
        %parallel_loop3A_575 = arith.addi %parallel_loop3A_573, %parallel_loop3A_574 : i32
        %parallel_loop3A_576 = arith.index_cast %parallel_loop3A_575 : i32 to index
        %parallel_loop3A_577 = arith.constant 0 : index
        %parallel_loop3A_578 = tpu.vector_load %arg5[%parallel_loop3A_576, %parallel_loop3A_577] {strides = array<i32>} : memref<800x128xf32, #tpu.memory_space<vmem>>, vector<1x16xf32>,
        %parallel_loop3A_579 = vector.shape_cast %parallel_loop3A_578 : vector<1x16xf32> to vector<16xf32>
        %parallel_loop3A_580 = arith.addf %parallel_loop3A_495, %parallel_loop3A_579 : vector<16xf32>
        %parallel_loop3A_581 = arith.mulf %parallel_loop3A_579, %parallel_loop3A_567 : vector<16xf32>
        %parallel_loop3A_582 = arith.addf %parallel_loop3A_497, %parallel_loop3A_581 : vector<16xf32>
        %parallel_loop3A_583 = arith.mulf %parallel_loop3A_579, %parallel_loop3A_570 : vector<16xf32>
        %parallel_loop3A_584 = arith.addf %parallel_loop3A_499, %parallel_loop3A_583 : vector<16xf32>
        %parallel_loop3A_585 = arith.index_cast %parallel_loop3A_575 : i32 to index
        %parallel_loop3A_586 = arith.constant 16 : index
        %parallel_loop3A_587 = tpu.vector_load %arg5[%parallel_loop3A_585, %parallel_loop3A_586] {strides = array<i32>} : memref<800x128xf32, #tpu.memory_space<vmem>>, vector<1x16xf32>,
        %parallel_loop3A_588 = vector.shape_cast %parallel_loop3A_587 : vector<1x16xf32> to vector<16xf32>
        %parallel_loop3A_589 = arith.addf %parallel_loop3A_504, %parallel_loop3A_588 : vector<16xf32>
        %parallel_loop3A_590 = arith.mulf %parallel_loop3A_588, %parallel_loop3A_567 : vector<16xf32>
        %parallel_loop3A_591 = arith.addf %parallel_loop3A_506, %parallel_loop3A_590 : vector<16xf32>
        %parallel_loop3A_592 = arith.mulf %parallel_loop3A_588, %parallel_loop3A_570 : vector<16xf32>
        %parallel_loop3A_593 = arith.addf %parallel_loop3A_508, %parallel_loop3A_592 : vector<16xf32>
        %parallel_loop3A_594 = arith.index_cast %parallel_loop3A_575 : i32 to index
        %parallel_loop3A_595 = arith.constant 32 : index
        %parallel_loop3A_596 = tpu.vector_load %arg5[%parallel_loop3A_594, %parallel_loop3A_595] {strides = array<i32>} : memref<800x128xf32, #tpu.memory_space<vmem>>, vector<1x16xf32>,
        %parallel_loop3A_597 = vector.shape_cast %parallel_loop3A_596 : vector<1x16xf32> to vector<16xf32>
        %parallel_loop3A_598 = arith.addf %parallel_loop3A_513, %parallel_loop3A_597 : vector<16xf32>
        %parallel_loop3A_599 = arith.mulf %parallel_loop3A_597, %parallel_loop3A_567 : vector<16xf32>
        %parallel_loop3A_600 = arith.addf %parallel_loop3A_515, %parallel_loop3A_599 : vector<16xf32>
        %parallel_loop3A_601 = arith.mulf %parallel_loop3A_597, %parallel_loop3A_570 : vector<16xf32>
        %parallel_loop3A_602 = arith.addf %parallel_loop3A_517, %parallel_loop3A_601 : vector<16xf32>
        %parallel_loop3A_603 = arith.index_cast %parallel_loop3A_575 : i32 to index
        %parallel_loop3A_604 = arith.constant 48 : index
        %parallel_loop3A_605 = tpu.vector_load %arg5[%parallel_loop3A_603, %parallel_loop3A_604] {strides = array<i32>} : memref<800x128xf32, #tpu.memory_space<vmem>>, vector<1x16xf32>,
        %parallel_loop3A_606 = vector.shape_cast %parallel_loop3A_605 : vector<1x16xf32> to vector<16xf32>
        %parallel_loop3A_607 = arith.addf %parallel_loop3A_522, %parallel_loop3A_606 : vector<16xf32>
        %parallel_loop3A_608 = arith.mulf %parallel_loop3A_606, %parallel_loop3A_567 : vector<16xf32>
        %parallel_loop3A_609 = arith.addf %parallel_loop3A_524, %parallel_loop3A_608 : vector<16xf32>
        %parallel_loop3A_610 = arith.mulf %parallel_loop3A_606, %parallel_loop3A_570 : vector<16xf32>
        %parallel_loop3A_611 = arith.addf %parallel_loop3A_526, %parallel_loop3A_610 : vector<16xf32>
        %parallel_loop3A_612 = arith.index_cast %parallel_loop3A_575 : i32 to index
        %parallel_loop3A_613 = arith.constant 64 : index
        %parallel_loop3A_614 = tpu.vector_load %arg5[%parallel_loop3A_612, %parallel_loop3A_613] {strides = array<i32>} : memref<800x128xf32, #tpu.memory_space<vmem>>, vector<1x16xf32>,
        %parallel_loop3A_615 = vector.shape_cast %parallel_loop3A_614 : vector<1x16xf32> to vector<16xf32>
        %parallel_loop3A_616 = arith.addf %parallel_loop3A_531, %parallel_loop3A_615 : vector<16xf32>
        %parallel_loop3A_617 = arith.mulf %parallel_loop3A_615, %parallel_loop3A_567 : vector<16xf32>
        %parallel_loop3A_618 = arith.addf %parallel_loop3A_533, %parallel_loop3A_617 : vector<16xf32>
        %parallel_loop3A_619 = arith.mulf %parallel_loop3A_615, %parallel_loop3A_570 : vector<16xf32>
        %parallel_loop3A_620 = arith.addf %parallel_loop3A_535, %parallel_loop3A_619 : vector<16xf32>
        %parallel_loop3A_621 = arith.index_cast %parallel_loop3A_575 : i32 to index
        %parallel_loop3A_622 = arith.constant 80 : index
        %parallel_loop3A_623 = tpu.vector_load %arg5[%parallel_loop3A_621, %parallel_loop3A_622] {strides = array<i32>} : memref<800x128xf32, #tpu.memory_space<vmem>>, vector<1x16xf32>,
        %parallel_loop3A_624 = vector.shape_cast %parallel_loop3A_623 : vector<1x16xf32> to vector<16xf32>
        %parallel_loop3A_625 = arith.addf %parallel_loop3A_540, %parallel_loop3A_624 : vector<16xf32>
        %parallel_loop3A_626 = arith.mulf %parallel_loop3A_624, %parallel_loop3A_567 : vector<16xf32>
        %parallel_loop3A_627 = arith.addf %parallel_loop3A_542, %parallel_loop3A_626 : vector<16xf32>
        %parallel_loop3A_628 = arith.mulf %parallel_loop3A_624, %parallel_loop3A_570 : vector<16xf32>
        %parallel_loop3A_629 = arith.addf %parallel_loop3A_544, %parallel_loop3A_628 : vector<16xf32>
        %parallel_loop3A_630 = arith.index_cast %parallel_loop3A_575 : i32 to index
        %parallel_loop3A_631 = arith.constant 96 : index
        %parallel_loop3A_632 = tpu.vector_load %arg5[%parallel_loop3A_630, %parallel_loop3A_631] {strides = array<i32>} : memref<800x128xf32, #tpu.memory_space<vmem>>, vector<1x16xf32>,
        %parallel_loop3A_633 = vector.shape_cast %parallel_loop3A_632 : vector<1x16xf32> to vector<16xf32>
        %parallel_loop3A_634 = arith.addf %parallel_loop3A_549, %parallel_loop3A_633 : vector<16xf32>
        %parallel_loop3A_635 = arith.mulf %parallel_loop3A_633, %parallel_loop3A_567 : vector<16xf32>
        %parallel_loop3A_636 = arith.addf %parallel_loop3A_551, %parallel_loop3A_635 : vector<16xf32>
        %parallel_loop3A_637 = arith.mulf %parallel_loop3A_633, %parallel_loop3A_570 : vector<16xf32>
        %parallel_loop3A_638 = arith.addf %parallel_loop3A_553, %parallel_loop3A_637 : vector<16xf32>
        %parallel_loop3A_639 = arith.index_cast %parallel_loop3A_575 : i32 to index
        %parallel_loop3A_640 = arith.constant 112 : index
        %parallel_loop3A_641 = tpu.vector_load %arg5[%parallel_loop3A_639, %parallel_loop3A_640] {strides = array<i32>} : memref<800x128xf32, #tpu.memory_space<vmem>>, vector<1x16xf32>,
        %parallel_loop3A_642 = vector.shape_cast %parallel_loop3A_641 : vector<1x16xf32> to vector<16xf32>
        %parallel_loop3A_643 = arith.addf %parallel_loop3A_558, %parallel_loop3A_642 : vector<16xf32>
        %parallel_loop3A_644 = arith.mulf %parallel_loop3A_642, %parallel_loop3A_567 : vector<16xf32>
        %parallel_loop3A_645 = arith.addf %parallel_loop3A_560, %parallel_loop3A_644 : vector<16xf32>
        %parallel_loop3A_646 = arith.mulf %parallel_loop3A_642, %parallel_loop3A_570 : vector<16xf32>
        %parallel_loop3A_647 = arith.addf %parallel_loop3A_562, %parallel_loop3A_646 : vector<16xf32>
        %parallel_loop3A_648 = arith.constant 6 : i32
        %parallel_loop3A_649 = vector.broadcast %parallel_loop3A_648 : i32 to vector<16xi32>
        %parallel_loop3A_650 = vector.shape_cast %parallel_loop3A_649 : vector<16xi32> to vector<16x1xi32>
        %parallel_loop3A_651 = vector.shape_cast %parallel_loop3A_650 : vector<16x1xi32> to vector<16xi32>
        %parallel_loop3A_652 = tpu.dynamic_gather %parallel_loop3A_157[%parallel_loop3A_651] in [0] : vector<16xf32>, vector<16xi32> -> vector<16xf32>
        %parallel_loop3A_653 = vector.shape_cast %parallel_loop3A_649 : vector<16xi32> to vector<16x1xi32>
        %parallel_loop3A_654 = vector.shape_cast %parallel_loop3A_653 : vector<16x1xi32> to vector<16xi32>
        %parallel_loop3A_655 = tpu.dynamic_gather %parallel_loop3A_161[%parallel_loop3A_654] in [0] : vector<16xf32>, vector<16xi32> -> vector<16xf32>
        %parallel_loop3A_656 = arith.constant 16 : i32
        %parallel_loop3A_657 = arith.muli %parallel_loop3A_143, %parallel_loop3A_656 : i32
        %parallel_loop3A_658 = arith.addi %mul3A_137, %parallel_loop3A_657 : i32
        %parallel_loop3A_659 = arith.constant 6 : i32
        %parallel_loop3A_660 = arith.addi %parallel_loop3A_658, %parallel_loop3A_659 : i32
        %parallel_loop3A_661 = arith.index_cast %parallel_loop3A_660 : i32 to index
        %parallel_loop3A_662 = arith.constant 0 : index
        %parallel_loop3A_663 = tpu.vector_load %arg5[%parallel_loop3A_661, %parallel_loop3A_662] {strides = array<i32>} : memref<800x128xf32, #tpu.memory_space<vmem>>, vector<1x16xf32>,
        %parallel_loop3A_664 = vector.shape_cast %parallel_loop3A_663 : vector<1x16xf32> to vector<16xf32>
        %parallel_loop3A_665 = arith.addf %parallel_loop3A_580, %parallel_loop3A_664 : vector<16xf32>
        %parallel_loop3A_666 = arith.mulf %parallel_loop3A_664, %parallel_loop3A_652 : vector<16xf32>
        %parallel_loop3A_667 = arith.addf %parallel_loop3A_582, %parallel_loop3A_666 : vector<16xf32>
        %parallel_loop3A_668 = arith.mulf %parallel_loop3A_664, %parallel_loop3A_655 : vector<16xf32>
        %parallel_loop3A_669 = arith.addf %parallel_loop3A_584, %parallel_loop3A_668 : vector<16xf32>
        %parallel_loop3A_670 = arith.index_cast %parallel_loop3A_660 : i32 to index
        %parallel_loop3A_671 = arith.constant 16 : index
        %parallel_loop3A_672 = tpu.vector_load %arg5[%parallel_loop3A_670, %parallel_loop3A_671] {strides = array<i32>} : memref<800x128xf32, #tpu.memory_space<vmem>>, vector<1x16xf32>,
        %parallel_loop3A_673 = vector.shape_cast %parallel_loop3A_672 : vector<1x16xf32> to vector<16xf32>
        %parallel_loop3A_674 = arith.addf %parallel_loop3A_589, %parallel_loop3A_673 : vector<16xf32>
        %parallel_loop3A_675 = arith.mulf %parallel_loop3A_673, %parallel_loop3A_652 : vector<16xf32>
        %parallel_loop3A_676 = arith.addf %parallel_loop3A_591, %parallel_loop3A_675 : vector<16xf32>
        %parallel_loop3A_677 = arith.mulf %parallel_loop3A_673, %parallel_loop3A_655 : vector<16xf32>
        %parallel_loop3A_678 = arith.addf %parallel_loop3A_593, %parallel_loop3A_677 : vector<16xf32>
        %parallel_loop3A_679 = arith.index_cast %parallel_loop3A_660 : i32 to index
        %parallel_loop3A_680 = arith.constant 32 : index
        %parallel_loop3A_681 = tpu.vector_load %arg5[%parallel_loop3A_679, %parallel_loop3A_680] {strides = array<i32>} : memref<800x128xf32, #tpu.memory_space<vmem>>, vector<1x16xf32>,
        %parallel_loop3A_682 = vector.shape_cast %parallel_loop3A_681 : vector<1x16xf32> to vector<16xf32>
        %parallel_loop3A_683 = arith.addf %parallel_loop3A_598, %parallel_loop3A_682 : vector<16xf32>
        %parallel_loop3A_684 = arith.mulf %parallel_loop3A_682, %parallel_loop3A_652 : vector<16xf32>
        %parallel_loop3A_685 = arith.addf %parallel_loop3A_600, %parallel_loop3A_684 : vector<16xf32>
        %parallel_loop3A_686 = arith.mulf %parallel_loop3A_682, %parallel_loop3A_655 : vector<16xf32>
        %parallel_loop3A_687 = arith.addf %parallel_loop3A_602, %parallel_loop3A_686 : vector<16xf32>
        %parallel_loop3A_688 = arith.index_cast %parallel_loop3A_660 : i32 to index
        %parallel_loop3A_689 = arith.constant 48 : index
        %parallel_loop3A_690 = tpu.vector_load %arg5[%parallel_loop3A_688, %parallel_loop3A_689] {strides = array<i32>} : memref<800x128xf32, #tpu.memory_space<vmem>>, vector<1x16xf32>,
        %parallel_loop3A_691 = vector.shape_cast %parallel_loop3A_690 : vector<1x16xf32> to vector<16xf32>
        %parallel_loop3A_692 = arith.addf %parallel_loop3A_607, %parallel_loop3A_691 : vector<16xf32>
        %parallel_loop3A_693 = arith.mulf %parallel_loop3A_691, %parallel_loop3A_652 : vector<16xf32>
        %parallel_loop3A_694 = arith.addf %parallel_loop3A_609, %parallel_loop3A_693 : vector<16xf32>
        %parallel_loop3A_695 = arith.mulf %parallel_loop3A_691, %parallel_loop3A_655 : vector<16xf32>
        %parallel_loop3A_696 = arith.addf %parallel_loop3A_611, %parallel_loop3A_695 : vector<16xf32>
        %parallel_loop3A_697 = arith.index_cast %parallel_loop3A_660 : i32 to index
        %parallel_loop3A_698 = arith.constant 64 : index
        %parallel_loop3A_699 = tpu.vector_load %arg5[%parallel_loop3A_697, %parallel_loop3A_698] {strides = array<i32>} : memref<800x128xf32, #tpu.memory_space<vmem>>, vector<1x16xf32>,
        %parallel_loop3A_700 = vector.shape_cast %parallel_loop3A_699 : vector<1x16xf32> to vector<16xf32>
        %parallel_loop3A_701 = arith.addf %parallel_loop3A_616, %parallel_loop3A_700 : vector<16xf32>
        %parallel_loop3A_702 = arith.mulf %parallel_loop3A_700, %parallel_loop3A_652 : vector<16xf32>
        %parallel_loop3A_703 = arith.addf %parallel_loop3A_618, %parallel_loop3A_702 : vector<16xf32>
        %parallel_loop3A_704 = arith.mulf %parallel_loop3A_700, %parallel_loop3A_655 : vector<16xf32>
        %parallel_loop3A_705 = arith.addf %parallel_loop3A_620, %parallel_loop3A_704 : vector<16xf32>
        %parallel_loop3A_706 = arith.index_cast %parallel_loop3A_660 : i32 to index
        %parallel_loop3A_707 = arith.constant 80 : index
        %parallel_loop3A_708 = tpu.vector_load %arg5[%parallel_loop3A_706, %parallel_loop3A_707] {strides = array<i32>} : memref<800x128xf32, #tpu.memory_space<vmem>>, vector<1x16xf32>,
        %parallel_loop3A_709 = vector.shape_cast %parallel_loop3A_708 : vector<1x16xf32> to vector<16xf32>
        %parallel_loop3A_710 = arith.addf %parallel_loop3A_625, %parallel_loop3A_709 : vector<16xf32>
        %parallel_loop3A_711 = arith.mulf %parallel_loop3A_709, %parallel_loop3A_652 : vector<16xf32>
        %parallel_loop3A_712 = arith.addf %parallel_loop3A_627, %parallel_loop3A_711 : vector<16xf32>
        %parallel_loop3A_713 = arith.mulf %parallel_loop3A_709, %parallel_loop3A_655 : vector<16xf32>
        %parallel_loop3A_714 = arith.addf %parallel_loop3A_629, %parallel_loop3A_713 : vector<16xf32>
        %parallel_loop3A_715 = arith.index_cast %parallel_loop3A_660 : i32 to index
        %parallel_loop3A_716 = arith.constant 96 : index
        %parallel_loop3A_717 = tpu.vector_load %arg5[%parallel_loop3A_715, %parallel_loop3A_716] {strides = array<i32>} : memref<800x128xf32, #tpu.memory_space<vmem>>, vector<1x16xf32>,
        %parallel_loop3A_718 = vector.shape_cast %parallel_loop3A_717 : vector<1x16xf32> to vector<16xf32>
        %parallel_loop3A_719 = arith.addf %parallel_loop3A_634, %parallel_loop3A_718 : vector<16xf32>
        %parallel_loop3A_720 = arith.mulf %parallel_loop3A_718, %parallel_loop3A_652 : vector<16xf32>
        %parallel_loop3A_721 = arith.addf %parallel_loop3A_636, %parallel_loop3A_720 : vector<16xf32>
        %parallel_loop3A_722 = arith.mulf %parallel_loop3A_718, %parallel_loop3A_655 : vector<16xf32>
        %parallel_loop3A_723 = arith.addf %parallel_loop3A_638, %parallel_loop3A_722 : vector<16xf32>
        %parallel_loop3A_724 = arith.index_cast %parallel_loop3A_660 : i32 to index
        %parallel_loop3A_725 = arith.constant 112 : index
        %parallel_loop3A_726 = tpu.vector_load %arg5[%parallel_loop3A_724, %parallel_loop3A_725] {strides = array<i32>} : memref<800x128xf32, #tpu.memory_space<vmem>>, vector<1x16xf32>,
        %parallel_loop3A_727 = vector.shape_cast %parallel_loop3A_726 : vector<1x16xf32> to vector<16xf32>
        %parallel_loop3A_728 = arith.addf %parallel_loop3A_643, %parallel_loop3A_727 : vector<16xf32>
        %parallel_loop3A_729 = arith.mulf %parallel_loop3A_727, %parallel_loop3A_652 : vector<16xf32>
        %parallel_loop3A_730 = arith.addf %parallel_loop3A_645, %parallel_loop3A_729 : vector<16xf32>
        %parallel_loop3A_731 = arith.mulf %parallel_loop3A_727, %parallel_loop3A_655 : vector<16xf32>
        %parallel_loop3A_732 = arith.addf %parallel_loop3A_647, %parallel_loop3A_731 : vector<16xf32>
        %parallel_loop3A_733 = arith.constant 7 : i32
        %parallel_loop3A_734 = vector.broadcast %parallel_loop3A_733 : i32 to vector<16xi32>
        %parallel_loop3A_735 = vector.shape_cast %parallel_loop3A_734 : vector<16xi32> to vector<16x1xi32>
        %parallel_loop3A_736 = vector.shape_cast %parallel_loop3A_735 : vector<16x1xi32> to vector<16xi32>
        %parallel_loop3A_737 = tpu.dynamic_gather %parallel_loop3A_157[%parallel_loop3A_736] in [0] : vector<16xf32>, vector<16xi32> -> vector<16xf32>
        %parallel_loop3A_738 = vector.shape_cast %parallel_loop3A_734 : vector<16xi32> to vector<16x1xi32>
        %parallel_loop3A_739 = vector.shape_cast %parallel_loop3A_738 : vector<16x1xi32> to vector<16xi32>
        %parallel_loop3A_740 = tpu.dynamic_gather %parallel_loop3A_161[%parallel_loop3A_739] in [0] : vector<16xf32>, vector<16xi32> -> vector<16xf32>
        %parallel_loop3A_741 = arith.constant 16 : i32
        %parallel_loop3A_742 = arith.muli %parallel_loop3A_143, %parallel_loop3A_741 : i32
        %parallel_loop3A_743 = arith.addi %mul3A_137, %parallel_loop3A_742 : i32
        %parallel_loop3A_744 = arith.constant 7 : i32
        %parallel_loop3A_745 = arith.addi %parallel_loop3A_743, %parallel_loop3A_744 : i32
        %parallel_loop3A_746 = arith.index_cast %parallel_loop3A_745 : i32 to index
        %parallel_loop3A_747 = arith.constant 0 : index
        %parallel_loop3A_748 = tpu.vector_load %arg5[%parallel_loop3A_746, %parallel_loop3A_747] {strides = array<i32>} : memref<800x128xf32, #tpu.memory_space<vmem>>, vector<1x16xf32>,
        %parallel_loop3A_749 = vector.shape_cast %parallel_loop3A_748 : vector<1x16xf32> to vector<16xf32>
        %parallel_loop3A_750 = arith.addf %parallel_loop3A_665, %parallel_loop3A_749 : vector<16xf32>
        %parallel_loop3A_751 = arith.mulf %parallel_loop3A_749, %parallel_loop3A_737 : vector<16xf32>
        %parallel_loop3A_752 = arith.addf %parallel_loop3A_667, %parallel_loop3A_751 : vector<16xf32>
        %parallel_loop3A_753 = arith.mulf %parallel_loop3A_749, %parallel_loop3A_740 : vector<16xf32>
        %parallel_loop3A_754 = arith.addf %parallel_loop3A_669, %parallel_loop3A_753 : vector<16xf32>
        %parallel_loop3A_755 = arith.index_cast %parallel_loop3A_745 : i32 to index
        %parallel_loop3A_756 = arith.constant 16 : index
        %parallel_loop3A_757 = tpu.vector_load %arg5[%parallel_loop3A_755, %parallel_loop3A_756] {strides = array<i32>} : memref<800x128xf32, #tpu.memory_space<vmem>>, vector<1x16xf32>,
        %parallel_loop3A_758 = vector.shape_cast %parallel_loop3A_757 : vector<1x16xf32> to vector<16xf32>
        %parallel_loop3A_759 = arith.addf %parallel_loop3A_674, %parallel_loop3A_758 : vector<16xf32>
        %parallel_loop3A_760 = arith.mulf %parallel_loop3A_758, %parallel_loop3A_737 : vector<16xf32>
        %parallel_loop3A_761 = arith.addf %parallel_loop3A_676, %parallel_loop3A_760 : vector<16xf32>
        %parallel_loop3A_762 = arith.mulf %parallel_loop3A_758, %parallel_loop3A_740 : vector<16xf32>
        %parallel_loop3A_763 = arith.addf %parallel_loop3A_678, %parallel_loop3A_762 : vector<16xf32>
        %parallel_loop3A_764 = arith.index_cast %parallel_loop3A_745 : i32 to index
        %parallel_loop3A_765 = arith.constant 32 : index
        %parallel_loop3A_766 = tpu.vector_load %arg5[%parallel_loop3A_764, %parallel_loop3A_765] {strides = array<i32>} : memref<800x128xf32, #tpu.memory_space<vmem>>, vector<1x16xf32>,
        %parallel_loop3A_767 = vector.shape_cast %parallel_loop3A_766 : vector<1x16xf32> to vector<16xf32>
        %parallel_loop3A_768 = arith.addf %parallel_loop3A_683, %parallel_loop3A_767 : vector<16xf32>
        %parallel_loop3A_769 = arith.mulf %parallel_loop3A_767, %parallel_loop3A_737 : vector<16xf32>
        %parallel_loop3A_770 = arith.addf %parallel_loop3A_685, %parallel_loop3A_769 : vector<16xf32>
        %parallel_loop3A_771 = arith.mulf %parallel_loop3A_767, %parallel_loop3A_740 : vector<16xf32>
        %parallel_loop3A_772 = arith.addf %parallel_loop3A_687, %parallel_loop3A_771 : vector<16xf32>
        %parallel_loop3A_773 = arith.index_cast %parallel_loop3A_745 : i32 to index
        %parallel_loop3A_774 = arith.constant 48 : index
        %parallel_loop3A_775 = tpu.vector_load %arg5[%parallel_loop3A_773, %parallel_loop3A_774] {strides = array<i32>} : memref<800x128xf32, #tpu.memory_space<vmem>>, vector<1x16xf32>,
        %parallel_loop3A_776 = vector.shape_cast %parallel_loop3A_775 : vector<1x16xf32> to vector<16xf32>
        %parallel_loop3A_777 = arith.addf %parallel_loop3A_692, %parallel_loop3A_776 : vector<16xf32>
        %parallel_loop3A_778 = arith.mulf %parallel_loop3A_776, %parallel_loop3A_737 : vector<16xf32>
        %parallel_loop3A_779 = arith.addf %parallel_loop3A_694, %parallel_loop3A_778 : vector<16xf32>
        %parallel_loop3A_780 = arith.mulf %parallel_loop3A_776, %parallel_loop3A_740 : vector<16xf32>
        %parallel_loop3A_781 = arith.addf %parallel_loop3A_696, %parallel_loop3A_780 : vector<16xf32>
        %parallel_loop3A_782 = arith.index_cast %parallel_loop3A_745 : i32 to index
        %parallel_loop3A_783 = arith.constant 64 : index
        %parallel_loop3A_784 = tpu.vector_load %arg5[%parallel_loop3A_782, %parallel_loop3A_783] {strides = array<i32>} : memref<800x128xf32, #tpu.memory_space<vmem>>, vector<1x16xf32>,
        %parallel_loop3A_785 = vector.shape_cast %parallel_loop3A_784 : vector<1x16xf32> to vector<16xf32>
        %parallel_loop3A_786 = arith.addf %parallel_loop3A_701, %parallel_loop3A_785 : vector<16xf32>
        %parallel_loop3A_787 = arith.mulf %parallel_loop3A_785, %parallel_loop3A_737 : vector<16xf32>
        %parallel_loop3A_788 = arith.addf %parallel_loop3A_703, %parallel_loop3A_787 : vector<16xf32>
        %parallel_loop3A_789 = arith.mulf %parallel_loop3A_785, %parallel_loop3A_740 : vector<16xf32>
        %parallel_loop3A_790 = arith.addf %parallel_loop3A_705, %parallel_loop3A_789 : vector<16xf32>
        %parallel_loop3A_791 = arith.index_cast %parallel_loop3A_745 : i32 to index
        %parallel_loop3A_792 = arith.constant 80 : index
        %parallel_loop3A_793 = tpu.vector_load %arg5[%parallel_loop3A_791, %parallel_loop3A_792] {strides = array<i32>} : memref<800x128xf32, #tpu.memory_space<vmem>>, vector<1x16xf32>,
        %parallel_loop3A_794 = vector.shape_cast %parallel_loop3A_793 : vector<1x16xf32> to vector<16xf32>
        %parallel_loop3A_795 = arith.addf %parallel_loop3A_710, %parallel_loop3A_794 : vector<16xf32>
        %parallel_loop3A_796 = arith.mulf %parallel_loop3A_794, %parallel_loop3A_737 : vector<16xf32>
        %parallel_loop3A_797 = arith.addf %parallel_loop3A_712, %parallel_loop3A_796 : vector<16xf32>
        %parallel_loop3A_798 = arith.mulf %parallel_loop3A_794, %parallel_loop3A_740 : vector<16xf32>
        %parallel_loop3A_799 = arith.addf %parallel_loop3A_714, %parallel_loop3A_798 : vector<16xf32>
        %parallel_loop3A_800 = arith.index_cast %parallel_loop3A_745 : i32 to index
        %parallel_loop3A_801 = arith.constant 96 : index
        %parallel_loop3A_802 = tpu.vector_load %arg5[%parallel_loop3A_800, %parallel_loop3A_801] {strides = array<i32>} : memref<800x128xf32, #tpu.memory_space<vmem>>, vector<1x16xf32>,
        %parallel_loop3A_803 = vector.shape_cast %parallel_loop3A_802 : vector<1x16xf32> to vector<16xf32>
        %parallel_loop3A_804 = arith.addf %parallel_loop3A_719, %parallel_loop3A_803 : vector<16xf32>
        %parallel_loop3A_805 = arith.mulf %parallel_loop3A_803, %parallel_loop3A_737 : vector<16xf32>
        %parallel_loop3A_806 = arith.addf %parallel_loop3A_721, %parallel_loop3A_805 : vector<16xf32>
        %parallel_loop3A_807 = arith.mulf %parallel_loop3A_803, %parallel_loop3A_740 : vector<16xf32>
        %parallel_loop3A_808 = arith.addf %parallel_loop3A_723, %parallel_loop3A_807 : vector<16xf32>
        %parallel_loop3A_809 = arith.index_cast %parallel_loop3A_745 : i32 to index
        %parallel_loop3A_810 = arith.constant 112 : index
        %parallel_loop3A_811 = tpu.vector_load %arg5[%parallel_loop3A_809, %parallel_loop3A_810] {strides = array<i32>} : memref<800x128xf32, #tpu.memory_space<vmem>>, vector<1x16xf32>,
        %parallel_loop3A_812 = vector.shape_cast %parallel_loop3A_811 : vector<1x16xf32> to vector<16xf32>
        %parallel_loop3A_813 = arith.addf %parallel_loop3A_728, %parallel_loop3A_812 : vector<16xf32>
        %parallel_loop3A_814 = arith.mulf %parallel_loop3A_812, %parallel_loop3A_737 : vector<16xf32>
        %parallel_loop3A_815 = arith.addf %parallel_loop3A_730, %parallel_loop3A_814 : vector<16xf32>
        %parallel_loop3A_816 = arith.mulf %parallel_loop3A_812, %parallel_loop3A_740 : vector<16xf32>
        %parallel_loop3A_817 = arith.addf %parallel_loop3A_732, %parallel_loop3A_816 : vector<16xf32>
        %parallel_loop3A_818 = arith.constant 8 : i32
        %parallel_loop3A_819 = vector.broadcast %parallel_loop3A_818 : i32 to vector<16xi32>
        %parallel_loop3A_820 = vector.shape_cast %parallel_loop3A_819 : vector<16xi32> to vector<16x1xi32>
        %parallel_loop3A_821 = vector.shape_cast %parallel_loop3A_820 : vector<16x1xi32> to vector<16xi32>
        %parallel_loop3A_822 = tpu.dynamic_gather %parallel_loop3A_157[%parallel_loop3A_821] in [0] : vector<16xf32>, vector<16xi32> -> vector<16xf32>
        %parallel_loop3A_823 = vector.shape_cast %parallel_loop3A_819 : vector<16xi32> to vector<16x1xi32>
        %parallel_loop3A_824 = vector.shape_cast %parallel_loop3A_823 : vector<16x1xi32> to vector<16xi32>
        %parallel_loop3A_825 = tpu.dynamic_gather %parallel_loop3A_161[%parallel_loop3A_824] in [0] : vector<16xf32>, vector<16xi32> -> vector<16xf32>
        %parallel_loop3A_826 = arith.constant 16 : i32
        %parallel_loop3A_827 = arith.muli %parallel_loop3A_143, %parallel_loop3A_826 : i32
        %parallel_loop3A_828 = arith.addi %mul3A_137, %parallel_loop3A_827 : i32
        %parallel_loop3A_829 = arith.constant 8 : i32
        %parallel_loop3A_830 = arith.addi %parallel_loop3A_828, %parallel_loop3A_829 : i32
        %parallel_loop3A_831 = arith.index_cast %parallel_loop3A_830 : i32 to index
        %parallel_loop3A_832 = arith.constant 0 : index
        %parallel_loop3A_833 = tpu.vector_load %arg5[%parallel_loop3A_831, %parallel_loop3A_832] {strides = array<i32>} : memref<800x128xf32, #tpu.memory_space<vmem>>, vector<1x16xf32>,
        %parallel_loop3A_834 = vector.shape_cast %parallel_loop3A_833 : vector<1x16xf32> to vector<16xf32>
        %parallel_loop3A_835 = arith.addf %parallel_loop3A_750, %parallel_loop3A_834 : vector<16xf32>
        %parallel_loop3A_836 = arith.mulf %parallel_loop3A_834, %parallel_loop3A_822 : vector<16xf32>
        %parallel_loop3A_837 = arith.addf %parallel_loop3A_752, %parallel_loop3A_836 : vector<16xf32>
        %parallel_loop3A_838 = arith.mulf %parallel_loop3A_834, %parallel_loop3A_825 : vector<16xf32>
        %parallel_loop3A_839 = arith.addf %parallel_loop3A_754, %parallel_loop3A_838 : vector<16xf32>
        %parallel_loop3A_840 = arith.index_cast %parallel_loop3A_830 : i32 to index
        %parallel_loop3A_841 = arith.constant 16 : index
        %parallel_loop3A_842 = tpu.vector_load %arg5[%parallel_loop3A_840, %parallel_loop3A_841] {strides = array<i32>} : memref<800x128xf32, #tpu.memory_space<vmem>>, vector<1x16xf32>,
        %parallel_loop3A_843 = vector.shape_cast %parallel_loop3A_842 : vector<1x16xf32> to vector<16xf32>
        %parallel_loop3A_844 = arith.addf %parallel_loop3A_759, %parallel_loop3A_843 : vector<16xf32>
        %parallel_loop3A_845 = arith.mulf %parallel_loop3A_843, %parallel_loop3A_822 : vector<16xf32>
        %parallel_loop3A_846 = arith.addf %parallel_loop3A_761, %parallel_loop3A_845 : vector<16xf32>
        %parallel_loop3A_847 = arith.mulf %parallel_loop3A_843, %parallel_loop3A_825 : vector<16xf32>
        %parallel_loop3A_848 = arith.addf %parallel_loop3A_763, %parallel_loop3A_847 : vector<16xf32>
        %parallel_loop3A_849 = arith.index_cast %parallel_loop3A_830 : i32 to index
        %parallel_loop3A_850 = arith.constant 32 : index
        %parallel_loop3A_851 = tpu.vector_load %arg5[%parallel_loop3A_849, %parallel_loop3A_850] {strides = array<i32>} : memref<800x128xf32, #tpu.memory_space<vmem>>, vector<1x16xf32>,
        %parallel_loop3A_852 = vector.shape_cast %parallel_loop3A_851 : vector<1x16xf32> to vector<16xf32>
        %parallel_loop3A_853 = arith.addf %parallel_loop3A_768, %parallel_loop3A_852 : vector<16xf32>
        %parallel_loop3A_854 = arith.mulf %parallel_loop3A_852, %parallel_loop3A_822 : vector<16xf32>
        %parallel_loop3A_855 = arith.addf %parallel_loop3A_770, %parallel_loop3A_854 : vector<16xf32>
        %parallel_loop3A_856 = arith.mulf %parallel_loop3A_852, %parallel_loop3A_825 : vector<16xf32>
        %parallel_loop3A_857 = arith.addf %parallel_loop3A_772, %parallel_loop3A_856 : vector<16xf32>
        %parallel_loop3A_858 = arith.index_cast %parallel_loop3A_830 : i32 to index
        %parallel_loop3A_859 = arith.constant 48 : index
        %parallel_loop3A_860 = tpu.vector_load %arg5[%parallel_loop3A_858, %parallel_loop3A_859] {strides = array<i32>} : memref<800x128xf32, #tpu.memory_space<vmem>>, vector<1x16xf32>,
        %parallel_loop3A_861 = vector.shape_cast %parallel_loop3A_860 : vector<1x16xf32> to vector<16xf32>
        %parallel_loop3A_862 = arith.addf %parallel_loop3A_777, %parallel_loop3A_861 : vector<16xf32>
        %parallel_loop3A_863 = arith.mulf %parallel_loop3A_861, %parallel_loop3A_822 : vector<16xf32>
        %parallel_loop3A_864 = arith.addf %parallel_loop3A_779, %parallel_loop3A_863 : vector<16xf32>
        %parallel_loop3A_865 = arith.mulf %parallel_loop3A_861, %parallel_loop3A_825 : vector<16xf32>
        %parallel_loop3A_866 = arith.addf %parallel_loop3A_781, %parallel_loop3A_865 : vector<16xf32>
        %parallel_loop3A_867 = arith.index_cast %parallel_loop3A_830 : i32 to index
        %parallel_loop3A_868 = arith.constant 64 : index
        %parallel_loop3A_869 = tpu.vector_load %arg5[%parallel_loop3A_867, %parallel_loop3A_868] {strides = array<i32>} : memref<800x128xf32, #tpu.memory_space<vmem>>, vector<1x16xf32>,
        %parallel_loop3A_870 = vector.shape_cast %parallel_loop3A_869 : vector<1x16xf32> to vector<16xf32>
        %parallel_loop3A_871 = arith.addf %parallel_loop3A_786, %parallel_loop3A_870 : vector<16xf32>
        %parallel_loop3A_872 = arith.mulf %parallel_loop3A_870, %parallel_loop3A_822 : vector<16xf32>
        %parallel_loop3A_873 = arith.addf %parallel_loop3A_788, %parallel_loop3A_872 : vector<16xf32>
        %parallel_loop3A_874 = arith.mulf %parallel_loop3A_870, %parallel_loop3A_825 : vector<16xf32>
        %parallel_loop3A_875 = arith.addf %parallel_loop3A_790, %parallel_loop3A_874 : vector<16xf32>
        %parallel_loop3A_876 = arith.index_cast %parallel_loop3A_830 : i32 to index
        %parallel_loop3A_877 = arith.constant 80 : index
        %parallel_loop3A_878 = tpu.vector_load %arg5[%parallel_loop3A_876, %parallel_loop3A_877] {strides = array<i32>} : memref<800x128xf32, #tpu.memory_space<vmem>>, vector<1x16xf32>,
        %parallel_loop3A_879 = vector.shape_cast %parallel_loop3A_878 : vector<1x16xf32> to vector<16xf32>
        %parallel_loop3A_880 = arith.addf %parallel_loop3A_795, %parallel_loop3A_879 : vector<16xf32>
        %parallel_loop3A_881 = arith.mulf %parallel_loop3A_879, %parallel_loop3A_822 : vector<16xf32>
        %parallel_loop3A_882 = arith.addf %parallel_loop3A_797, %parallel_loop3A_881 : vector<16xf32>
        %parallel_loop3A_883 = arith.mulf %parallel_loop3A_879, %parallel_loop3A_825 : vector<16xf32>
        %parallel_loop3A_884 = arith.addf %parallel_loop3A_799, %parallel_loop3A_883 : vector<16xf32>
        %parallel_loop3A_885 = arith.index_cast %parallel_loop3A_830 : i32 to index
        %parallel_loop3A_886 = arith.constant 96 : index
        %parallel_loop3A_887 = tpu.vector_load %arg5[%parallel_loop3A_885, %parallel_loop3A_886] {strides = array<i32>} : memref<800x128xf32, #tpu.memory_space<vmem>>, vector<1x16xf32>,
        %parallel_loop3A_888 = vector.shape_cast %parallel_loop3A_887 : vector<1x16xf32> to vector<16xf32>
        %parallel_loop3A_889 = arith.addf %parallel_loop3A_804, %parallel_loop3A_888 : vector<16xf32>
        %parallel_loop3A_890 = arith.mulf %parallel_loop3A_888, %parallel_loop3A_822 : vector<16xf32>
        %parallel_loop3A_891 = arith.addf %parallel_loop3A_806, %parallel_loop3A_890 : vector<16xf32>
        %parallel_loop3A_892 = arith.mulf %parallel_loop3A_888, %parallel_loop3A_825 : vector<16xf32>
        %parallel_loop3A_893 = arith.addf %parallel_loop3A_808, %parallel_loop3A_892 : vector<16xf32>
        %parallel_loop3A_894 = arith.index_cast %parallel_loop3A_830 : i32 to index
        %parallel_loop3A_895 = arith.constant 112 : index
        %parallel_loop3A_896 = tpu.vector_load %arg5[%parallel_loop3A_894, %parallel_loop3A_895] {strides = array<i32>} : memref<800x128xf32, #tpu.memory_space<vmem>>, vector<1x16xf32>,
        %parallel_loop3A_897 = vector.shape_cast %parallel_loop3A_896 : vector<1x16xf32> to vector<16xf32>
        %parallel_loop3A_898 = arith.addf %parallel_loop3A_813, %parallel_loop3A_897 : vector<16xf32>
        %parallel_loop3A_899 = arith.mulf %parallel_loop3A_897, %parallel_loop3A_822 : vector<16xf32>
        %parallel_loop3A_900 = arith.addf %parallel_loop3A_815, %parallel_loop3A_899 : vector<16xf32>
        %parallel_loop3A_901 = arith.mulf %parallel_loop3A_897, %parallel_loop3A_825 : vector<16xf32>
        %parallel_loop3A_902 = arith.addf %parallel_loop3A_817, %parallel_loop3A_901 : vector<16xf32>
        %parallel_loop3A_903 = arith.constant 9 : i32
        %parallel_loop3A_904 = vector.broadcast %parallel_loop3A_903 : i32 to vector<16xi32>
        %parallel_loop3A_905 = vector.shape_cast %parallel_loop3A_904 : vector<16xi32> to vector<16x1xi32>
        %parallel_loop3A_906 = vector.shape_cast %parallel_loop3A_905 : vector<16x1xi32> to vector<16xi32>
        %parallel_loop3A_907 = tpu.dynamic_gather %parallel_loop3A_157[%parallel_loop3A_906] in [0] : vector<16xf32>, vector<16xi32> -> vector<16xf32>
        %parallel_loop3A_908 = vector.shape_cast %parallel_loop3A_904 : vector<16xi32> to vector<16x1xi32>
        %parallel_loop3A_909 = vector.shape_cast %parallel_loop3A_908 : vector<16x1xi32> to vector<16xi32>
        %parallel_loop3A_910 = tpu.dynamic_gather %parallel_loop3A_161[%parallel_loop3A_909] in [0] : vector<16xf32>, vector<16xi32> -> vector<16xf32>
        %parallel_loop3A_911 = arith.constant 16 : i32
        %parallel_loop3A_912 = arith.muli %parallel_loop3A_143, %parallel_loop3A_911 : i32
        %parallel_loop3A_913 = arith.addi %mul3A_137, %parallel_loop3A_912 : i32
        %parallel_loop3A_914 = arith.constant 9 : i32
        %parallel_loop3A_915 = arith.addi %parallel_loop3A_913, %parallel_loop3A_914 : i32
        %parallel_loop3A_916 = arith.index_cast %parallel_loop3A_915 : i32 to index
        %parallel_loop3A_917 = arith.constant 0 : index
        %parallel_loop3A_918 = tpu.vector_load %arg5[%parallel_loop3A_916, %parallel_loop3A_917] {strides = array<i32>} : memref<800x128xf32, #tpu.memory_space<vmem>>, vector<1x16xf32>,
        %parallel_loop3A_919 = vector.shape_cast %parallel_loop3A_918 : vector<1x16xf32> to vector<16xf32>
        %parallel_loop3A_920 = arith.addf %parallel_loop3A_835, %parallel_loop3A_919 : vector<16xf32>
        %parallel_loop3A_921 = arith.mulf %parallel_loop3A_919, %parallel_loop3A_907 : vector<16xf32>
        %parallel_loop3A_922 = arith.addf %parallel_loop3A_837, %parallel_loop3A_921 : vector<16xf32>
        %parallel_loop3A_923 = arith.mulf %parallel_loop3A_919, %parallel_loop3A_910 : vector<16xf32>
        %parallel_loop3A_924 = arith.addf %parallel_loop3A_839, %parallel_loop3A_923 : vector<16xf32>
        %parallel_loop3A_925 = arith.index_cast %parallel_loop3A_915 : i32 to index
        %parallel_loop3A_926 = arith.constant 16 : index
        %parallel_loop3A_927 = tpu.vector_load %arg5[%parallel_loop3A_925, %parallel_loop3A_926] {strides = array<i32>} : memref<800x128xf32, #tpu.memory_space<vmem>>, vector<1x16xf32>,
        %parallel_loop3A_928 = vector.shape_cast %parallel_loop3A_927 : vector<1x16xf32> to vector<16xf32>
        %parallel_loop3A_929 = arith.addf %parallel_loop3A_844, %parallel_loop3A_928 : vector<16xf32>
        %parallel_loop3A_930 = arith.mulf %parallel_loop3A_928, %parallel_loop3A_907 : vector<16xf32>
        %parallel_loop3A_931 = arith.addf %parallel_loop3A_846, %parallel_loop3A_930 : vector<16xf32>
        %parallel_loop3A_932 = arith.mulf %parallel_loop3A_928, %parallel_loop3A_910 : vector<16xf32>
        %parallel_loop3A_933 = arith.addf %parallel_loop3A_848, %parallel_loop3A_932 : vector<16xf32>
        %parallel_loop3A_934 = arith.index_cast %parallel_loop3A_915 : i32 to index
        %parallel_loop3A_935 = arith.constant 32 : index
        %parallel_loop3A_936 = tpu.vector_load %arg5[%parallel_loop3A_934, %parallel_loop3A_935] {strides = array<i32>} : memref<800x128xf32, #tpu.memory_space<vmem>>, vector<1x16xf32>,
        %parallel_loop3A_937 = vector.shape_cast %parallel_loop3A_936 : vector<1x16xf32> to vector<16xf32>
        %parallel_loop3A_938 = arith.addf %parallel_loop3A_853, %parallel_loop3A_937 : vector<16xf32>
        %parallel_loop3A_939 = arith.mulf %parallel_loop3A_937, %parallel_loop3A_907 : vector<16xf32>
        %parallel_loop3A_940 = arith.addf %parallel_loop3A_855, %parallel_loop3A_939 : vector<16xf32>
        %parallel_loop3A_941 = arith.mulf %parallel_loop3A_937, %parallel_loop3A_910 : vector<16xf32>
        %parallel_loop3A_942 = arith.addf %parallel_loop3A_857, %parallel_loop3A_941 : vector<16xf32>
        %parallel_loop3A_943 = arith.index_cast %parallel_loop3A_915 : i32 to index
        %parallel_loop3A_944 = arith.constant 48 : index
        %parallel_loop3A_945 = tpu.vector_load %arg5[%parallel_loop3A_943, %parallel_loop3A_944] {strides = array<i32>} : memref<800x128xf32, #tpu.memory_space<vmem>>, vector<1x16xf32>,
        %parallel_loop3A_946 = vector.shape_cast %parallel_loop3A_945 : vector<1x16xf32> to vector<16xf32>
        %parallel_loop3A_947 = arith.addf %parallel_loop3A_862, %parallel_loop3A_946 : vector<16xf32>
        %parallel_loop3A_948 = arith.mulf %parallel_loop3A_946, %parallel_loop3A_907 : vector<16xf32>
        %parallel_loop3A_949 = arith.addf %parallel_loop3A_864, %parallel_loop3A_948 : vector<16xf32>
        %parallel_loop3A_950 = arith.mulf %parallel_loop3A_946, %parallel_loop3A_910 : vector<16xf32>
        %parallel_loop3A_951 = arith.addf %parallel_loop3A_866, %parallel_loop3A_950 : vector<16xf32>
        %parallel_loop3A_952 = arith.index_cast %parallel_loop3A_915 : i32 to index
        %parallel_loop3A_953 = arith.constant 64 : index
        %parallel_loop3A_954 = tpu.vector_load %arg5[%parallel_loop3A_952, %parallel_loop3A_953] {strides = array<i32>} : memref<800x128xf32, #tpu.memory_space<vmem>>, vector<1x16xf32>,
        %parallel_loop3A_955 = vector.shape_cast %parallel_loop3A_954 : vector<1x16xf32> to vector<16xf32>
        %parallel_loop3A_956 = arith.addf %parallel_loop3A_871, %parallel_loop3A_955 : vector<16xf32>
        %parallel_loop3A_957 = arith.mulf %parallel_loop3A_955, %parallel_loop3A_907 : vector<16xf32>
        %parallel_loop3A_958 = arith.addf %parallel_loop3A_873, %parallel_loop3A_957 : vector<16xf32>
        %parallel_loop3A_959 = arith.mulf %parallel_loop3A_955, %parallel_loop3A_910 : vector<16xf32>
        %parallel_loop3A_960 = arith.addf %parallel_loop3A_875, %parallel_loop3A_959 : vector<16xf32>
        %parallel_loop3A_961 = arith.index_cast %parallel_loop3A_915 : i32 to index
        %parallel_loop3A_962 = arith.constant 80 : index
        %parallel_loop3A_963 = tpu.vector_load %arg5[%parallel_loop3A_961, %parallel_loop3A_962] {strides = array<i32>} : memref<800x128xf32, #tpu.memory_space<vmem>>, vector<1x16xf32>,
        %parallel_loop3A_964 = vector.shape_cast %parallel_loop3A_963 : vector<1x16xf32> to vector<16xf32>
        %parallel_loop3A_965 = arith.addf %parallel_loop3A_880, %parallel_loop3A_964 : vector<16xf32>
        %parallel_loop3A_966 = arith.mulf %parallel_loop3A_964, %parallel_loop3A_907 : vector<16xf32>
        %parallel_loop3A_967 = arith.addf %parallel_loop3A_882, %parallel_loop3A_966 : vector<16xf32>
        %parallel_loop3A_968 = arith.mulf %parallel_loop3A_964, %parallel_loop3A_910 : vector<16xf32>
        %parallel_loop3A_969 = arith.addf %parallel_loop3A_884, %parallel_loop3A_968 : vector<16xf32>
        %parallel_loop3A_970 = arith.index_cast %parallel_loop3A_915 : i32 to index
        %parallel_loop3A_971 = arith.constant 96 : index
        %parallel_loop3A_972 = tpu.vector_load %arg5[%parallel_loop3A_970, %parallel_loop3A_971] {strides = array<i32>} : memref<800x128xf32, #tpu.memory_space<vmem>>, vector<1x16xf32>,
        %parallel_loop3A_973 = vector.shape_cast %parallel_loop3A_972 : vector<1x16xf32> to vector<16xf32>
        %parallel_loop3A_974 = arith.addf %parallel_loop3A_889, %parallel_loop3A_973 : vector<16xf32>
        %parallel_loop3A_975 = arith.mulf %parallel_loop3A_973, %parallel_loop3A_907 : vector<16xf32>
        %parallel_loop3A_976 = arith.addf %parallel_loop3A_891, %parallel_loop3A_975 : vector<16xf32>
        %parallel_loop3A_977 = arith.mulf %parallel_loop3A_973, %parallel_loop3A_910 : vector<16xf32>
        %parallel_loop3A_978 = arith.addf %parallel_loop3A_893, %parallel_loop3A_977 : vector<16xf32>
        %parallel_loop3A_979 = arith.index_cast %parallel_loop3A_915 : i32 to index
        %parallel_loop3A_980 = arith.constant 112 : index
        %parallel_loop3A_981 = tpu.vector_load %arg5[%parallel_loop3A_979, %parallel_loop3A_980] {strides = array<i32>} : memref<800x128xf32, #tpu.memory_space<vmem>>, vector<1x16xf32>,
        %parallel_loop3A_982 = vector.shape_cast %parallel_loop3A_981 : vector<1x16xf32> to vector<16xf32>
        %parallel_loop3A_983 = arith.addf %parallel_loop3A_898, %parallel_loop3A_982 : vector<16xf32>
        %parallel_loop3A_984 = arith.mulf %parallel_loop3A_982, %parallel_loop3A_907 : vector<16xf32>
        %parallel_loop3A_985 = arith.addf %parallel_loop3A_900, %parallel_loop3A_984 : vector<16xf32>
        %parallel_loop3A_986 = arith.mulf %parallel_loop3A_982, %parallel_loop3A_910 : vector<16xf32>
        %parallel_loop3A_987 = arith.addf %parallel_loop3A_902, %parallel_loop3A_986 : vector<16xf32>
        %parallel_loop3A_988 = arith.constant 10 : i32
        %parallel_loop3A_989 = vector.broadcast %parallel_loop3A_988 : i32 to vector<16xi32>
        %parallel_loop3A_990 = vector.shape_cast %parallel_loop3A_989 : vector<16xi32> to vector<16x1xi32>
        %parallel_loop3A_991 = vector.shape_cast %parallel_loop3A_990 : vector<16x1xi32> to vector<16xi32>
        %parallel_loop3A_992 = tpu.dynamic_gather %parallel_loop3A_157[%parallel_loop3A_991] in [0] : vector<16xf32>, vector<16xi32> -> vector<16xf32>
        %parallel_loop3A_993 = vector.shape_cast %parallel_loop3A_989 : vector<16xi32> to vector<16x1xi32>
        %parallel_loop3A_994 = vector.shape_cast %parallel_loop3A_993 : vector<16x1xi32> to vector<16xi32>
        %parallel_loop3A_995 = tpu.dynamic_gather %parallel_loop3A_161[%parallel_loop3A_994] in [0] : vector<16xf32>, vector<16xi32> -> vector<16xf32>
        %parallel_loop3A_996 = arith.constant 16 : i32
        %parallel_loop3A_997 = arith.muli %parallel_loop3A_143, %parallel_loop3A_996 : i32
        %parallel_loop3A_998 = arith.addi %mul3A_137, %parallel_loop3A_997 : i32
        %parallel_loop3A_999 = arith.constant 10 : i32
        %parallel_loop3A_1000 = arith.addi %parallel_loop3A_998, %parallel_loop3A_999 : i32
        %parallel_loop3A_1001 = arith.index_cast %parallel_loop3A_1000 : i32 to index
        %parallel_loop3A_1002 = arith.constant 0 : index
        %parallel_loop3A_1003 = tpu.vector_load %arg5[%parallel_loop3A_1001, %parallel_loop3A_1002] {strides = array<i32>} : memref<800x128xf32, #tpu.memory_space<vmem>>, vector<1x16xf32>,
        %parallel_loop3A_1004 = vector.shape_cast %parallel_loop3A_1003 : vector<1x16xf32> to vector<16xf32>
        %parallel_loop3A_1005 = arith.addf %parallel_loop3A_920, %parallel_loop3A_1004 : vector<16xf32>
        %parallel_loop3A_1006 = arith.mulf %parallel_loop3A_1004, %parallel_loop3A_992 : vector<16xf32>
        %parallel_loop3A_1007 = arith.addf %parallel_loop3A_922, %parallel_loop3A_1006 : vector<16xf32>
        %parallel_loop3A_1008 = arith.mulf %parallel_loop3A_1004, %parallel_loop3A_995 : vector<16xf32>
        %parallel_loop3A_1009 = arith.addf %parallel_loop3A_924, %parallel_loop3A_1008 : vector<16xf32>
        %parallel_loop3A_1010 = arith.index_cast %parallel_loop3A_1000 : i32 to index
        %parallel_loop3A_1011 = arith.constant 16 : index
        %parallel_loop3A_1012 = tpu.vector_load %arg5[%parallel_loop3A_1010, %parallel_loop3A_1011] {strides = array<i32>} : memref<800x128xf32, #tpu.memory_space<vmem>>, vector<1x16xf32>,
        %parallel_loop3A_1013 = vector.shape_cast %parallel_loop3A_1012 : vector<1x16xf32> to vector<16xf32>
        %parallel_loop3A_1014 = arith.addf %parallel_loop3A_929, %parallel_loop3A_1013 : vector<16xf32>
        %parallel_loop3A_1015 = arith.mulf %parallel_loop3A_1013, %parallel_loop3A_992 : vector<16xf32>
        %parallel_loop3A_1016 = arith.addf %parallel_loop3A_931, %parallel_loop3A_1015 : vector<16xf32>
        %parallel_loop3A_1017 = arith.mulf %parallel_loop3A_1013, %parallel_loop3A_995 : vector<16xf32>
        %parallel_loop3A_1018 = arith.addf %parallel_loop3A_933, %parallel_loop3A_1017 : vector<16xf32>
        %parallel_loop3A_1019 = arith.index_cast %parallel_loop3A_1000 : i32 to index
        %parallel_loop3A_1020 = arith.constant 32 : index
        %parallel_loop3A_1021 = tpu.vector_load %arg5[%parallel_loop3A_1019, %parallel_loop3A_1020] {strides = array<i32>} : memref<800x128xf32, #tpu.memory_space<vmem>>, vector<1x16xf32>,
        %parallel_loop3A_1022 = vector.shape_cast %parallel_loop3A_1021 : vector<1x16xf32> to vector<16xf32>
        %parallel_loop3A_1023 = arith.addf %parallel_loop3A_938, %parallel_loop3A_1022 : vector<16xf32>
        %parallel_loop3A_1024 = arith.mulf %parallel_loop3A_1022, %parallel_loop3A_992 : vector<16xf32>
        %parallel_loop3A_1025 = arith.addf %parallel_loop3A_940, %parallel_loop3A_1024 : vector<16xf32>
        %parallel_loop3A_1026 = arith.mulf %parallel_loop3A_1022, %parallel_loop3A_995 : vector<16xf32>
        %parallel_loop3A_1027 = arith.addf %parallel_loop3A_942, %parallel_loop3A_1026 : vector<16xf32>
        %parallel_loop3A_1028 = arith.index_cast %parallel_loop3A_1000 : i32 to index
        %parallel_loop3A_1029 = arith.constant 48 : index
        %parallel_loop3A_1030 = tpu.vector_load %arg5[%parallel_loop3A_1028, %parallel_loop3A_1029] {strides = array<i32>} : memref<800x128xf32, #tpu.memory_space<vmem>>, vector<1x16xf32>,
        %parallel_loop3A_1031 = vector.shape_cast %parallel_loop3A_1030 : vector<1x16xf32> to vector<16xf32>
        %parallel_loop3A_1032 = arith.addf %parallel_loop3A_947, %parallel_loop3A_1031 : vector<16xf32>
        %parallel_loop3A_1033 = arith.mulf %parallel_loop3A_1031, %parallel_loop3A_992 : vector<16xf32>
        %parallel_loop3A_1034 = arith.addf %parallel_loop3A_949, %parallel_loop3A_1033 : vector<16xf32>
        %parallel_loop3A_1035 = arith.mulf %parallel_loop3A_1031, %parallel_loop3A_995 : vector<16xf32>
        %parallel_loop3A_1036 = arith.addf %parallel_loop3A_951, %parallel_loop3A_1035 : vector<16xf32>
        %parallel_loop3A_1037 = arith.index_cast %parallel_loop3A_1000 : i32 to index
        %parallel_loop3A_1038 = arith.constant 64 : index
        %parallel_loop3A_1039 = tpu.vector_load %arg5[%parallel_loop3A_1037, %parallel_loop3A_1038] {strides = array<i32>} : memref<800x128xf32, #tpu.memory_space<vmem>>, vector<1x16xf32>,
        %parallel_loop3A_1040 = vector.shape_cast %parallel_loop3A_1039 : vector<1x16xf32> to vector<16xf32>
        %parallel_loop3A_1041 = arith.addf %parallel_loop3A_956, %parallel_loop3A_1040 : vector<16xf32>
        %parallel_loop3A_1042 = arith.mulf %parallel_loop3A_1040, %parallel_loop3A_992 : vector<16xf32>
        %parallel_loop3A_1043 = arith.addf %parallel_loop3A_958, %parallel_loop3A_1042 : vector<16xf32>
        %parallel_loop3A_1044 = arith.mulf %parallel_loop3A_1040, %parallel_loop3A_995 : vector<16xf32>
        %parallel_loop3A_1045 = arith.addf %parallel_loop3A_960, %parallel_loop3A_1044 : vector<16xf32>
        %parallel_loop3A_1046 = arith.index_cast %parallel_loop3A_1000 : i32 to index
        %parallel_loop3A_1047 = arith.constant 80 : index
        %parallel_loop3A_1048 = tpu.vector_load %arg5[%parallel_loop3A_1046, %parallel_loop3A_1047] {strides = array<i32>} : memref<800x128xf32, #tpu.memory_space<vmem>>, vector<1x16xf32>,
        %parallel_loop3A_1049 = vector.shape_cast %parallel_loop3A_1048 : vector<1x16xf32> to vector<16xf32>
        %parallel_loop3A_1050 = arith.addf %parallel_loop3A_965, %parallel_loop3A_1049 : vector<16xf32>
        %parallel_loop3A_1051 = arith.mulf %parallel_loop3A_1049, %parallel_loop3A_992 : vector<16xf32>
        %parallel_loop3A_1052 = arith.addf %parallel_loop3A_967, %parallel_loop3A_1051 : vector<16xf32>
        %parallel_loop3A_1053 = arith.mulf %parallel_loop3A_1049, %parallel_loop3A_995 : vector<16xf32>
        %parallel_loop3A_1054 = arith.addf %parallel_loop3A_969, %parallel_loop3A_1053 : vector<16xf32>
        %parallel_loop3A_1055 = arith.index_cast %parallel_loop3A_1000 : i32 to index
        %parallel_loop3A_1056 = arith.constant 96 : index
        %parallel_loop3A_1057 = tpu.vector_load %arg5[%parallel_loop3A_1055, %parallel_loop3A_1056] {strides = array<i32>} : memref<800x128xf32, #tpu.memory_space<vmem>>, vector<1x16xf32>,
        %parallel_loop3A_1058 = vector.shape_cast %parallel_loop3A_1057 : vector<1x16xf32> to vector<16xf32>
        %parallel_loop3A_1059 = arith.addf %parallel_loop3A_974, %parallel_loop3A_1058 : vector<16xf32>
        %parallel_loop3A_1060 = arith.mulf %parallel_loop3A_1058, %parallel_loop3A_992 : vector<16xf32>
        %parallel_loop3A_1061 = arith.addf %parallel_loop3A_976, %parallel_loop3A_1060 : vector<16xf32>
        %parallel_loop3A_1062 = arith.mulf %parallel_loop3A_1058, %parallel_loop3A_995 : vector<16xf32>
        %parallel_loop3A_1063 = arith.addf %parallel_loop3A_978, %parallel_loop3A_1062 : vector<16xf32>
        %parallel_loop3A_1064 = arith.index_cast %parallel_loop3A_1000 : i32 to index
        %parallel_loop3A_1065 = arith.constant 112 : index
        %parallel_loop3A_1066 = tpu.vector_load %arg5[%parallel_loop3A_1064, %parallel_loop3A_1065] {strides = array<i32>} : memref<800x128xf32, #tpu.memory_space<vmem>>, vector<1x16xf32>,
        %parallel_loop3A_1067 = vector.shape_cast %parallel_loop3A_1066 : vector<1x16xf32> to vector<16xf32>
        %parallel_loop3A_1068 = arith.addf %parallel_loop3A_983, %parallel_loop3A_1067 : vector<16xf32>
        %parallel_loop3A_1069 = arith.mulf %parallel_loop3A_1067, %parallel_loop3A_992 : vector<16xf32>
        %parallel_loop3A_1070 = arith.addf %parallel_loop3A_985, %parallel_loop3A_1069 : vector<16xf32>
        %parallel_loop3A_1071 = arith.mulf %parallel_loop3A_1067, %parallel_loop3A_995 : vector<16xf32>
        %parallel_loop3A_1072 = arith.addf %parallel_loop3A_987, %parallel_loop3A_1071 : vector<16xf32>
        %parallel_loop3A_1073 = arith.constant 11 : i32
        %parallel_loop3A_1074 = vector.broadcast %parallel_loop3A_1073 : i32 to vector<16xi32>
        %parallel_loop3A_1075 = vector.shape_cast %parallel_loop3A_1074 : vector<16xi32> to vector<16x1xi32>
        %parallel_loop3A_1076 = vector.shape_cast %parallel_loop3A_1075 : vector<16x1xi32> to vector<16xi32>
        %parallel_loop3A_1077 = tpu.dynamic_gather %parallel_loop3A_157[%parallel_loop3A_1076] in [0] : vector<16xf32>, vector<16xi32> -> vector<16xf32>
        %parallel_loop3A_1078 = vector.shape_cast %parallel_loop3A_1074 : vector<16xi32> to vector<16x1xi32>
        %parallel_loop3A_1079 = vector.shape_cast %parallel_loop3A_1078 : vector<16x1xi32> to vector<16xi32>
        %parallel_loop3A_1080 = tpu.dynamic_gather %parallel_loop3A_161[%parallel_loop3A_1079] in [0] : vector<16xf32>, vector<16xi32> -> vector<16xf32>
        %parallel_loop3A_1081 = arith.constant 16 : i32
        %parallel_loop3A_1082 = arith.muli %parallel_loop3A_143, %parallel_loop3A_1081 : i32
        %parallel_loop3A_1083 = arith.addi %mul3A_137, %parallel_loop3A_1082 : i32
        %parallel_loop3A_1084 = arith.constant 11 : i32
        %parallel_loop3A_1085 = arith.addi %parallel_loop3A_1083, %parallel_loop3A_1084 : i32
        %parallel_loop3A_1086 = arith.index_cast %parallel_loop3A_1085 : i32 to index
        %parallel_loop3A_1087 = arith.constant 0 : index
        %parallel_loop3A_1088 = tpu.vector_load %arg5[%parallel_loop3A_1086, %parallel_loop3A_1087] {strides = array<i32>} : memref<800x128xf32, #tpu.memory_space<vmem>>, vector<1x16xf32>,
        %parallel_loop3A_1089 = vector.shape_cast %parallel_loop3A_1088 : vector<1x16xf32> to vector<16xf32>
        %parallel_loop3A_1090 = arith.addf %parallel_loop3A_1005, %parallel_loop3A_1089 : vector<16xf32>
        %parallel_loop3A_1091 = arith.mulf %parallel_loop3A_1089, %parallel_loop3A_1077 : vector<16xf32>
        %parallel_loop3A_1092 = arith.addf %parallel_loop3A_1007, %parallel_loop3A_1091 : vector<16xf32>
        %parallel_loop3A_1093 = arith.mulf %parallel_loop3A_1089, %parallel_loop3A_1080 : vector<16xf32>
        %parallel_loop3A_1094 = arith.addf %parallel_loop3A_1009, %parallel_loop3A_1093 : vector<16xf32>
        %parallel_loop3A_1095 = arith.index_cast %parallel_loop3A_1085 : i32 to index
        %parallel_loop3A_1096 = arith.constant 16 : index
        %parallel_loop3A_1097 = tpu.vector_load %arg5[%parallel_loop3A_1095, %parallel_loop3A_1096] {strides = array<i32>} : memref<800x128xf32, #tpu.memory_space<vmem>>, vector<1x16xf32>,
        %parallel_loop3A_1098 = vector.shape_cast %parallel_loop3A_1097 : vector<1x16xf32> to vector<16xf32>
        %parallel_loop3A_1099 = arith.addf %parallel_loop3A_1014, %parallel_loop3A_1098 : vector<16xf32>
        %parallel_loop3A_1100 = arith.mulf %parallel_loop3A_1098, %parallel_loop3A_1077 : vector<16xf32>
        %parallel_loop3A_1101 = arith.addf %parallel_loop3A_1016, %parallel_loop3A_1100 : vector<16xf32>
        %parallel_loop3A_1102 = arith.mulf %parallel_loop3A_1098, %parallel_loop3A_1080 : vector<16xf32>
        %parallel_loop3A_1103 = arith.addf %parallel_loop3A_1018, %parallel_loop3A_1102 : vector<16xf32>
        %parallel_loop3A_1104 = arith.index_cast %parallel_loop3A_1085 : i32 to index
        %parallel_loop3A_1105 = arith.constant 32 : index
        %parallel_loop3A_1106 = tpu.vector_load %arg5[%parallel_loop3A_1104, %parallel_loop3A_1105] {strides = array<i32>} : memref<800x128xf32, #tpu.memory_space<vmem>>, vector<1x16xf32>,
        %parallel_loop3A_1107 = vector.shape_cast %parallel_loop3A_1106 : vector<1x16xf32> to vector<16xf32>
        %parallel_loop3A_1108 = arith.addf %parallel_loop3A_1023, %parallel_loop3A_1107 : vector<16xf32>
        %parallel_loop3A_1109 = arith.mulf %parallel_loop3A_1107, %parallel_loop3A_1077 : vector<16xf32>
        %parallel_loop3A_1110 = arith.addf %parallel_loop3A_1025, %parallel_loop3A_1109 : vector<16xf32>
        %parallel_loop3A_1111 = arith.mulf %parallel_loop3A_1107, %parallel_loop3A_1080 : vector<16xf32>
        %parallel_loop3A_1112 = arith.addf %parallel_loop3A_1027, %parallel_loop3A_1111 : vector<16xf32>
        %parallel_loop3A_1113 = arith.index_cast %parallel_loop3A_1085 : i32 to index
        %parallel_loop3A_1114 = arith.constant 48 : index
        %parallel_loop3A_1115 = tpu.vector_load %arg5[%parallel_loop3A_1113, %parallel_loop3A_1114] {strides = array<i32>} : memref<800x128xf32, #tpu.memory_space<vmem>>, vector<1x16xf32>,
        %parallel_loop3A_1116 = vector.shape_cast %parallel_loop3A_1115 : vector<1x16xf32> to vector<16xf32>
        %parallel_loop3A_1117 = arith.addf %parallel_loop3A_1032, %parallel_loop3A_1116 : vector<16xf32>
        %parallel_loop3A_1118 = arith.mulf %parallel_loop3A_1116, %parallel_loop3A_1077 : vector<16xf32>
        %parallel_loop3A_1119 = arith.addf %parallel_loop3A_1034, %parallel_loop3A_1118 : vector<16xf32>
        %parallel_loop3A_1120 = arith.mulf %parallel_loop3A_1116, %parallel_loop3A_1080 : vector<16xf32>
        %parallel_loop3A_1121 = arith.addf %parallel_loop3A_1036, %parallel_loop3A_1120 : vector<16xf32>
        %parallel_loop3A_1122 = arith.index_cast %parallel_loop3A_1085 : i32 to index
        %parallel_loop3A_1123 = arith.constant 64 : index
        %parallel_loop3A_1124 = tpu.vector_load %arg5[%parallel_loop3A_1122, %parallel_loop3A_1123] {strides = array<i32>} : memref<800x128xf32, #tpu.memory_space<vmem>>, vector<1x16xf32>,
        %parallel_loop3A_1125 = vector.shape_cast %parallel_loop3A_1124 : vector<1x16xf32> to vector<16xf32>
        %parallel_loop3A_1126 = arith.addf %parallel_loop3A_1041, %parallel_loop3A_1125 : vector<16xf32>
        %parallel_loop3A_1127 = arith.mulf %parallel_loop3A_1125, %parallel_loop3A_1077 : vector<16xf32>
        %parallel_loop3A_1128 = arith.addf %parallel_loop3A_1043, %parallel_loop3A_1127 : vector<16xf32>
        %parallel_loop3A_1129 = arith.mulf %parallel_loop3A_1125, %parallel_loop3A_1080 : vector<16xf32>
        %parallel_loop3A_1130 = arith.addf %parallel_loop3A_1045, %parallel_loop3A_1129 : vector<16xf32>
        %parallel_loop3A_1131 = arith.index_cast %parallel_loop3A_1085 : i32 to index
        %parallel_loop3A_1132 = arith.constant 80 : index
        %parallel_loop3A_1133 = tpu.vector_load %arg5[%parallel_loop3A_1131, %parallel_loop3A_1132] {strides = array<i32>} : memref<800x128xf32, #tpu.memory_space<vmem>>, vector<1x16xf32>,
        %parallel_loop3A_1134 = vector.shape_cast %parallel_loop3A_1133 : vector<1x16xf32> to vector<16xf32>
        %parallel_loop3A_1135 = arith.addf %parallel_loop3A_1050, %parallel_loop3A_1134 : vector<16xf32>
        %parallel_loop3A_1136 = arith.mulf %parallel_loop3A_1134, %parallel_loop3A_1077 : vector<16xf32>
        %parallel_loop3A_1137 = arith.addf %parallel_loop3A_1052, %parallel_loop3A_1136 : vector<16xf32>
        %parallel_loop3A_1138 = arith.mulf %parallel_loop3A_1134, %parallel_loop3A_1080 : vector<16xf32>
        %parallel_loop3A_1139 = arith.addf %parallel_loop3A_1054, %parallel_loop3A_1138 : vector<16xf32>
        %parallel_loop3A_1140 = arith.index_cast %parallel_loop3A_1085 : i32 to index
        %parallel_loop3A_1141 = arith.constant 96 : index
        %parallel_loop3A_1142 = tpu.vector_load %arg5[%parallel_loop3A_1140, %parallel_loop3A_1141] {strides = array<i32>} : memref<800x128xf32, #tpu.memory_space<vmem>>, vector<1x16xf32>,
        %parallel_loop3A_1143 = vector.shape_cast %parallel_loop3A_1142 : vector<1x16xf32> to vector<16xf32>
        %parallel_loop3A_1144 = arith.addf %parallel_loop3A_1059, %parallel_loop3A_1143 : vector<16xf32>
        %parallel_loop3A_1145 = arith.mulf %parallel_loop3A_1143, %parallel_loop3A_1077 : vector<16xf32>
        %parallel_loop3A_1146 = arith.addf %parallel_loop3A_1061, %parallel_loop3A_1145 : vector<16xf32>
        %parallel_loop3A_1147 = arith.mulf %parallel_loop3A_1143, %parallel_loop3A_1080 : vector<16xf32>
        %parallel_loop3A_1148 = arith.addf %parallel_loop3A_1063, %parallel_loop3A_1147 : vector<16xf32>
        %parallel_loop3A_1149 = arith.index_cast %parallel_loop3A_1085 : i32 to index
        %parallel_loop3A_1150 = arith.constant 112 : index
        %parallel_loop3A_1151 = tpu.vector_load %arg5[%parallel_loop3A_1149, %parallel_loop3A_1150] {strides = array<i32>} : memref<800x128xf32, #tpu.memory_space<vmem>>, vector<1x16xf32>,
        %parallel_loop3A_1152 = vector.shape_cast %parallel_loop3A_1151 : vector<1x16xf32> to vector<16xf32>
        %parallel_loop3A_1153 = arith.addf %parallel_loop3A_1068, %parallel_loop3A_1152 : vector<16xf32>
        %parallel_loop3A_1154 = arith.mulf %parallel_loop3A_1152, %parallel_loop3A_1077 : vector<16xf32>
        %parallel_loop3A_1155 = arith.addf %parallel_loop3A_1070, %parallel_loop3A_1154 : vector<16xf32>
        %parallel_loop3A_1156 = arith.mulf %parallel_loop3A_1152, %parallel_loop3A_1080 : vector<16xf32>
        %parallel_loop3A_1157 = arith.addf %parallel_loop3A_1072, %parallel_loop3A_1156 : vector<16xf32>
        %parallel_loop3A_1158 = arith.constant 12 : i32
        %parallel_loop3A_1159 = vector.broadcast %parallel_loop3A_1158 : i32 to vector<16xi32>
        %parallel_loop3A_1160 = vector.shape_cast %parallel_loop3A_1159 : vector<16xi32> to vector<16x1xi32>
        %parallel_loop3A_1161 = vector.shape_cast %parallel_loop3A_1160 : vector<16x1xi32> to vector<16xi32>
        %parallel_loop3A_1162 = tpu.dynamic_gather %parallel_loop3A_157[%parallel_loop3A_1161] in [0] : vector<16xf32>, vector<16xi32> -> vector<16xf32>
        %parallel_loop3A_1163 = vector.shape_cast %parallel_loop3A_1159 : vector<16xi32> to vector<16x1xi32>
        %parallel_loop3A_1164 = vector.shape_cast %parallel_loop3A_1163 : vector<16x1xi32> to vector<16xi32>
        %parallel_loop3A_1165 = tpu.dynamic_gather %parallel_loop3A_161[%parallel_loop3A_1164] in [0] : vector<16xf32>, vector<16xi32> -> vector<16xf32>
        %parallel_loop3A_1166 = arith.constant 16 : i32
        %parallel_loop3A_1167 = arith.muli %parallel_loop3A_143, %parallel_loop3A_1166 : i32
        %parallel_loop3A_1168 = arith.addi %mul3A_137, %parallel_loop3A_1167 : i32
        %parallel_loop3A_1169 = arith.constant 12 : i32
        %parallel_loop3A_1170 = arith.addi %parallel_loop3A_1168, %parallel_loop3A_1169 : i32
        %parallel_loop3A_1171 = arith.index_cast %parallel_loop3A_1170 : i32 to index
        %parallel_loop3A_1172 = arith.constant 0 : index
        %parallel_loop3A_1173 = tpu.vector_load %arg5[%parallel_loop3A_1171, %parallel_loop3A_1172] {strides = array<i32>} : memref<800x128xf32, #tpu.memory_space<vmem>>, vector<1x16xf32>,
        %parallel_loop3A_1174 = vector.shape_cast %parallel_loop3A_1173 : vector<1x16xf32> to vector<16xf32>
        %parallel_loop3A_1175 = arith.addf %parallel_loop3A_1090, %parallel_loop3A_1174 : vector<16xf32>
        %parallel_loop3A_1176 = arith.mulf %parallel_loop3A_1174, %parallel_loop3A_1162 : vector<16xf32>
        %parallel_loop3A_1177 = arith.addf %parallel_loop3A_1092, %parallel_loop3A_1176 : vector<16xf32>
        %parallel_loop3A_1178 = arith.mulf %parallel_loop3A_1174, %parallel_loop3A_1165 : vector<16xf32>
        %parallel_loop3A_1179 = arith.addf %parallel_loop3A_1094, %parallel_loop3A_1178 : vector<16xf32>
        %parallel_loop3A_1180 = arith.index_cast %parallel_loop3A_1170 : i32 to index
        %parallel_loop3A_1181 = arith.constant 16 : index
        %parallel_loop3A_1182 = tpu.vector_load %arg5[%parallel_loop3A_1180, %parallel_loop3A_1181] {strides = array<i32>} : memref<800x128xf32, #tpu.memory_space<vmem>>, vector<1x16xf32>,
        %parallel_loop3A_1183 = vector.shape_cast %parallel_loop3A_1182 : vector<1x16xf32> to vector<16xf32>
        %parallel_loop3A_1184 = arith.addf %parallel_loop3A_1099, %parallel_loop3A_1183 : vector<16xf32>
        %parallel_loop3A_1185 = arith.mulf %parallel_loop3A_1183, %parallel_loop3A_1162 : vector<16xf32>
        %parallel_loop3A_1186 = arith.addf %parallel_loop3A_1101, %parallel_loop3A_1185 : vector<16xf32>
        %parallel_loop3A_1187 = arith.mulf %parallel_loop3A_1183, %parallel_loop3A_1165 : vector<16xf32>
        %parallel_loop3A_1188 = arith.addf %parallel_loop3A_1103, %parallel_loop3A_1187 : vector<16xf32>
        %parallel_loop3A_1189 = arith.index_cast %parallel_loop3A_1170 : i32 to index
        %parallel_loop3A_1190 = arith.constant 32 : index
        %parallel_loop3A_1191 = tpu.vector_load %arg5[%parallel_loop3A_1189, %parallel_loop3A_1190] {strides = array<i32>} : memref<800x128xf32, #tpu.memory_space<vmem>>, vector<1x16xf32>,
        %parallel_loop3A_1192 = vector.shape_cast %parallel_loop3A_1191 : vector<1x16xf32> to vector<16xf32>
        %parallel_loop3A_1193 = arith.addf %parallel_loop3A_1108, %parallel_loop3A_1192 : vector<16xf32>
        %parallel_loop3A_1194 = arith.mulf %parallel_loop3A_1192, %parallel_loop3A_1162 : vector<16xf32>
        %parallel_loop3A_1195 = arith.addf %parallel_loop3A_1110, %parallel_loop3A_1194 : vector<16xf32>
        %parallel_loop3A_1196 = arith.mulf %parallel_loop3A_1192, %parallel_loop3A_1165 : vector<16xf32>
        %parallel_loop3A_1197 = arith.addf %parallel_loop3A_1112, %parallel_loop3A_1196 : vector<16xf32>
        %parallel_loop3A_1198 = arith.index_cast %parallel_loop3A_1170 : i32 to index
        %parallel_loop3A_1199 = arith.constant 48 : index
        %parallel_loop3A_1200 = tpu.vector_load %arg5[%parallel_loop3A_1198, %parallel_loop3A_1199] {strides = array<i32>} : memref<800x128xf32, #tpu.memory_space<vmem>>, vector<1x16xf32>,
        %parallel_loop3A_1201 = vector.shape_cast %parallel_loop3A_1200 : vector<1x16xf32> to vector<16xf32>
        %parallel_loop3A_1202 = arith.addf %parallel_loop3A_1117, %parallel_loop3A_1201 : vector<16xf32>
        %parallel_loop3A_1203 = arith.mulf %parallel_loop3A_1201, %parallel_loop3A_1162 : vector<16xf32>
        %parallel_loop3A_1204 = arith.addf %parallel_loop3A_1119, %parallel_loop3A_1203 : vector<16xf32>
        %parallel_loop3A_1205 = arith.mulf %parallel_loop3A_1201, %parallel_loop3A_1165 : vector<16xf32>
        %parallel_loop3A_1206 = arith.addf %parallel_loop3A_1121, %parallel_loop3A_1205 : vector<16xf32>
        %parallel_loop3A_1207 = arith.index_cast %parallel_loop3A_1170 : i32 to index
        %parallel_loop3A_1208 = arith.constant 64 : index
        %parallel_loop3A_1209 = tpu.vector_load %arg5[%parallel_loop3A_1207, %parallel_loop3A_1208] {strides = array<i32>} : memref<800x128xf32, #tpu.memory_space<vmem>>, vector<1x16xf32>,
        %parallel_loop3A_1210 = vector.shape_cast %parallel_loop3A_1209 : vector<1x16xf32> to vector<16xf32>
        %parallel_loop3A_1211 = arith.addf %parallel_loop3A_1126, %parallel_loop3A_1210 : vector<16xf32>
        %parallel_loop3A_1212 = arith.mulf %parallel_loop3A_1210, %parallel_loop3A_1162 : vector<16xf32>
        %parallel_loop3A_1213 = arith.addf %parallel_loop3A_1128, %parallel_loop3A_1212 : vector<16xf32>
        %parallel_loop3A_1214 = arith.mulf %parallel_loop3A_1210, %parallel_loop3A_1165 : vector<16xf32>
        %parallel_loop3A_1215 = arith.addf %parallel_loop3A_1130, %parallel_loop3A_1214 : vector<16xf32>
        %parallel_loop3A_1216 = arith.index_cast %parallel_loop3A_1170 : i32 to index
        %parallel_loop3A_1217 = arith.constant 80 : index
        %parallel_loop3A_1218 = tpu.vector_load %arg5[%parallel_loop3A_1216, %parallel_loop3A_1217] {strides = array<i32>} : memref<800x128xf32, #tpu.memory_space<vmem>>, vector<1x16xf32>,
        %parallel_loop3A_1219 = vector.shape_cast %parallel_loop3A_1218 : vector<1x16xf32> to vector<16xf32>
        %parallel_loop3A_1220 = arith.addf %parallel_loop3A_1135, %parallel_loop3A_1219 : vector<16xf32>
        %parallel_loop3A_1221 = arith.mulf %parallel_loop3A_1219, %parallel_loop3A_1162 : vector<16xf32>
        %parallel_loop3A_1222 = arith.addf %parallel_loop3A_1137, %parallel_loop3A_1221 : vector<16xf32>
        %parallel_loop3A_1223 = arith.mulf %parallel_loop3A_1219, %parallel_loop3A_1165 : vector<16xf32>
        %parallel_loop3A_1224 = arith.addf %parallel_loop3A_1139, %parallel_loop3A_1223 : vector<16xf32>
        %parallel_loop3A_1225 = arith.index_cast %parallel_loop3A_1170 : i32 to index
        %parallel_loop3A_1226 = arith.constant 96 : index
        %parallel_loop3A_1227 = tpu.vector_load %arg5[%parallel_loop3A_1225, %parallel_loop3A_1226] {strides = array<i32>} : memref<800x128xf32, #tpu.memory_space<vmem>>, vector<1x16xf32>,
        %parallel_loop3A_1228 = vector.shape_cast %parallel_loop3A_1227 : vector<1x16xf32> to vector<16xf32>
        %parallel_loop3A_1229 = arith.addf %parallel_loop3A_1144, %parallel_loop3A_1228 : vector<16xf32>
        %parallel_loop3A_1230 = arith.mulf %parallel_loop3A_1228, %parallel_loop3A_1162 : vector<16xf32>
        %parallel_loop3A_1231 = arith.addf %parallel_loop3A_1146, %parallel_loop3A_1230 : vector<16xf32>
        %parallel_loop3A_1232 = arith.mulf %parallel_loop3A_1228, %parallel_loop3A_1165 : vector<16xf32>
        %parallel_loop3A_1233 = arith.addf %parallel_loop3A_1148, %parallel_loop3A_1232 : vector<16xf32>
        %parallel_loop3A_1234 = arith.index_cast %parallel_loop3A_1170 : i32 to index
        %parallel_loop3A_1235 = arith.constant 112 : index
        %parallel_loop3A_1236 = tpu.vector_load %arg5[%parallel_loop3A_1234, %parallel_loop3A_1235] {strides = array<i32>} : memref<800x128xf32, #tpu.memory_space<vmem>>, vector<1x16xf32>,
        %parallel_loop3A_1237 = vector.shape_cast %parallel_loop3A_1236 : vector<1x16xf32> to vector<16xf32>
        %parallel_loop3A_1238 = arith.addf %parallel_loop3A_1153, %parallel_loop3A_1237 : vector<16xf32>
        %parallel_loop3A_1239 = arith.mulf %parallel_loop3A_1237, %parallel_loop3A_1162 : vector<16xf32>
        %parallel_loop3A_1240 = arith.addf %parallel_loop3A_1155, %parallel_loop3A_1239 : vector<16xf32>
        %parallel_loop3A_1241 = arith.mulf %parallel_loop3A_1237, %parallel_loop3A_1165 : vector<16xf32>
        %parallel_loop3A_1242 = arith.addf %parallel_loop3A_1157, %parallel_loop3A_1241 : vector<16xf32>
        %parallel_loop3A_1243 = arith.constant 13 : i32
        %parallel_loop3A_1244 = vector.broadcast %parallel_loop3A_1243 : i32 to vector<16xi32>
        %parallel_loop3A_1245 = vector.shape_cast %parallel_loop3A_1244 : vector<16xi32> to vector<16x1xi32>
        %parallel_loop3A_1246 = vector.shape_cast %parallel_loop3A_1245 : vector<16x1xi32> to vector<16xi32>
        %parallel_loop3A_1247 = tpu.dynamic_gather %parallel_loop3A_157[%parallel_loop3A_1246] in [0] : vector<16xf32>, vector<16xi32> -> vector<16xf32>
        %parallel_loop3A_1248 = vector.shape_cast %parallel_loop3A_1244 : vector<16xi32> to vector<16x1xi32>
        %parallel_loop3A_1249 = vector.shape_cast %parallel_loop3A_1248 : vector<16x1xi32> to vector<16xi32>
        %parallel_loop3A_1250 = tpu.dynamic_gather %parallel_loop3A_161[%parallel_loop3A_1249] in [0] : vector<16xf32>, vector<16xi32> -> vector<16xf32>
        %parallel_loop3A_1251 = arith.constant 16 : i32
        %parallel_loop3A_1252 = arith.muli %parallel_loop3A_143, %parallel_loop3A_1251 : i32
        %parallel_loop3A_1253 = arith.addi %mul3A_137, %parallel_loop3A_1252 : i32
        %parallel_loop3A_1254 = arith.constant 13 : i32
        %parallel_loop3A_1255 = arith.addi %parallel_loop3A_1253, %parallel_loop3A_1254 : i32
        %parallel_loop3A_1256 = arith.index_cast %parallel_loop3A_1255 : i32 to index
        %parallel_loop3A_1257 = arith.constant 0 : index
        %parallel_loop3A_1258 = tpu.vector_load %arg5[%parallel_loop3A_1256, %parallel_loop3A_1257] {strides = array<i32>} : memref<800x128xf32, #tpu.memory_space<vmem>>, vector<1x16xf32>,
        %parallel_loop3A_1259 = vector.shape_cast %parallel_loop3A_1258 : vector<1x16xf32> to vector<16xf32>
        %parallel_loop3A_1260 = arith.addf %parallel_loop3A_1175, %parallel_loop3A_1259 : vector<16xf32>
        %parallel_loop3A_1261 = arith.mulf %parallel_loop3A_1259, %parallel_loop3A_1247 : vector<16xf32>
        %parallel_loop3A_1262 = arith.addf %parallel_loop3A_1177, %parallel_loop3A_1261 : vector<16xf32>
        %parallel_loop3A_1263 = arith.mulf %parallel_loop3A_1259, %parallel_loop3A_1250 : vector<16xf32>
        %parallel_loop3A_1264 = arith.addf %parallel_loop3A_1179, %parallel_loop3A_1263 : vector<16xf32>
        %parallel_loop3A_1265 = arith.index_cast %parallel_loop3A_1255 : i32 to index
        %parallel_loop3A_1266 = arith.constant 16 : index
        %parallel_loop3A_1267 = tpu.vector_load %arg5[%parallel_loop3A_1265, %parallel_loop3A_1266] {strides = array<i32>} : memref<800x128xf32, #tpu.memory_space<vmem>>, vector<1x16xf32>,
        %parallel_loop3A_1268 = vector.shape_cast %parallel_loop3A_1267 : vector<1x16xf32> to vector<16xf32>
        %parallel_loop3A_1269 = arith.addf %parallel_loop3A_1184, %parallel_loop3A_1268 : vector<16xf32>
        %parallel_loop3A_1270 = arith.mulf %parallel_loop3A_1268, %parallel_loop3A_1247 : vector<16xf32>
        %parallel_loop3A_1271 = arith.addf %parallel_loop3A_1186, %parallel_loop3A_1270 : vector<16xf32>
        %parallel_loop3A_1272 = arith.mulf %parallel_loop3A_1268, %parallel_loop3A_1250 : vector<16xf32>
        %parallel_loop3A_1273 = arith.addf %parallel_loop3A_1188, %parallel_loop3A_1272 : vector<16xf32>
        %parallel_loop3A_1274 = arith.index_cast %parallel_loop3A_1255 : i32 to index
        %parallel_loop3A_1275 = arith.constant 32 : index
        %parallel_loop3A_1276 = tpu.vector_load %arg5[%parallel_loop3A_1274, %parallel_loop3A_1275] {strides = array<i32>} : memref<800x128xf32, #tpu.memory_space<vmem>>, vector<1x16xf32>,
        %parallel_loop3A_1277 = vector.shape_cast %parallel_loop3A_1276 : vector<1x16xf32> to vector<16xf32>
        %parallel_loop3A_1278 = arith.addf %parallel_loop3A_1193, %parallel_loop3A_1277 : vector<16xf32>
        %parallel_loop3A_1279 = arith.mulf %parallel_loop3A_1277, %parallel_loop3A_1247 : vector<16xf32>
        %parallel_loop3A_1280 = arith.addf %parallel_loop3A_1195, %parallel_loop3A_1279 : vector<16xf32>
        %parallel_loop3A_1281 = arith.mulf %parallel_loop3A_1277, %parallel_loop3A_1250 : vector<16xf32>
        %parallel_loop3A_1282 = arith.addf %parallel_loop3A_1197, %parallel_loop3A_1281 : vector<16xf32>
        %parallel_loop3A_1283 = arith.index_cast %parallel_loop3A_1255 : i32 to index
        %parallel_loop3A_1284 = arith.constant 48 : index
        %parallel_loop3A_1285 = tpu.vector_load %arg5[%parallel_loop3A_1283, %parallel_loop3A_1284] {strides = array<i32>} : memref<800x128xf32, #tpu.memory_space<vmem>>, vector<1x16xf32>,
        %parallel_loop3A_1286 = vector.shape_cast %parallel_loop3A_1285 : vector<1x16xf32> to vector<16xf32>
        %parallel_loop3A_1287 = arith.addf %parallel_loop3A_1202, %parallel_loop3A_1286 : vector<16xf32>
        %parallel_loop3A_1288 = arith.mulf %parallel_loop3A_1286, %parallel_loop3A_1247 : vector<16xf32>
        %parallel_loop3A_1289 = arith.addf %parallel_loop3A_1204, %parallel_loop3A_1288 : vector<16xf32>
        %parallel_loop3A_1290 = arith.mulf %parallel_loop3A_1286, %parallel_loop3A_1250 : vector<16xf32>
        %parallel_loop3A_1291 = arith.addf %parallel_loop3A_1206, %parallel_loop3A_1290 : vector<16xf32>
        %parallel_loop3A_1292 = arith.index_cast %parallel_loop3A_1255 : i32 to index
        %parallel_loop3A_1293 = arith.constant 64 : index
        %parallel_loop3A_1294 = tpu.vector_load %arg5[%parallel_loop3A_1292, %parallel_loop3A_1293] {strides = array<i32>} : memref<800x128xf32, #tpu.memory_space<vmem>>, vector<1x16xf32>,
        %parallel_loop3A_1295 = vector.shape_cast %parallel_loop3A_1294 : vector<1x16xf32> to vector<16xf32>
        %parallel_loop3A_1296 = arith.addf %parallel_loop3A_1211, %parallel_loop3A_1295 : vector<16xf32>
        %parallel_loop3A_1297 = arith.mulf %parallel_loop3A_1295, %parallel_loop3A_1247 : vector<16xf32>
        %parallel_loop3A_1298 = arith.addf %parallel_loop3A_1213, %parallel_loop3A_1297 : vector<16xf32>
        %parallel_loop3A_1299 = arith.mulf %parallel_loop3A_1295, %parallel_loop3A_1250 : vector<16xf32>
        %parallel_loop3A_1300 = arith.addf %parallel_loop3A_1215, %parallel_loop3A_1299 : vector<16xf32>
        %parallel_loop3A_1301 = arith.index_cast %parallel_loop3A_1255 : i32 to index
        %parallel_loop3A_1302 = arith.constant 80 : index
        %parallel_loop3A_1303 = tpu.vector_load %arg5[%parallel_loop3A_1301, %parallel_loop3A_1302] {strides = array<i32>} : memref<800x128xf32, #tpu.memory_space<vmem>>, vector<1x16xf32>,
        %parallel_loop3A_1304 = vector.shape_cast %parallel_loop3A_1303 : vector<1x16xf32> to vector<16xf32>
        %parallel_loop3A_1305 = arith.addf %parallel_loop3A_1220, %parallel_loop3A_1304 : vector<16xf32>
        %parallel_loop3A_1306 = arith.mulf %parallel_loop3A_1304, %parallel_loop3A_1247 : vector<16xf32>
        %parallel_loop3A_1307 = arith.addf %parallel_loop3A_1222, %parallel_loop3A_1306 : vector<16xf32>
        %parallel_loop3A_1308 = arith.mulf %parallel_loop3A_1304, %parallel_loop3A_1250 : vector<16xf32>
        %parallel_loop3A_1309 = arith.addf %parallel_loop3A_1224, %parallel_loop3A_1308 : vector<16xf32>
        %parallel_loop3A_1310 = arith.index_cast %parallel_loop3A_1255 : i32 to index
        %parallel_loop3A_1311 = arith.constant 96 : index
        %parallel_loop3A_1312 = tpu.vector_load %arg5[%parallel_loop3A_1310, %parallel_loop3A_1311] {strides = array<i32>} : memref<800x128xf32, #tpu.memory_space<vmem>>, vector<1x16xf32>,
        %parallel_loop3A_1313 = vector.shape_cast %parallel_loop3A_1312 : vector<1x16xf32> to vector<16xf32>
        %parallel_loop3A_1314 = arith.addf %parallel_loop3A_1229, %parallel_loop3A_1313 : vector<16xf32>
        %parallel_loop3A_1315 = arith.mulf %parallel_loop3A_1313, %parallel_loop3A_1247 : vector<16xf32>
        %parallel_loop3A_1316 = arith.addf %parallel_loop3A_1231, %parallel_loop3A_1315 : vector<16xf32>
        %parallel_loop3A_1317 = arith.mulf %parallel_loop3A_1313, %parallel_loop3A_1250 : vector<16xf32>
        %parallel_loop3A_1318 = arith.addf %parallel_loop3A_1233, %parallel_loop3A_1317 : vector<16xf32>
        %parallel_loop3A_1319 = arith.index_cast %parallel_loop3A_1255 : i32 to index
        %parallel_loop3A_1320 = arith.constant 112 : index
        %parallel_loop3A_1321 = tpu.vector_load %arg5[%parallel_loop3A_1319, %parallel_loop3A_1320] {strides = array<i32>} : memref<800x128xf32, #tpu.memory_space<vmem>>, vector<1x16xf32>,
        %parallel_loop3A_1322 = vector.shape_cast %parallel_loop3A_1321 : vector<1x16xf32> to vector<16xf32>
        %parallel_loop3A_1323 = arith.addf %parallel_loop3A_1238, %parallel_loop3A_1322 : vector<16xf32>
        %parallel_loop3A_1324 = arith.mulf %parallel_loop3A_1322, %parallel_loop3A_1247 : vector<16xf32>
        %parallel_loop3A_1325 = arith.addf %parallel_loop3A_1240, %parallel_loop3A_1324 : vector<16xf32>
        %parallel_loop3A_1326 = arith.mulf %parallel_loop3A_1322, %parallel_loop3A_1250 : vector<16xf32>
        %parallel_loop3A_1327 = arith.addf %parallel_loop3A_1242, %parallel_loop3A_1326 : vector<16xf32>
        %parallel_loop3A_1328 = arith.constant 14 : i32
        %parallel_loop3A_1329 = vector.broadcast %parallel_loop3A_1328 : i32 to vector<16xi32>
        %parallel_loop3A_1330 = vector.shape_cast %parallel_loop3A_1329 : vector<16xi32> to vector<16x1xi32>
        %parallel_loop3A_1331 = vector.shape_cast %parallel_loop3A_1330 : vector<16x1xi32> to vector<16xi32>
        %parallel_loop3A_1332 = tpu.dynamic_gather %parallel_loop3A_157[%parallel_loop3A_1331] in [0] : vector<16xf32>, vector<16xi32> -> vector<16xf32>
        %parallel_loop3A_1333 = vector.shape_cast %parallel_loop3A_1329 : vector<16xi32> to vector<16x1xi32>
        %parallel_loop3A_1334 = vector.shape_cast %parallel_loop3A_1333 : vector<16x1xi32> to vector<16xi32>
        %parallel_loop3A_1335 = tpu.dynamic_gather %parallel_loop3A_161[%parallel_loop3A_1334] in [0] : vector<16xf32>, vector<16xi32> -> vector<16xf32>
        %parallel_loop3A_1336 = arith.constant 16 : i32
        %parallel_loop3A_1337 = arith.muli %parallel_loop3A_143, %parallel_loop3A_1336 : i32
        %parallel_loop3A_1338 = arith.addi %mul3A_137, %parallel_loop3A_1337 : i32
        %parallel_loop3A_1339 = arith.constant 14 : i32
        %parallel_loop3A_1340 = arith.addi %parallel_loop3A_1338, %parallel_loop3A_1339 : i32
        %parallel_loop3A_1341 = arith.index_cast %parallel_loop3A_1340 : i32 to index
        %parallel_loop3A_1342 = arith.constant 0 : index
        %parallel_loop3A_1343 = tpu.vector_load %arg5[%parallel_loop3A_1341, %parallel_loop3A_1342] {strides = array<i32>} : memref<800x128xf32, #tpu.memory_space<vmem>>, vector<1x16xf32>,
        %parallel_loop3A_1344 = vector.shape_cast %parallel_loop3A_1343 : vector<1x16xf32> to vector<16xf32>
        %parallel_loop3A_1345 = arith.addf %parallel_loop3A_1260, %parallel_loop3A_1344 : vector<16xf32>
        %parallel_loop3A_1346 = arith.mulf %parallel_loop3A_1344, %parallel_loop3A_1332 : vector<16xf32>
        %parallel_loop3A_1347 = arith.addf %parallel_loop3A_1262, %parallel_loop3A_1346 : vector<16xf32>
        %parallel_loop3A_1348 = arith.mulf %parallel_loop3A_1344, %parallel_loop3A_1335 : vector<16xf32>
        %parallel_loop3A_1349 = arith.addf %parallel_loop3A_1264, %parallel_loop3A_1348 : vector<16xf32>
        %parallel_loop3A_1350 = arith.index_cast %parallel_loop3A_1340 : i32 to index
        %parallel_loop3A_1351 = arith.constant 16 : index
        %parallel_loop3A_1352 = tpu.vector_load %arg5[%parallel_loop3A_1350, %parallel_loop3A_1351] {strides = array<i32>} : memref<800x128xf32, #tpu.memory_space<vmem>>, vector<1x16xf32>,
        %parallel_loop3A_1353 = vector.shape_cast %parallel_loop3A_1352 : vector<1x16xf32> to vector<16xf32>
        %parallel_loop3A_1354 = arith.addf %parallel_loop3A_1269, %parallel_loop3A_1353 : vector<16xf32>
        %parallel_loop3A_1355 = arith.mulf %parallel_loop3A_1353, %parallel_loop3A_1332 : vector<16xf32>
        %parallel_loop3A_1356 = arith.addf %parallel_loop3A_1271, %parallel_loop3A_1355 : vector<16xf32>
        %parallel_loop3A_1357 = arith.mulf %parallel_loop3A_1353, %parallel_loop3A_1335 : vector<16xf32>
        %parallel_loop3A_1358 = arith.addf %parallel_loop3A_1273, %parallel_loop3A_1357 : vector<16xf32>
        %parallel_loop3A_1359 = arith.index_cast %parallel_loop3A_1340 : i32 to index
        %parallel_loop3A_1360 = arith.constant 32 : index
        %parallel_loop3A_1361 = tpu.vector_load %arg5[%parallel_loop3A_1359, %parallel_loop3A_1360] {strides = array<i32>} : memref<800x128xf32, #tpu.memory_space<vmem>>, vector<1x16xf32>,
        %parallel_loop3A_1362 = vector.shape_cast %parallel_loop3A_1361 : vector<1x16xf32> to vector<16xf32>
        %parallel_loop3A_1363 = arith.addf %parallel_loop3A_1278, %parallel_loop3A_1362 : vector<16xf32>
        %parallel_loop3A_1364 = arith.mulf %parallel_loop3A_1362, %parallel_loop3A_1332 : vector<16xf32>
        %parallel_loop3A_1365 = arith.addf %parallel_loop3A_1280, %parallel_loop3A_1364 : vector<16xf32>
        %parallel_loop3A_1366 = arith.mulf %parallel_loop3A_1362, %parallel_loop3A_1335 : vector<16xf32>
        %parallel_loop3A_1367 = arith.addf %parallel_loop3A_1282, %parallel_loop3A_1366 : vector<16xf32>
        %parallel_loop3A_1368 = arith.index_cast %parallel_loop3A_1340 : i32 to index
        %parallel_loop3A_1369 = arith.constant 48 : index
        %parallel_loop3A_1370 = tpu.vector_load %arg5[%parallel_loop3A_1368, %parallel_loop3A_1369] {strides = array<i32>} : memref<800x128xf32, #tpu.memory_space<vmem>>, vector<1x16xf32>,
        %parallel_loop3A_1371 = vector.shape_cast %parallel_loop3A_1370 : vector<1x16xf32> to vector<16xf32>
        %parallel_loop3A_1372 = arith.addf %parallel_loop3A_1287, %parallel_loop3A_1371 : vector<16xf32>
        %parallel_loop3A_1373 = arith.mulf %parallel_loop3A_1371, %parallel_loop3A_1332 : vector<16xf32>
        %parallel_loop3A_1374 = arith.addf %parallel_loop3A_1289, %parallel_loop3A_1373 : vector<16xf32>
        %parallel_loop3A_1375 = arith.mulf %parallel_loop3A_1371, %parallel_loop3A_1335 : vector<16xf32>
        %parallel_loop3A_1376 = arith.addf %parallel_loop3A_1291, %parallel_loop3A_1375 : vector<16xf32>
        %parallel_loop3A_1377 = arith.index_cast %parallel_loop3A_1340 : i32 to index
        %parallel_loop3A_1378 = arith.constant 64 : index
        %parallel_loop3A_1379 = tpu.vector_load %arg5[%parallel_loop3A_1377, %parallel_loop3A_1378] {strides = array<i32>} : memref<800x128xf32, #tpu.memory_space<vmem>>, vector<1x16xf32>,
        %parallel_loop3A_1380 = vector.shape_cast %parallel_loop3A_1379 : vector<1x16xf32> to vector<16xf32>
        %parallel_loop3A_1381 = arith.addf %parallel_loop3A_1296, %parallel_loop3A_1380 : vector<16xf32>
        %parallel_loop3A_1382 = arith.mulf %parallel_loop3A_1380, %parallel_loop3A_1332 : vector<16xf32>
        %parallel_loop3A_1383 = arith.addf %parallel_loop3A_1298, %parallel_loop3A_1382 : vector<16xf32>
        %parallel_loop3A_1384 = arith.mulf %parallel_loop3A_1380, %parallel_loop3A_1335 : vector<16xf32>
        %parallel_loop3A_1385 = arith.addf %parallel_loop3A_1300, %parallel_loop3A_1384 : vector<16xf32>
        %parallel_loop3A_1386 = arith.index_cast %parallel_loop3A_1340 : i32 to index
        %parallel_loop3A_1387 = arith.constant 80 : index
        %parallel_loop3A_1388 = tpu.vector_load %arg5[%parallel_loop3A_1386, %parallel_loop3A_1387] {strides = array<i32>} : memref<800x128xf32, #tpu.memory_space<vmem>>, vector<1x16xf32>,
        %parallel_loop3A_1389 = vector.shape_cast %parallel_loop3A_1388 : vector<1x16xf32> to vector<16xf32>
        %parallel_loop3A_1390 = arith.addf %parallel_loop3A_1305, %parallel_loop3A_1389 : vector<16xf32>
        %parallel_loop3A_1391 = arith.mulf %parallel_loop3A_1389, %parallel_loop3A_1332 : vector<16xf32>
        %parallel_loop3A_1392 = arith.addf %parallel_loop3A_1307, %parallel_loop3A_1391 : vector<16xf32>
        %parallel_loop3A_1393 = arith.mulf %parallel_loop3A_1389, %parallel_loop3A_1335 : vector<16xf32>
        %parallel_loop3A_1394 = arith.addf %parallel_loop3A_1309, %parallel_loop3A_1393 : vector<16xf32>
        %parallel_loop3A_1395 = arith.index_cast %parallel_loop3A_1340 : i32 to index
        %parallel_loop3A_1396 = arith.constant 96 : index
        %parallel_loop3A_1397 = tpu.vector_load %arg5[%parallel_loop3A_1395, %parallel_loop3A_1396] {strides = array<i32>} : memref<800x128xf32, #tpu.memory_space<vmem>>, vector<1x16xf32>,
        %parallel_loop3A_1398 = vector.shape_cast %parallel_loop3A_1397 : vector<1x16xf32> to vector<16xf32>
        %parallel_loop3A_1399 = arith.addf %parallel_loop3A_1314, %parallel_loop3A_1398 : vector<16xf32>
        %parallel_loop3A_1400 = arith.mulf %parallel_loop3A_1398, %parallel_loop3A_1332 : vector<16xf32>
        %parallel_loop3A_1401 = arith.addf %parallel_loop3A_1316, %parallel_loop3A_1400 : vector<16xf32>
        %parallel_loop3A_1402 = arith.mulf %parallel_loop3A_1398, %parallel_loop3A_1335 : vector<16xf32>
        %parallel_loop3A_1403 = arith.addf %parallel_loop3A_1318, %parallel_loop3A_1402 : vector<16xf32>
        %parallel_loop3A_1404 = arith.index_cast %parallel_loop3A_1340 : i32 to index
        %parallel_loop3A_1405 = arith.constant 112 : index
        %parallel_loop3A_1406 = tpu.vector_load %arg5[%parallel_loop3A_1404, %parallel_loop3A_1405] {strides = array<i32>} : memref<800x128xf32, #tpu.memory_space<vmem>>, vector<1x16xf32>,
        %parallel_loop3A_1407 = vector.shape_cast %parallel_loop3A_1406 : vector<1x16xf32> to vector<16xf32>
        %parallel_loop3A_1408 = arith.addf %parallel_loop3A_1323, %parallel_loop3A_1407 : vector<16xf32>
        %parallel_loop3A_1409 = arith.mulf %parallel_loop3A_1407, %parallel_loop3A_1332 : vector<16xf32>
        %parallel_loop3A_1410 = arith.addf %parallel_loop3A_1325, %parallel_loop3A_1409 : vector<16xf32>
        %parallel_loop3A_1411 = arith.mulf %parallel_loop3A_1407, %parallel_loop3A_1335 : vector<16xf32>
        %parallel_loop3A_1412 = arith.addf %parallel_loop3A_1327, %parallel_loop3A_1411 : vector<16xf32>
        %parallel_loop3A_1413 = arith.constant 15 : i32
        %parallel_loop3A_1414 = vector.broadcast %parallel_loop3A_1413 : i32 to vector<16xi32>
        %parallel_loop3A_1415 = vector.shape_cast %parallel_loop3A_1414 : vector<16xi32> to vector<16x1xi32>
        %parallel_loop3A_1416 = vector.shape_cast %parallel_loop3A_1415 : vector<16x1xi32> to vector<16xi32>
        %parallel_loop3A_1417 = tpu.dynamic_gather %parallel_loop3A_157[%parallel_loop3A_1416] in [0] : vector<16xf32>, vector<16xi32> -> vector<16xf32>
        %parallel_loop3A_1418 = vector.shape_cast %parallel_loop3A_1414 : vector<16xi32> to vector<16x1xi32>
        %parallel_loop3A_1419 = vector.shape_cast %parallel_loop3A_1418 : vector<16x1xi32> to vector<16xi32>
        %parallel_loop3A_1420 = tpu.dynamic_gather %parallel_loop3A_161[%parallel_loop3A_1419] in [0] : vector<16xf32>, vector<16xi32> -> vector<16xf32>
        %parallel_loop3A_1421 = arith.constant 16 : i32
        %parallel_loop3A_1422 = arith.muli %parallel_loop3A_143, %parallel_loop3A_1421 : i32
        %parallel_loop3A_1423 = arith.addi %mul3A_137, %parallel_loop3A_1422 : i32
        %parallel_loop3A_1424 = arith.constant 15 : i32
        %parallel_loop3A_1425 = arith.addi %parallel_loop3A_1423, %parallel_loop3A_1424 : i32
        %parallel_loop3A_1426 = arith.index_cast %parallel_loop3A_1425 : i32 to index
        %parallel_loop3A_1427 = arith.constant 0 : index
        %parallel_loop3A_1428 = tpu.vector_load %arg5[%parallel_loop3A_1426, %parallel_loop3A_1427] {strides = array<i32>} : memref<800x128xf32, #tpu.memory_space<vmem>>, vector<1x16xf32>,
        %parallel_loop3A_1429 = vector.shape_cast %parallel_loop3A_1428 : vector<1x16xf32> to vector<16xf32>
        %parallel_loop3A_1430 = arith.addf %parallel_loop3A_1345, %parallel_loop3A_1429 : vector<16xf32>
        %parallel_loop3A_1431 = arith.mulf %parallel_loop3A_1429, %parallel_loop3A_1417 : vector<16xf32>
        %parallel_loop3A_1432 = arith.addf %parallel_loop3A_1347, %parallel_loop3A_1431 : vector<16xf32>
        %parallel_loop3A_1433 = arith.mulf %parallel_loop3A_1429, %parallel_loop3A_1420 : vector<16xf32>
        %parallel_loop3A_1434 = arith.addf %parallel_loop3A_1349, %parallel_loop3A_1433 : vector<16xf32>
        %parallel_loop3A_1435 = arith.index_cast %parallel_loop3A_1425 : i32 to index
        %parallel_loop3A_1436 = arith.constant 16 : index
        %parallel_loop3A_1437 = tpu.vector_load %arg5[%parallel_loop3A_1435, %parallel_loop3A_1436] {strides = array<i32>} : memref<800x128xf32, #tpu.memory_space<vmem>>, vector<1x16xf32>,
        %parallel_loop3A_1438 = vector.shape_cast %parallel_loop3A_1437 : vector<1x16xf32> to vector<16xf32>
        %parallel_loop3A_1439 = arith.addf %parallel_loop3A_1354, %parallel_loop3A_1438 : vector<16xf32>
        %parallel_loop3A_1440 = arith.mulf %parallel_loop3A_1438, %parallel_loop3A_1417 : vector<16xf32>
        %parallel_loop3A_1441 = arith.addf %parallel_loop3A_1356, %parallel_loop3A_1440 : vector<16xf32>
        %parallel_loop3A_1442 = arith.mulf %parallel_loop3A_1438, %parallel_loop3A_1420 : vector<16xf32>
        %parallel_loop3A_1443 = arith.addf %parallel_loop3A_1358, %parallel_loop3A_1442 : vector<16xf32>
        %parallel_loop3A_1444 = arith.index_cast %parallel_loop3A_1425 : i32 to index
        %parallel_loop3A_1445 = arith.constant 32 : index
        %parallel_loop3A_1446 = tpu.vector_load %arg5[%parallel_loop3A_1444, %parallel_loop3A_1445] {strides = array<i32>} : memref<800x128xf32, #tpu.memory_space<vmem>>, vector<1x16xf32>,
        %parallel_loop3A_1447 = vector.shape_cast %parallel_loop3A_1446 : vector<1x16xf32> to vector<16xf32>
        %parallel_loop3A_1448 = arith.addf %parallel_loop3A_1363, %parallel_loop3A_1447 : vector<16xf32>
        %parallel_loop3A_1449 = arith.mulf %parallel_loop3A_1447, %parallel_loop3A_1417 : vector<16xf32>
        %parallel_loop3A_1450 = arith.addf %parallel_loop3A_1365, %parallel_loop3A_1449 : vector<16xf32>
        %parallel_loop3A_1451 = arith.mulf %parallel_loop3A_1447, %parallel_loop3A_1420 : vector<16xf32>
        %parallel_loop3A_1452 = arith.addf %parallel_loop3A_1367, %parallel_loop3A_1451 : vector<16xf32>
        %parallel_loop3A_1453 = arith.index_cast %parallel_loop3A_1425 : i32 to index
        %parallel_loop3A_1454 = arith.constant 48 : index
        %parallel_loop3A_1455 = tpu.vector_load %arg5[%parallel_loop3A_1453, %parallel_loop3A_1454] {strides = array<i32>} : memref<800x128xf32, #tpu.memory_space<vmem>>, vector<1x16xf32>,
        %parallel_loop3A_1456 = vector.shape_cast %parallel_loop3A_1455 : vector<1x16xf32> to vector<16xf32>
        %parallel_loop3A_1457 = arith.addf %parallel_loop3A_1372, %parallel_loop3A_1456 : vector<16xf32>
        %parallel_loop3A_1458 = arith.mulf %parallel_loop3A_1456, %parallel_loop3A_1417 : vector<16xf32>
        %parallel_loop3A_1459 = arith.addf %parallel_loop3A_1374, %parallel_loop3A_1458 : vector<16xf32>
        %parallel_loop3A_1460 = arith.mulf %parallel_loop3A_1456, %parallel_loop3A_1420 : vector<16xf32>
        %parallel_loop3A_1461 = arith.addf %parallel_loop3A_1376, %parallel_loop3A_1460 : vector<16xf32>
        %parallel_loop3A_1462 = arith.index_cast %parallel_loop3A_1425 : i32 to index
        %parallel_loop3A_1463 = arith.constant 64 : index
        %parallel_loop3A_1464 = tpu.vector_load %arg5[%parallel_loop3A_1462, %parallel_loop3A_1463] {strides = array<i32>} : memref<800x128xf32, #tpu.memory_space<vmem>>, vector<1x16xf32>,
        %parallel_loop3A_1465 = vector.shape_cast %parallel_loop3A_1464 : vector<1x16xf32> to vector<16xf32>
        %parallel_loop3A_1466 = arith.addf %parallel_loop3A_1381, %parallel_loop3A_1465 : vector<16xf32>
        %parallel_loop3A_1467 = arith.mulf %parallel_loop3A_1465, %parallel_loop3A_1417 : vector<16xf32>
        %parallel_loop3A_1468 = arith.addf %parallel_loop3A_1383, %parallel_loop3A_1467 : vector<16xf32>
        %parallel_loop3A_1469 = arith.mulf %parallel_loop3A_1465, %parallel_loop3A_1420 : vector<16xf32>
        %parallel_loop3A_1470 = arith.addf %parallel_loop3A_1385, %parallel_loop3A_1469 : vector<16xf32>
        %parallel_loop3A_1471 = arith.index_cast %parallel_loop3A_1425 : i32 to index
        %parallel_loop3A_1472 = arith.constant 80 : index
        %parallel_loop3A_1473 = tpu.vector_load %arg5[%parallel_loop3A_1471, %parallel_loop3A_1472] {strides = array<i32>} : memref<800x128xf32, #tpu.memory_space<vmem>>, vector<1x16xf32>,
        %parallel_loop3A_1474 = vector.shape_cast %parallel_loop3A_1473 : vector<1x16xf32> to vector<16xf32>
        %parallel_loop3A_1475 = arith.addf %parallel_loop3A_1390, %parallel_loop3A_1474 : vector<16xf32>
        %parallel_loop3A_1476 = arith.mulf %parallel_loop3A_1474, %parallel_loop3A_1417 : vector<16xf32>
        %parallel_loop3A_1477 = arith.addf %parallel_loop3A_1392, %parallel_loop3A_1476 : vector<16xf32>
        %parallel_loop3A_1478 = arith.mulf %parallel_loop3A_1474, %parallel_loop3A_1420 : vector<16xf32>
        %parallel_loop3A_1479 = arith.addf %parallel_loop3A_1394, %parallel_loop3A_1478 : vector<16xf32>
        %parallel_loop3A_1480 = arith.index_cast %parallel_loop3A_1425 : i32 to index
        %parallel_loop3A_1481 = arith.constant 96 : index
        %parallel_loop3A_1482 = tpu.vector_load %arg5[%parallel_loop3A_1480, %parallel_loop3A_1481] {strides = array<i32>} : memref<800x128xf32, #tpu.memory_space<vmem>>, vector<1x16xf32>,
        %parallel_loop3A_1483 = vector.shape_cast %parallel_loop3A_1482 : vector<1x16xf32> to vector<16xf32>
        %parallel_loop3A_1484 = arith.addf %parallel_loop3A_1399, %parallel_loop3A_1483 : vector<16xf32>
        %parallel_loop3A_1485 = arith.mulf %parallel_loop3A_1483, %parallel_loop3A_1417 : vector<16xf32>
        %parallel_loop3A_1486 = arith.addf %parallel_loop3A_1401, %parallel_loop3A_1485 : vector<16xf32>
        %parallel_loop3A_1487 = arith.mulf %parallel_loop3A_1483, %parallel_loop3A_1420 : vector<16xf32>
        %parallel_loop3A_1488 = arith.addf %parallel_loop3A_1403, %parallel_loop3A_1487 : vector<16xf32>
        %parallel_loop3A_1489 = arith.index_cast %parallel_loop3A_1425 : i32 to index
        %parallel_loop3A_1490 = arith.constant 112 : index
        %parallel_loop3A_1491 = tpu.vector_load %arg5[%parallel_loop3A_1489, %parallel_loop3A_1490] {strides = array<i32>} : memref<800x128xf32, #tpu.memory_space<vmem>>, vector<1x16xf32>,
        %parallel_loop3A_1492 = vector.shape_cast %parallel_loop3A_1491 : vector<1x16xf32> to vector<16xf32>
        %parallel_loop3A_1493 = arith.addf %parallel_loop3A_1408, %parallel_loop3A_1492 : vector<16xf32>
        %parallel_loop3A_1494 = arith.mulf %parallel_loop3A_1492, %parallel_loop3A_1417 : vector<16xf32>
        %parallel_loop3A_1495 = arith.addf %parallel_loop3A_1410, %parallel_loop3A_1494 : vector<16xf32>
        %parallel_loop3A_1496 = arith.mulf %parallel_loop3A_1492, %parallel_loop3A_1420 : vector<16xf32>
        %parallel_loop3A_1497 = arith.addf %parallel_loop3A_1412, %parallel_loop3A_1496 : vector<16xf32>
        %parallel_loop3A_1498 = arith.constant 0 : index
        %parallel_loop3A_1499 = tpu.vector_load %arg7[%parallel_loop3A_1498] {strides = array<i32>} : memref<384xf32, #tpu.memory_space<vmem>>, vector<16xf32>,
        %parallel_loop3A_1500 = vector.shape_cast %parallel_loop3A_1499 : vector<16xf32> to vector<16xf32>
        %parallel_loop3A_1501 = vector.shape_cast %parallel_loop3A_1432 : vector<16xf32> to vector<16xf32>
        tpu.vector_store %arg7[%parallel_loop3A_1498], %parallel_loop3A_1501 {add = true, strides = array<i32>} : memref<384xf32, #tpu.memory_space<vmem>>, vector<16xf32>,
        %parallel_loop3A_1502 = arith.constant 128 : index
        %parallel_loop3A_1503 = tpu.vector_load %arg7[%parallel_loop3A_1502] {strides = array<i32>} : memref<384xf32, #tpu.memory_space<vmem>>, vector<16xf32>,
        %parallel_loop3A_1504 = vector.shape_cast %parallel_loop3A_1503 : vector<16xf32> to vector<16xf32>
        %parallel_loop3A_1505 = vector.shape_cast %parallel_loop3A_1434 : vector<16xf32> to vector<16xf32>
        tpu.vector_store %arg7[%parallel_loop3A_1502], %parallel_loop3A_1505 {add = true, strides = array<i32>} : memref<384xf32, #tpu.memory_space<vmem>>, vector<16xf32>,
        %parallel_loop3A_1506 = arith.subf %parallel_loop3A_1430, %parallel_loop3A_1432 : vector<16xf32>
        %parallel_loop3A_1507 = arith.subf %parallel_loop3A_1506, %parallel_loop3A_1434 : vector<16xf32>
        %parallel_loop3A_1508 = arith.constant 256 : index
        %parallel_loop3A_1509 = tpu.vector_load %arg7[%parallel_loop3A_1508] {strides = array<i32>} : memref<384xf32, #tpu.memory_space<vmem>>, vector<16xf32>,
        %parallel_loop3A_1510 = vector.shape_cast %parallel_loop3A_1509 : vector<16xf32> to vector<16xf32>
        %parallel_loop3A_1511 = vector.shape_cast %parallel_loop3A_1507 : vector<16xf32> to vector<16xf32>
        tpu.vector_store %arg7[%parallel_loop3A_1508], %parallel_loop3A_1511 {add = true, strides = array<i32>} : memref<384xf32, #tpu.memory_space<vmem>>, vector<16xf32>,
        %parallel_loop3A_1512 = arith.constant 16 : index
        %parallel_loop3A_1513 = tpu.vector_load %arg7[%parallel_loop3A_1512] {strides = array<i32>} : memref<384xf32, #tpu.memory_space<vmem>>, vector<16xf32>,
        %parallel_loop3A_1514 = vector.shape_cast %parallel_loop3A_1513 : vector<16xf32> to vector<16xf32>
        %parallel_loop3A_1515 = vector.shape_cast %parallel_loop3A_1441 : vector<16xf32> to vector<16xf32>
        tpu.vector_store %arg7[%parallel_loop3A_1512], %parallel_loop3A_1515 {add = true, strides = array<i32>} : memref<384xf32, #tpu.memory_space<vmem>>, vector<16xf32>,
        %parallel_loop3A_1516 = arith.constant 144 : index
        %parallel_loop3A_1517 = tpu.vector_load %arg7[%parallel_loop3A_1516] {strides = array<i32>} : memref<384xf32, #tpu.memory_space<vmem>>, vector<16xf32>,
        %parallel_loop3A_1518 = vector.shape_cast %parallel_loop3A_1517 : vector<16xf32> to vector<16xf32>
        %parallel_loop3A_1519 = vector.shape_cast %parallel_loop3A_1443 : vector<16xf32> to vector<16xf32>
        tpu.vector_store %arg7[%parallel_loop3A_1516], %parallel_loop3A_1519 {add = true, strides = array<i32>} : memref<384xf32, #tpu.memory_space<vmem>>, vector<16xf32>,
        %parallel_loop3A_1520 = arith.subf %parallel_loop3A_1439, %parallel_loop3A_1441 : vector<16xf32>
        %parallel_loop3A_1521 = arith.subf %parallel_loop3A_1520, %parallel_loop3A_1443 : vector<16xf32>
        %parallel_loop3A_1522 = arith.constant 272 : index
        %parallel_loop3A_1523 = tpu.vector_load %arg7[%parallel_loop3A_1522] {strides = array<i32>} : memref<384xf32, #tpu.memory_space<vmem>>, vector<16xf32>,
        %parallel_loop3A_1524 = vector.shape_cast %parallel_loop3A_1523 : vector<16xf32> to vector<16xf32>
        %parallel_loop3A_1525 = vector.shape_cast %parallel_loop3A_1521 : vector<16xf32> to vector<16xf32>
        tpu.vector_store %arg7[%parallel_loop3A_1522], %parallel_loop3A_1525 {add = true, strides = array<i32>} : memref<384xf32, #tpu.memory_space<vmem>>, vector<16xf32>,
        %parallel_loop3A_1526 = arith.constant 32 : index
        %parallel_loop3A_1527 = tpu.vector_load %arg7[%parallel_loop3A_1526] {strides = array<i32>} : memref<384xf32, #tpu.memory_space<vmem>>, vector<16xf32>,
        %parallel_loop3A_1528 = vector.shape_cast %parallel_loop3A_1527 : vector<16xf32> to vector<16xf32>
        %parallel_loop3A_1529 = vector.shape_cast %parallel_loop3A_1450 : vector<16xf32> to vector<16xf32>
        tpu.vector_store %arg7[%parallel_loop3A_1526], %parallel_loop3A_1529 {add = true, strides = array<i32>} : memref<384xf32, #tpu.memory_space<vmem>>, vector<16xf32>,
        %parallel_loop3A_1530 = arith.constant 160 : index
        %parallel_loop3A_1531 = tpu.vector_load %arg7[%parallel_loop3A_1530] {strides = array<i32>} : memref<384xf32, #tpu.memory_space<vmem>>, vector<16xf32>,
        %parallel_loop3A_1532 = vector.shape_cast %parallel_loop3A_1531 : vector<16xf32> to vector<16xf32>
        %parallel_loop3A_1533 = vector.shape_cast %parallel_loop3A_1452 : vector<16xf32> to vector<16xf32>
        tpu.vector_store %arg7[%parallel_loop3A_1530], %parallel_loop3A_1533 {add = true, strides = array<i32>} : memref<384xf32, #tpu.memory_space<vmem>>, vector<16xf32>,
        %parallel_loop3A_1534 = arith.subf %parallel_loop3A_1448, %parallel_loop3A_1450 : vector<16xf32>
        %parallel_loop3A_1535 = arith.subf %parallel_loop3A_1534, %parallel_loop3A_1452 : vector<16xf32>
        %parallel_loop3A_1536 = arith.constant 288 : index
        %parallel_loop3A_1537 = tpu.vector_load %arg7[%parallel_loop3A_1536] {strides = array<i32>} : memref<384xf32, #tpu.memory_space<vmem>>, vector<16xf32>,
        %parallel_loop3A_1538 = vector.shape_cast %parallel_loop3A_1537 : vector<16xf32> to vector<16xf32>
        %parallel_loop3A_1539 = vector.shape_cast %parallel_loop3A_1535 : vector<16xf32> to vector<16xf32>
        tpu.vector_store %arg7[%parallel_loop3A_1536], %parallel_loop3A_1539 {add = true, strides = array<i32>} : memref<384xf32, #tpu.memory_space<vmem>>, vector<16xf32>,
        %parallel_loop3A_1540 = arith.constant 48 : index
        %parallel_loop3A_1541 = tpu.vector_load %arg7[%parallel_loop3A_1540] {strides = array<i32>} : memref<384xf32, #tpu.memory_space<vmem>>, vector<16xf32>,
        %parallel_loop3A_1542 = vector.shape_cast %parallel_loop3A_1541 : vector<16xf32> to vector<16xf32>
        %parallel_loop3A_1543 = vector.shape_cast %parallel_loop3A_1459 : vector<16xf32> to vector<16xf32>
        tpu.vector_store %arg7[%parallel_loop3A_1540], %parallel_loop3A_1543 {add = true, strides = array<i32>} : memref<384xf32, #tpu.memory_space<vmem>>, vector<16xf32>,
        %parallel_loop3A_1544 = arith.constant 176 : index
        %parallel_loop3A_1545 = tpu.vector_load %arg7[%parallel_loop3A_1544] {strides = array<i32>} : memref<384xf32, #tpu.memory_space<vmem>>, vector<16xf32>,
        %parallel_loop3A_1546 = vector.shape_cast %parallel_loop3A_1545 : vector<16xf32> to vector<16xf32>
        %parallel_loop3A_1547 = vector.shape_cast %parallel_loop3A_1461 : vector<16xf32> to vector<16xf32>
        tpu.vector_store %arg7[%parallel_loop3A_1544], %parallel_loop3A_1547 {add = true, strides = array<i32>} : memref<384xf32, #tpu.memory_space<vmem>>, vector<16xf32>,
        %parallel_loop3A_1548 = arith.subf %parallel_loop3A_1457, %parallel_loop3A_1459 : vector<16xf32>
        %parallel_loop3A_1549 = arith.subf %parallel_loop3A_1548, %parallel_loop3A_1461 : vector<16xf32>
        %parallel_loop3A_1550 = arith.constant 304 : index
        %parallel_loop3A_1551 = tpu.vector_load %arg7[%parallel_loop3A_1550] {strides = array<i32>} : memref<384xf32, #tpu.memory_space<vmem>>, vector<16xf32>,
        %parallel_loop3A_1552 = vector.shape_cast %parallel_loop3A_1551 : vector<16xf32> to vector<16xf32>
        %parallel_loop3A_1553 = vector.shape_cast %parallel_loop3A_1549 : vector<16xf32> to vector<16xf32>
        tpu.vector_store %arg7[%parallel_loop3A_1550], %parallel_loop3A_1553 {add = true, strides = array<i32>} : memref<384xf32, #tpu.memory_space<vmem>>, vector<16xf32>,
        %parallel_loop3A_1554 = arith.constant 64 : index
        %parallel_loop3A_1555 = tpu.vector_load %arg7[%parallel_loop3A_1554] {strides = array<i32>} : memref<384xf32, #tpu.memory_space<vmem>>, vector<16xf32>,
        %parallel_loop3A_1556 = vector.shape_cast %parallel_loop3A_1555 : vector<16xf32> to vector<16xf32>
        %parallel_loop3A_1557 = vector.shape_cast %parallel_loop3A_1468 : vector<16xf32> to vector<16xf32>
        tpu.vector_store %arg7[%parallel_loop3A_1554], %parallel_loop3A_1557 {add = true, strides = array<i32>} : memref<384xf32, #tpu.memory_space<vmem>>, vector<16xf32>,
        %parallel_loop3A_1558 = arith.constant 192 : index
        %parallel_loop3A_1559 = tpu.vector_load %arg7[%parallel_loop3A_1558] {strides = array<i32>} : memref<384xf32, #tpu.memory_space<vmem>>, vector<16xf32>,
        %parallel_loop3A_1560 = vector.shape_cast %parallel_loop3A_1559 : vector<16xf32> to vector<16xf32>
        %parallel_loop3A_1561 = vector.shape_cast %parallel_loop3A_1470 : vector<16xf32> to vector<16xf32>
        tpu.vector_store %arg7[%parallel_loop3A_1558], %parallel_loop3A_1561 {add = true, strides = array<i32>} : memref<384xf32, #tpu.memory_space<vmem>>, vector<16xf32>,
        %parallel_loop3A_1562 = arith.subf %parallel_loop3A_1466, %parallel_loop3A_1468 : vector<16xf32>
        %parallel_loop3A_1563 = arith.subf %parallel_loop3A_1562, %parallel_loop3A_1470 : vector<16xf32>
        %parallel_loop3A_1564 = arith.constant 320 : index
        %parallel_loop3A_1565 = tpu.vector_load %arg7[%parallel_loop3A_1564] {strides = array<i32>} : memref<384xf32, #tpu.memory_space<vmem>>, vector<16xf32>,
        %parallel_loop3A_1566 = vector.shape_cast %parallel_loop3A_1565 : vector<16xf32> to vector<16xf32>
        %parallel_loop3A_1567 = vector.shape_cast %parallel_loop3A_1563 : vector<16xf32> to vector<16xf32>
        tpu.vector_store %arg7[%parallel_loop3A_1564], %parallel_loop3A_1567 {add = true, strides = array<i32>} : memref<384xf32, #tpu.memory_space<vmem>>, vector<16xf32>,
        %parallel_loop3A_1568 = arith.constant 80 : index
        %parallel_loop3A_1569 = tpu.vector_load %arg7[%parallel_loop3A_1568] {strides = array<i32>} : memref<384xf32, #tpu.memory_space<vmem>>, vector<16xf32>,
        %parallel_loop3A_1570 = vector.shape_cast %parallel_loop3A_1569 : vector<16xf32> to vector<16xf32>
        %parallel_loop3A_1571 = vector.shape_cast %parallel_loop3A_1477 : vector<16xf32> to vector<16xf32>
        tpu.vector_store %arg7[%parallel_loop3A_1568], %parallel_loop3A_1571 {add = true, strides = array<i32>} : memref<384xf32, #tpu.memory_space<vmem>>, vector<16xf32>,
        %parallel_loop3A_1572 = arith.constant 208 : index
        %parallel_loop3A_1573 = tpu.vector_load %arg7[%parallel_loop3A_1572] {strides = array<i32>} : memref<384xf32, #tpu.memory_space<vmem>>, vector<16xf32>,
        %parallel_loop3A_1574 = vector.shape_cast %parallel_loop3A_1573 : vector<16xf32> to vector<16xf32>
        %parallel_loop3A_1575 = vector.shape_cast %parallel_loop3A_1479 : vector<16xf32> to vector<16xf32>
        tpu.vector_store %arg7[%parallel_loop3A_1572], %parallel_loop3A_1575 {add = true, strides = array<i32>} : memref<384xf32, #tpu.memory_space<vmem>>, vector<16xf32>,
        %parallel_loop3A_1576 = arith.subf %parallel_loop3A_1475, %parallel_loop3A_1477 : vector<16xf32>
        %parallel_loop3A_1577 = arith.subf %parallel_loop3A_1576, %parallel_loop3A_1479 : vector<16xf32>
        %parallel_loop3A_1578 = arith.constant 336 : index
        %parallel_loop3A_1579 = tpu.vector_load %arg7[%parallel_loop3A_1578] {strides = array<i32>} : memref<384xf32, #tpu.memory_space<vmem>>, vector<16xf32>,
        %parallel_loop3A_1580 = vector.shape_cast %parallel_loop3A_1579 : vector<16xf32> to vector<16xf32>
        %parallel_loop3A_1581 = vector.shape_cast %parallel_loop3A_1577 : vector<16xf32> to vector<16xf32>
        tpu.vector_store %arg7[%parallel_loop3A_1578], %parallel_loop3A_1581 {add = true, strides = array<i32>} : memref<384xf32, #tpu.memory_space<vmem>>, vector<16xf32>,
        %parallel_loop3A_1582 = arith.constant 96 : index
        %parallel_loop3A_1583 = tpu.vector_load %arg7[%parallel_loop3A_1582] {strides = array<i32>} : memref<384xf32, #tpu.memory_space<vmem>>, vector<16xf32>,
        %parallel_loop3A_1584 = vector.shape_cast %parallel_loop3A_1583 : vector<16xf32> to vector<16xf32>
        %parallel_loop3A_1585 = vector.shape_cast %parallel_loop3A_1486 : vector<16xf32> to vector<16xf32>
        tpu.vector_store %arg7[%parallel_loop3A_1582], %parallel_loop3A_1585 {add = true, strides = array<i32>} : memref<384xf32, #tpu.memory_space<vmem>>, vector<16xf32>,
        %parallel_loop3A_1586 = arith.constant 224 : index
        %parallel_loop3A_1587 = tpu.vector_load %arg7[%parallel_loop3A_1586] {strides = array<i32>} : memref<384xf32, #tpu.memory_space<vmem>>, vector<16xf32>,
        %parallel_loop3A_1588 = vector.shape_cast %parallel_loop3A_1587 : vector<16xf32> to vector<16xf32>
        %parallel_loop3A_1589 = vector.shape_cast %parallel_loop3A_1488 : vector<16xf32> to vector<16xf32>
        tpu.vector_store %arg7[%parallel_loop3A_1586], %parallel_loop3A_1589 {add = true, strides = array<i32>} : memref<384xf32, #tpu.memory_space<vmem>>, vector<16xf32>,
        %parallel_loop3A_1590 = arith.subf %parallel_loop3A_1484, %parallel_loop3A_1486 : vector<16xf32>
        %parallel_loop3A_1591 = arith.subf %parallel_loop3A_1590, %parallel_loop3A_1488 : vector<16xf32>
        %parallel_loop3A_1592 = arith.constant 352 : index
        %parallel_loop3A_1593 = tpu.vector_load %arg7[%parallel_loop3A_1592] {strides = array<i32>} : memref<384xf32, #tpu.memory_space<vmem>>, vector<16xf32>,
        %parallel_loop3A_1594 = vector.shape_cast %parallel_loop3A_1593 : vector<16xf32> to vector<16xf32>
        %parallel_loop3A_1595 = vector.shape_cast %parallel_loop3A_1591 : vector<16xf32> to vector<16xf32>
        tpu.vector_store %arg7[%parallel_loop3A_1592], %parallel_loop3A_1595 {add = true, strides = array<i32>} : memref<384xf32, #tpu.memory_space<vmem>>, vector<16xf32>,
        %parallel_loop3A_1596 = arith.constant 112 : index
        %parallel_loop3A_1597 = tpu.vector_load %arg7[%parallel_loop3A_1596] {strides = array<i32>} : memref<384xf32, #tpu.memory_space<vmem>>, vector<16xf32>,
        %parallel_loop3A_1598 = vector.shape_cast %parallel_loop3A_1597 : vector<16xf32> to vector<16xf32>
        %parallel_loop3A_1599 = vector.shape_cast %parallel_loop3A_1495 : vector<16xf32> to vector<16xf32>
        tpu.vector_store %arg7[%parallel_loop3A_1596], %parallel_loop3A_1599 {add = true, strides = array<i32>} : memref<384xf32, #tpu.memory_space<vmem>>, vector<16xf32>,
        %parallel_loop3A_1600 = arith.constant 240 : index
        %parallel_loop3A_1601 = tpu.vector_load %arg7[%parallel_loop3A_1600] {strides = array<i32>} : memref<384xf32, #tpu.memory_space<vmem>>, vector<16xf32>,
        %parallel_loop3A_1602 = vector.shape_cast %parallel_loop3A_1601 : vector<16xf32> to vector<16xf32>
        %parallel_loop3A_1603 = vector.shape_cast %parallel_loop3A_1497 : vector<16xf32> to vector<16xf32>
        tpu.vector_store %arg7[%parallel_loop3A_1600], %parallel_loop3A_1603 {add = true, strides = array<i32>} : memref<384xf32, #tpu.memory_space<vmem>>, vector<16xf32>,
        %parallel_loop3A_1604 = arith.subf %parallel_loop3A_1493, %parallel_loop3A_1495 : vector<16xf32>
        %parallel_loop3A_1605 = arith.subf %parallel_loop3A_1604, %parallel_loop3A_1497 : vector<16xf32>
        %parallel_loop3A_1606 = arith.constant 368 : index
        %parallel_loop3A_1607 = tpu.vector_load %arg7[%parallel_loop3A_1606] {strides = array<i32>} : memref<384xf32, #tpu.memory_space<vmem>>, vector<16xf32>,
        %parallel_loop3A_1608 = vector.shape_cast %parallel_loop3A_1607 : vector<16xf32> to vector<16xf32>
        %parallel_loop3A_1609 = vector.shape_cast %parallel_loop3A_1605 : vector<16xf32> to vector<16xf32>
        tpu.vector_store %arg7[%parallel_loop3A_1606], %parallel_loop3A_1609 {add = true, strides = array<i32>} : memref<384xf32, #tpu.memory_space<vmem>>, vector<16xf32>,
        scf.yield %parallel_loop3A_144 : i32
      } {sc.loop_unroll_factor = 2 : i64, sc.parallel_access}
      scf.yield %parallel_loop3A_142 : i32
    }
    %scan3A_116 = arith.constant 13 : i32
    "tpu.region"() ({
      %run_scoped3A = tpu.sem_alloc : memref<!tpu.dma_semaphore, #tpu.memory_space<semaphore_mem>>
      %dma_start3A_117 = arith.constant 0 : i32
      %dma_start3A_118 = tpu.memref_slice %arg4[%add3A, %dma_start3A_117] : memref<32x384xf32, #tpu.memory_space<hbm>> -> memref<1x384xf32, #tpu.memory_space<hbm>>
      %dma_start3A_119 = tpu.memref_squeeze %dma_start3A_118 : memref<1x384xf32, #tpu.memory_space<hbm>> -> memref<384xf32, #tpu.memory_space<hbm>>
      %dma_start3A_120 = arith.constant 0 : i32
      %dma_start3A_121 = tpu.memref_slice %arg4[%add3A, %dma_start3A_120] : memref<32x384xf32, #tpu.memory_space<hbm>> -> memref<1x384xf32, #tpu.memory_space<hbm>>
      %dma_start3A_122 = tpu.memref_squeeze %dma_start3A_121 : memref<1x384xf32, #tpu.memory_space<hbm>> -> memref<384xf32, #tpu.memory_space<hbm>>
      tpu.enqueue_dma source(%arg7 : memref<384xf32, #tpu.memory_space<vmem>>) target(%dma_start3A_122 : memref<384xf32, #tpu.memory_space<hbm>>) target_semaphore(%run_scoped3A : memref<!tpu.dma_semaphore, #tpu.memory_space<semaphore_mem>>)
      %dma_wait3A_123 = arith.constant 0 : i32
      %dma_wait3A_124 = tpu.memref_slice %arg4[%add3A, %dma_wait3A_123] : memref<32x384xf32, #tpu.memory_space<hbm>> -> memref<1x384xf32, #tpu.memory_space<hbm>>
      %dma_wait3A_125 = tpu.memref_squeeze %dma_wait3A_124 : memref<1x384xf32, #tpu.memory_space<hbm>> -> memref<384xf32, #tpu.memory_space<hbm>>
      %dma_wait3A_126 = arith.constant 0 : i32
      %dma_wait3A_127 = tpu.memref_slice %arg4[%add3A, %dma_wait3A_126] : memref<32x384xf32, #tpu.memory_space<hbm>> -> memref<1x384xf32, #tpu.memory_space<hbm>>
      %dma_wait3A_128 = tpu.memref_squeeze %dma_wait3A_127 : memref<1x384xf32, #tpu.memory_space<hbm>> -> memref<384xf32, #tpu.memory_space<hbm>>
      tpu.wait_dma2 semaphore(%run_scoped3A : memref<!tpu.dma_semaphore, #tpu.memory_space<semaphore_mem>>) src(%arg7 : memref<384xf32, #tpu.memory_space<vmem>>) dst(%dma_wait3A_128 : memref<384xf32, #tpu.memory_space<hbm>>)
      tpu.yield
    }) : () -> ()
    return
  }
}

module attributes {stable_mosaic.version = 14 : i64} {
  func.func @_finish_body(%arg0: memref<32x384xf32, #tpu.memory_space<vmem>>, %arg1: memref<3x128xf32, #tpu.memory_space<vmem>>, %arg2: memref<3x128xf32, #tpu.memory_space<vmem>>) attributes {dimension_semantics = [], scalar_prefetch = 0 : i64, scratch_operands = 0 : i64, tpu.core_type = #tpu.core_type<tc>} {
    %get3A = arith.constant 0 : index
    %get3A_0 = arith.constant 0 : index
    %get3A_1 = vector.load %arg1[%get3A, %get3A_0] : memref<3x128xf32, #tpu.memory_space<vmem>>, vector<1x128xf32>
    %get3A_2 = vector.shape_cast %get3A_1 : vector<1x128xf32> to vector<128xf32>
    %get3A_3 = arith.constant 0 : index
    %get3A_4 = arith.constant 0 : index
    %get3A_5 = vector.load %arg0[%get3A_3, %get3A_4] : memref<32x384xf32, #tpu.memory_space<vmem>>, vector<32x128xf32>
    %reduce_sum3A = arith.constant dense<0.000000e+00> : vector<128xf32>
    %reduce_sum3A_6 = vector.multi_reduction <add>, %get3A_5, %reduce_sum3A [0] : vector<32x128xf32> to vector<128xf32>
    %add3A = arith.addf %get3A_2, %reduce_sum3A_6 : vector<128xf32>
    %get3A_7 = arith.constant 1 : index
    %get3A_8 = arith.constant 0 : index
    %get3A_9 = vector.load %arg1[%get3A_7, %get3A_8] : memref<3x128xf32, #tpu.memory_space<vmem>>, vector<1x128xf32>
    %get3A_10 = vector.shape_cast %get3A_9 : vector<1x128xf32> to vector<128xf32>
    %get3A_11 = arith.constant 0 : index
    %get3A_12 = arith.constant 128 : index
    %get3A_13 = vector.load %arg0[%get3A_11, %get3A_12] : memref<32x384xf32, #tpu.memory_space<vmem>>, vector<32x128xf32>
    %reduce_sum3A_14 = arith.constant dense<0.000000e+00> : vector<128xf32>
    %reduce_sum3A_15 = vector.multi_reduction <add>, %get3A_13, %reduce_sum3A_14 [0] : vector<32x128xf32> to vector<128xf32>
    %add3A_16 = arith.addf %get3A_10, %reduce_sum3A_15 : vector<128xf32>
    %get3A_17 = arith.constant 2 : index
    %get3A_18 = arith.constant 0 : index
    %get3A_19 = vector.load %arg1[%get3A_17, %get3A_18] : memref<3x128xf32, #tpu.memory_space<vmem>>, vector<1x128xf32>
    %get3A_20 = vector.shape_cast %get3A_19 : vector<1x128xf32> to vector<128xf32>
    %get3A_21 = arith.constant 0 : index
    %get3A_22 = arith.constant 256 : index
    %get3A_23 = vector.load %arg0[%get3A_21, %get3A_22] : memref<32x384xf32, #tpu.memory_space<vmem>>, vector<32x128xf32>
    %reduce_sum3A_24 = arith.constant dense<0.000000e+00> : vector<128xf32>
    %reduce_sum3A_25 = vector.multi_reduction <add>, %get3A_23, %reduce_sum3A_24 [0] : vector<32x128xf32> to vector<128xf32>
    %add3A_26 = arith.addf %get3A_20, %reduce_sum3A_25 : vector<128xf32>
    %stack3A = vector.shape_cast %add3A : vector<128xf32> to vector<1x128xf32>
    %stack3A_27 = vector.shape_cast %add3A_16 : vector<128xf32> to vector<1x128xf32>
    %stack3A_28 = vector.shape_cast %add3A_26 : vector<128xf32> to vector<1x128xf32>
    %stack3A_29 = tpu.concatenate %stack3A, %stack3A_27, %stack3A_28 in 0 : vector<1x128xf32>, vector<1x128xf32>, vector<1x128xf32> -> vector<3x128xf32>
    %mul3A = arith.mulf %stack3A_29, %stack3A_29 : vector<3x128xf32>
    %reduce_sum3A_30 = arith.constant dense<0.000000e+00> : vector<3xf32>
    %reduce_sum3A_31 = vector.multi_reduction <add>, %mul3A, %reduce_sum3A_30 [1] : vector<3x128xf32> to vector<3xf32>
    %broadcast_in_dim3A = vector.shape_cast %reduce_sum3A_31 : vector<3xf32> to vector<3x1xf32>
    %sqrt3A = math.sqrt %broadcast_in_dim3A : vector<3x1xf32>
    %max3A = arith.constant 9.99999996E-13 : f32
    %max3A_32 = vector.broadcast %max3A : f32 to vector<3x1xf32>
    %max3A_33 = arith.maximumf %sqrt3A, %max3A_32 : vector<3x1xf32>
    %div3A = vector.broadcast %max3A_33 : vector<3x1xf32> to vector<3x128xf32>
    %div3A_34 = arith.divf %stack3A_29, %div3A : vector<3x128xf32>
    %swap3A = arith.constant 0 : index
    %swap3A_35 = arith.constant 0 : index
    %swap3A_36 = vector.load %arg2[%swap3A, %swap3A_35] : memref<3x128xf32, #tpu.memory_space<vmem>>, vector<3x128xf32>
    tpu.vector_store %arg2[%swap3A, %swap3A_35], %div3A_34 {strides = array<i32>} : memref<3x128xf32, #tpu.memory_space<vmem>>, vector<3x128xf32>,
    return
  }
}

module attributes {stable_mosaic.version = 14 : i64} {
  func.func @_tc_body(%arg0: i32, %arg1: memref<1x1x3200xi32, #tpu.memory_space<vmem>>, %arg2: memref<3200x128xf32, #tpu.memory_space<vmem>>, %arg3: memref<3x128xf32, #tpu.memory_space<vmem>>) attributes {dimension_semantics = [#tpu.dimension_semantics<arbitrary>], iteration_bounds = array<i64: 48>, scalar_prefetch = 0 : i64, scratch_operands = 0 : i64, tpu.core_type = #tpu.core_type<tc>, window_params = [{transform_indices = @transform_0, window_bounds = array<i64: 1, 1, 3200>}, {transform_indices = @transform_1, window_bounds = array<i64: 3200, 128>}, {pipeline_mode = #tpu.pipeline_mode<synchronous>, transform_indices = @transform_2, window_bounds = array<i64: 3, 128>}]} {
    %get3A = arith.constant 0 : index
    %get3A_0 = arith.constant 0 : index
    %get3A_1 = arith.constant 0 : index
    %get3A_2 = vector.load %arg1[%get3A, %get3A_0, %get3A_1] : memref<1x1x3200xi32, #tpu.memory_space<vmem>>, vector<1x1x3200xi32>
    %get3A_3 = vector.shape_cast %get3A_2 : vector<1x1x3200xi32> to vector<3200xi32>
    %broadcast_in_dim3A = vector.shape_cast %get3A_3 : vector<3200xi32> to vector<1x3200xi32>
    %iota3A = tpu.iota {dimensions = array<i32: 0>} : vector<3x3200xi32>
    %eq3A = vector.broadcast %broadcast_in_dim3A : vector<1x3200xi32> to vector<3x3200xi32>
    %eq3A_4 = arith.cmpi eq, %eq3A, %iota3A : vector<3x3200xi32>
    %convert_element_type3A = arith.extui %eq3A_4 : vector<3x3200xi1> to vector<3x3200xi32>
    %convert_element_type3A_5 = arith.sitofp %convert_element_type3A : vector<3x3200xi32> to vector<3x3200xf32>
    %get3A_6 = arith.constant 0 : index
    %get3A_7 = arith.constant 0 : index
    %get3A_8 = vector.load %arg2[%get3A_6, %get3A_7] : memref<3200x128xf32, #tpu.memory_space<vmem>>, vector<3200x128xf32>
    %dot_general3A = arith.constant dense<0.000000e+00> : vector<3x128xf32>
    %dot_general3A_9 = tpu.matmul %convert_element_type3A_5, %get3A_8, %dot_general3A {dimension_numbers = #tpu.dot_dimension_numbers<[1], [0], [0], [1], [0, 0, 1, 1], [], []>, transpose_lhs_hint = false} : vector<3x3200xf32>, vector<3200x128xf32>, vector<3x128xf32> -> vector<3x128xf32>
    %eq3A_10 = arith.constant 0 : i32
    %eq3A_11 = arith.cmpi eq, %arg0, %eq3A_10 : i32
    %convert_element_type3A_12 = arith.extui %eq3A_11 : i1 to i32
    %cond3A = arith.constant 0 : i32
    %cond3A_13 = arith.cmpi ne, %convert_element_type3A_12, %cond3A : i32
    scf.if %cond3A_13 {
      %broadcast_in_dim3A_19 = arith.constant 0.000000e+00 : f32
      %broadcast_in_dim3A_20 = vector.broadcast %broadcast_in_dim3A_19 : f32 to vector<3x128xf32>
      %swap3A_21 = arith.constant 0 : index
      %swap3A_22 = arith.constant 0 : index
      %swap3A_23 = vector.load %arg3[%swap3A_21, %swap3A_22] : memref<3x128xf32, #tpu.memory_space<vmem>>, vector<3x128xf32>
      tpu.vector_store %arg3[%swap3A_21, %swap3A_22], %broadcast_in_dim3A_20 {strides = array<i32>} : memref<3x128xf32, #tpu.memory_space<vmem>>, vector<3x128xf32>,
    } else {
    }
    %get3A_14 = arith.constant 0 : index
    %get3A_15 = arith.constant 0 : index
    %get3A_16 = vector.load %arg3[%get3A_14, %get3A_15] : memref<3x128xf32, #tpu.memory_space<vmem>>, vector<3x128xf32>
    %add3A = arith.addf %get3A_16, %dot_general3A_9 : vector<3x128xf32>
    %swap3A = arith.constant 0 : index
    %swap3A_17 = arith.constant 0 : index
    %swap3A_18 = vector.load %arg3[%swap3A, %swap3A_17] : memref<3x128xf32, #tpu.memory_space<vmem>>, vector<3x128xf32>
    tpu.vector_store %arg3[%swap3A, %swap3A_17], %add3A {strides = array<i32>} : memref<3x128xf32, #tpu.memory_space<vmem>>, vector<3x128xf32>,
    return
  }
  func.func @transform_0(%arg0: i32) -> (i32, i32, i32) {
    %add3A = arith.constant 52 : i32
    %add3A_0 = arith.addi %add3A, %arg0 : i32
    %c0_i32 = arith.constant 0 : i32
    %c0_i32_1 = arith.constant 0 : i32
    %c0_i32_2 = arith.constant 0 : i32
    return %add3A_0, %c0_i32, %c0_i32_1 : i32, i32, i32
  }
  func.func @transform_1(%arg0: i32) -> (i32, i32) {
    %add3A = arith.constant 52 : i32
    %add3A_0 = arith.addi %add3A, %arg0 : i32
    %c0_i32 = arith.constant 0 : i32
    %c0_i32_1 = arith.constant 0 : i32
    return %add3A_0, %c0_i32 : i32, i32
  }
  func.func @transform_2(%arg0: i32) -> (i32, i32) {
    %c0_i32 = arith.constant 0 : i32
    %c0_i32_0 = arith.constant 0 : i32
    %c0_i32_1 = arith.constant 0 : i32
    return %c0_i32, %c0_i32_0 : i32, i32
  }
}

</mosaic_0001>

<sc_bundles>
// kernel: kernel.5.cloned.1.call-start
scs
__scs_entry_jumppad:
0x0: {  	(pc) =	sbr.rel $0x88, $3  }
0x1: {  	(tag) =	ssettag $0x0;
	lr =	simm.s32 $0x1  }
0x2: {  	[smem:$0x3F9F] =	sst lr;
	_ =	strace $0xD0000000  }
0x3: {  	_ = 	snop  }
0x4: {  	_ = 	snop  }
0x5: {  	_ = 	snop  }
0x6: {  	_ = 	snop  }
0x7: {  	_ = 	snop  }
__scs_overlays_trampoline_lowered:
0x8: {  	[smem:$0x3FAE] =	sst s0  }
0x9: {  	[smem:$0x3FAF] =	sst s1  }
0xa: {  	[smem:$0x3FB0] =	sst s2  }
0xb: {  	[smem:$0x3FB1] =	sst s3  }
0xc: {  	[smem:$0x3FB2] =	sst s4  }
0xd: {  	[smem:$0x3FB3] =	sst s5  }
0xe: {  	[smem:$0x3FB4] =	sst s6  }
0xf: {  	[smem:$0x3FB5] =	sst s7  }
0x10: {  	[smem:$0x3FB6] =	sst s8  }
0x11: {  	[smem:$0x3FB7] =	sst s9;
	s0 =	simm.s32 @!p0 $0x0  }
0x12: {  	s1 =	sld [smem:$0x3F9D];
	s0 =	simm.s32 @p0 $0x1  }
0x13: {  	[smem:$0x3FB8] =	sst s0;
	s0 =	simm.s32 @!p1 $0x0  }
0x14: {  	s2 =	sld [smem:$0x3F9C];
	s0 =	simm.s32 @p1 $0x1  }
0x15: {  	[smem:$0x3FB9] =	sst s0;
	s0 =	simm.s32 @!p2 $0x0  }
0x16: {  	s3 =	sld [smem:$0x3FDB];
	s0 =	simm.s32 @p2 $0x1  }
0x17: {  	s4 =	simm.s32 $0x1BF5;
	[smem:$0x3FBB] =	sst s0  }
0x18: {  	s0 =	sld [smem:$0x3F9E];
	_ =	swait.ge [sflag:s4], $0x0  }
0x19: {  	s7 =	sld [smem:$0x3F9F]  }
0x1a: {  	s8 =	sadd.s32 $0xFFFFE003, lr  }
0x1b: {  	s9 =	sadd.s32 $0xFFFFFEF7, lr;
	s5 =	simm.s32 $0xFFFFFFFF;
	p2 =	slt.u32 s8, $0xFFFFF086  }
0x1c: {  	p1 =	slt.u32 s9, $0xF7A;
	s5 =	simm.s32 @!p2 $0x0  }
0x1d: {  	s5 =	simm.s32 @p1 $0x1;
	p0 =	seq.s32 s7, s2  }
0x1e: {  	s7 =	smul.u32 @!p0 $0xF7A, s2;
	p2 =	seq.s32 @!p0 s5, $0x0  }
0x1f: {  	s9 =	smul.u32 $0xF7A, s1;
	s8 =	simm.s32 @!p0 $0x1BF5;
	p2 =	por !p2, p0  }
0x20: {  	[sflag:s8] =	ssyncset.s32 @!p0 $0xFFFFF086;
	s6 =	sadd.s32 @!p0 s3, s7;
	s7 =	simm.s32 @!p0 $0x108  }
0x21: {  	s3 =	sadd.s32 s3, s9;
	s6 =	sadd.s32 @!p0 $0x88, s6;
	s7 =	simm.s32 @p2 $0x1082  }
0x22: {  	[simem:s7], [sflag:s8] =	dma.local @!p0 [hbm:s6], $0xF7A  }
0x23: {  	s9 =	sor.u32 $0xD0000000, s2;
	s6 =	simm.s32 $0x108;
	_ =	swait.ge @!p0 [sflag:s8], $0x0  }
0x24: {  	s3 =	sadd.s32 $0x88, s3;
	s6 =	simm.s32 @!p1 $0x1082;
	[sflag:s4] =	ssyncset.s32 $0xFFFFF086  }
0x25: {  	[simem:s6], [sflag:s4] =	dma.local [hbm:s3], $0xF7A  }
0x26: {  	[smem:$0x3F9F] =	sst s1;
	(tag) =	ssettag s2;
	_ =	strace s9  }
0x27: {  	s1 =	sld [smem:$0x3FAF]  }
0x28: {  	s2 =	sld [smem:$0x3FB0]  }
0x29: {  	s4 =	sld [smem:$0x3FB2]  }
0x2a: {  	p0 =	seq.s32 s5, $0x0;
	s5 =	sld [smem:$0x3FB3]  }
0x2b: {  	s6 =	sld [smem:$0x3FB4]  }
0x2c: {  	s7 =	sld [smem:$0x3FB5]  }
0x2d: {  	s3 =	simm.s32 $0x108;
	s8 =	sld [smem:$0x3FB6]  }
0x2e: {  	s3 =	simm.s32 @!p0 $0x1082;
	s9 =	sld [smem:$0x3FB7]  }
0x2f: {  	lr =	sadd.s32 s0, s3;
	s0 =	sld [smem:$0x3FAE]  }
0x30: {  	s3 =	sld [smem:$0x3FB1]  }
0x31: {  	[smem:$0x3FBA] =	sst s10  }
0x32: {  	s10 =	sld [smem:$0x3FB8];
	_ =	sdelay $0x3  }
0x33: {  	p0 =	seq.s32 s10, $0x1;
	s10 =	sld [smem:$0x3FBA];
	_ =	sdelay $0x3  }
0x34: {  	[smem:$0x3FBA] =	sst s10  }
0x35: {  	s10 =	sld [smem:$0x3FB9];
	_ =	sdelay $0x3  }
0x36: {  	p1 =	seq.s32 s10, $0x1;
	s10 =	sld [smem:$0x3FBA];
	_ =	sdelay $0x3  }
0x37: {  	[smem:$0x3FBA] =	sst s10  }
0x38: {  	s10 =	sld [smem:$0x3FBB]  }
0x39: {  	_ = 	snop;
	(pc) =	sbr.ind lr, $3  }
0x3a: {  	_ = 	snop  }
0x3b: {  	_ = 	snop  }
0x3c: {  	p2 =	seq.s32 s10, $0x1;
	s10 =	sld [smem:$0x3FBA]  }
0x3d: {  	_ =	shalt  }
0x3e: {  	_ =	shalt  }
0x3f: {  	_ =	shalt  }
0x40: {  	_ =	shalt  }
0x41: {  	_ =	shalt  }
0x42: {  	_ =	shalt  }
0x43: {  	_ =	shalt  }
0x44: {  	_ =	shalt  }
0x45: {  	_ =	shalt  }
0x46: {  	_ =	shalt  }
0x47: {  	_ =	shalt  }
0x48: {  	_ =	shalt  }
0x49: {  	_ =	shalt  }
0x4a: {  	_ =	shalt  }
0x4b: {  	_ =	shalt  }
0x4c: {  	_ =	shalt  }
0x4d: {  	_ =	shalt  }
0x4e: {  	_ =	shalt  }
0x4f: {  	_ =	shalt  }
0x50: {  	_ =	shalt  }
0x51: {  	_ =	shalt  }
0x52: {  	_ =	shalt  }
0x53: {  	_ =	shalt  }
0x54: {  	_ =	shalt  }
0x55: {  	_ =	shalt  }
0x56: {  	_ =	shalt  }
0x57: {  	_ =	shalt  }
0x58: {  	_ =	shalt  }
0x59: {  	_ =	shalt  }
0x5a: {  	_ =	shalt  }
0x5b: {  	_ =	shalt  }
0x5c: {  	_ =	shalt  }
0x5d: {  	_ =	shalt  }
0x5e: {  	_ =	shalt  }
0x5f: {  	_ =	shalt  }
0x60: {  	_ =	shalt  }
0x61: {  	_ =	shalt  }
0x62: {  	_ =	shalt  }
0x63: {  	_ =	shalt  }
0x64: {  	_ =	shalt  }
0x65: {  	_ =	shalt  }
0x66: {  	_ =	shalt  }
0x67: {  	_ =	shalt  }
0x68: {  	_ =	shalt  }
0x69: {  	_ =	shalt  }
0x6a: {  	_ =	shalt  }
0x6b: {  	_ =	shalt  }
0x6c: {  	_ =	shalt  }
0x6d: {  	_ =	shalt  }
0x6e: {  	_ =	shalt  }
0x6f: {  	_ =	shalt  }
0x70: {  	_ =	shalt  }
0x71: {  	_ =	shalt  }
0x72: {  	_ =	shalt  }
0x73: {  	_ =	shalt  }
0x74: {  	_ =	shalt  }
0x75: {  	_ =	shalt  }
0x76: {  	_ =	shalt  }
0x77: {  	_ =	shalt  }
0x78: {  	_ =	shalt  }
0x79: {  	_ =	shalt  }
0x7a: {  	_ =	shalt  }
0x7b: {  	_ =	shalt  }
0x7c: {  	_ =	shalt  }
0x7d: {  	_ =	shalt  }
0x7e: {  	_ =	shalt  }
0x7f: {  	_ =	shalt  }
0x80: {  	_ =	shalt  }
0x81: {  	_ =	shalt  }
0x82: {  	_ =	shalt  }
0x83: {  	_ =	shalt  }
0x84: {  	_ =	shalt  }
0x85: {  	_ =	shalt  }
0x86: {  	_ =	shalt  }
0x87: {  	_ =	shalt  }
.Lfunc_end0:
.L_simem_size_0:
called_computation_lowered:
.L_overlay_start_0:
0x88: {  	s2 =	sld [smem:$0x3FD9]  }
0x89: {  	s3 =	sld [smem:$0x3FFE];
	_ =	sdelay $0x1  }
0x8a: {  	s1 =	srdreg.scid  }
0x8b: {  	s0 =	sand.u32 $0x1, s1  }
0x8c: {  	s17 =	sshll.u32 s0, $0xA;
	s2 =	sadd.s32 s3, s2  }
0x8d: {  	s2 =	sadd.s32 s2, s17  }
0x8e: {  	[smem:$0x3FC6] =	sst s2  }
0x8f: {  	_ = 	snop  }
0x90: {  	s2 =	sld [smem:$0x3FC9]  }
0x91: {  	s18 =	sld [smem:$0x3FC8];
	(tm) =	ssettm $0x1  }
0x92: {  	s4 =	sld [smem:$0x3FFB];
	_ =	sdelay $0x3  }
0x93: {  	_ =	strace s4  }
0x94: {  	s4 =	sld [smem:$0x3FFC];
	_ =	sdelay $0x3  }
0x95: {  	_ =	strace s4  }
0x96: {  	s4 =	sld [smem:$0x3FFD];
	_ =	sdelay $0x3  }
0x97: {  	_ =	strace s4  }
0x98: {  	_ =	strace $0x8FFFFFFF  }
0x99: {  	s19 =	sld [smem:$0x3FDB];
	_ =	sdelay $0x1  }
0x9a: {  	s5 =	simm.s32 $_scs_section_size  }
0x9b: {  	s6 =	simm.s32 $_size__tile_overlayer_lowered;
	s7 =	simm.s32 $_tile_overlayer_lowered  }
0x9c: {  	s22 =	simm.s32 $0x1BFF;
	s21 =	sshll.u32 s7, $0x1;
	s4 =	sadd.s32 s5, s19  }
0x9d: {  	s8 =	simm.s32 $0x0;
	s20 =	sshll.u32 s6, $0x1;
	s6 =	sadd.s32 s21, s4  }
0x9e: {  	[timem:s8], [sflag:s22] =	dma.local [hbm:s6], s20  }
0x9f: {  	_ =	swait.ge [sflag:s22], s20  }
0xa0: {  	s5 =	ssub.s32 $0x0, s20;
	[sflag:s22] =	ssyncset.done $0x0  }
0xa1: {  	[sflag:s22] =	ssyncadd.s32 s5;
	_ =	sdelay $0x1  }
0xa2: {  	s23 =	simm.s32 $0x1B8B  }
0xa3: {  	_ =	swait.ge [sflag:s23], $0x1  }
0xa4: {  	[sflag:s23] =	ssyncset.done $0x0  }
0xa5: {  	s25 =	simm.s32 $0x1B8E;
	s24 =	sld [smem:$0x3FFE];
	[sflag:s23] =	ssyncadd.s32 $0xFFFFFFFF  }
0xa6: {  	s26 =	simm.s32 $execute0_lowered;
	[smem:$0x3FD2] =	sst s25  }
0xa7: {  	s6 =	sshll.u32 s26, $0x1;
	_ =	strace $0x80000046;
	[dreg:$0x1] =	wrdreg $0xFFFFFFFF  }
0xa8: {  	s28 =	simm.s32 $_size_execute0_lowered;
	s4 =	sadd.s32 s4, s6;
	[dreg:$0x0] =	wrdreg $0x0  }
0xa9: {  	s6 =	sshll.u32 s28, $0x1;
	[dreg:$0x2] =	wrdreg s4  }
0xaa: {  	[dreg:$0x3] =	wrdreg s6  }
0xab: {  	[dreg:$0x4] =	wrdreg $0xC0  }
0xac: {  	_ =	task [dreg:s8], $0x5FFFF  }
0xad: {  	[dreg:$0x1] =	wrdreg $0xFFFFFFFF  }
0xae: {  	[dreg:$0x0] =	wrdreg $0x60  }
0xaf: {  	[dreg:$0x2] =	wrdreg s2  }
0xb0: {  	[dreg:$0x3] =	wrdreg s18  }
0xb1: {  	[dreg:$0x4] =	wrdreg s24  }
0xb2: {  	[dreg:$0x5] =	wrdreg $0x9  }
0xb3: {  	_ =	task.clear_ibuf [dreg:s8], $0x6FFFF;
	_ =	strace $0x90000046  }
0xb4: {  	s29 =	simm.s32 $0x9;
	_ =	strace $0x80000048  }
0xb5: {  	_ =	swait.ge [sflag:s29], $0x1  }
0xb6: {  	[sflag:s29] =	ssyncadd.s32 $0xFFFFFFFF  }
0xb7: {  	_ =	strace $0x90000048  }
0xb8: {  	_ =	sfence  }
0xb9: {  	s30 =	sld [smem:$0x0];
	_ =	sdelay $0x2  }
0xba: {  	s31 =	sshll.u32 s1, $0xD;
	s1 =	sshrl.u32 s1, $0x2  }
0xbb: {  	s3 =	sand.u32 $0x4000, s31;
	s1 =	sadd.s32 s1, s30  }
0xbc: {  	s0 =	sor.u32 s3, s0;
	s1 =	sshll.u32 s1, $0x11  }
0xbd: {  	s0 =	sor.u32 s1, s0  }
0xbe: {  	s0 =	sadd.s32 $0x8F2B, s0  }
0xbf: {  	[sflag:s0] =	ssyncadd.remote.s32 $0x1  }
0xc0: {  	_ =	sfence.sel $0xFFFF  }
0xc1: {  	[dreg:$0x0] =	wrdreg $0xFFFFFFFF;
	(pc) =	sbr.abs _section_cstart, $3  }
0xc2: {  	[dreg:$0x1] =	wrdreg $0xFFFFFFFF  }
0xc3: {  	_ =	task.clear_ibuf [dreg:s8], $0x2FFFF;
	_ =	strace $0x9FFFFFFF  }
0xc4: {  	(tm) =	ssettm $0x7FFFFFFF  }
0xc5: {  	_ =	shalt  }
tec
execute0_lowered:
.L_overlay_start_1:
0x0: {  	(tag) =	ssettag $0x1  }
0x1: {  	s6 =	rddreg [dreg:$0x0]  }
0x2: {  	s0 =	rddreg [dreg:$0x1]  }
0x3: {  	s1 =	srdreg.scid;
	s4 =	stileid.u32  }
0x4: {  	s2 =	rddreg [dreg:$0x2];
	s7 =	simm.s32 $0x0;
	s12 =	simm.s32 $0x1A480  }
0x5: {  	s13 =	simm.s32 $0x1A500;
	s14 =	simm.s32 $0x1A580;
	s15 =	simm.s32 $0x1A490  }
0x6: {  	s16 =	simm.s32 $0x1A510;
	s17 =	simm.s32 $0x1A590;
	s18 =	simm.s32 $0x1A4A0  }
0x7: {  	s19 =	simm.s32 $0x1A520;
	s20 =	simm.s32 $0x1A5A0;
	s21 =	simm.s32 $0x1A4B0  }
0x8: {  	s28 =	simm.s32 $0x1A4D0;
	s29 =	simm.s32 $0x1A550;
	s30 =	simm.s32 $0x1A5D0  }
0x9: {  	s31 =	simm.s32 $0x1A4E0;
	s9 =	simm.s32 $0x1A4F0;
	s1 =	sand.u32 $0x1, s1  }
0xa: {  	s3 =	sshll.u32 s4, $0x1;
	s4 =	sshrl.u32 s4, $0x2;
	[smem:$0x7FF] =	sst s7  }
0xb: {  	s3 =	sor.u32 s1, s3;
	s4 =	smul.u32 $0xC00, s4;
	_ =	strace $0x80000047  }
0xc: {  	s1 =	ssub.s32 $0x2, s1;
	s5 =	sshll.u32 s3, $0x7;
	s22 =	smul.u32 $0x1450, s3  }
0xd: {  	s3 =	smul.u32 $0x14500, s3;
	s23 =	sshrl.u32 s1, $0x1;
	s5 =	sand.u32 $0x380, s5  }
0xe: {  	s1 =	ssub.s32 s1, s23;
	s23 =	simm.s32 $0x1A5B0;
	s4 =	sor.u32 s4, s5  }
0xf: {  	[dreg:$0x4] =	wrdreg s22;
	s5 =	sshrl.u32 s22, $0x3;
	s24 =	sadd.s32 s6, s3  }
0x10: {  	s26 =	smax.u32 s1, $0x1;
	s22 =	simm.s32 $0x1A530;
	s3 =	simm.s32 $0x1A570  }
0x11: {  	s6 =	simm.s32 $0x0;
	s4 =	sshrl.u32 s4, $0x3;
	[dreg:$0x6] =	wrdreg s24  }
0x12: {  	s0 =	sadd.s32 s0, s5;
	[dreg:$0x8] =	wrdreg s26;
	s24 =	simm.s32 $0x1A4C0  }
0x13: {  	s26 =	simm.s32 $0x1A5C0;
	s5 =	simm.s32 $0x1A5F0;
	s2 =	sadd.s32 s4, s2  }
0x14: {  	[dreg:$0x5] =	wrdreg s0;
	s0 =	simm.s32 $0x1A5E0;
	s25 =	sadd.s32 $0x800, s2  }
0x15: {  	v58 =	vimm.s32 $0x0;
	v54 =	vimm.s32 $0xF;
	s2 =	simm.s32 $0x1A560;
	[dreg:$0x7] =	wrdreg s25;
	s25 =	simm.s32 $0x1A540  }
.LBB2_1:
0x16: {  	[dreg:$0x9] =	wrdreg s6;
	s1 =	simm.s32 $0x0  }
0x17: {  	s4 =	rddreg [dreg:$0x5];
	s8 =	simm.s32 $0x19000;
	s10 =	simm.s32 $0x2  }
0x18: {  	[tilespmem:s8], [sflag:$0x2] =	stream.linear.gather [hbm4b:s4+s1], $0x1450, $0x38;
	[tilespmem:$0x1A600] =	vst v63  }
0x19: {  	_ =	swait.ge [sflag:s10], $0x1450  }
0x1a: {  	[sflag:s10] =	ssyncset.done $0x0  }
0x1b: {  	s11 =	rddreg [dreg:$0x6];
	[sflag:s10] =	ssyncadd.s32 $0xFFFFEBB0  }
0x1c: {  	v0 =	vimm.f32 $0.0e+00;
	[tilespmem:s1], [sflag:$0x1] =	stream.linear.gather [hbm4b:s11+s1], $0xC800, $0x38;
	[tilespmem:$0x1A600] =	vst v63  }
0x1d: {  	[tilespmem:$0x1A480] =	vst v0  }
0x1e: {  	[tilespmem:$0x1A490] =	vst v0  }
0x1f: {  	[tilespmem:$0x1A4A0] =	vst v0  }
0x20: {  	[tilespmem:$0x1A4B0] =	vst v0  }
0x21: {  	[tilespmem:$0x1A4C0] =	vst v0  }
0x22: {  	[tilespmem:$0x1A4D0] =	vst v0  }
0x23: {  	[tilespmem:$0x1A4E0] =	vst v0  }
0x24: {  	[tilespmem:$0x1A4F0] =	vst v0  }
0x25: {  	[tilespmem:$0x1A500] =	vst v0  }
0x26: {  	[tilespmem:$0x1A510] =	vst v0  }
0x27: {  	[tilespmem:$0x1A520] =	vst v0  }
0x28: {  	[tilespmem:$0x1A530] =	vst v0  }
0x29: {  	[tilespmem:$0x1A540] =	vst v0  }
0x2a: {  	[tilespmem:$0x1A550] =	vst v0  }
0x2b: {  	[tilespmem:$0x1A560] =	vst v0  }
0x2c: {  	[tilespmem:$0x1A570] =	vst v0  }
0x2d: {  	[tilespmem:$0x1A580] =	vst v0  }
0x2e: {  	[tilespmem:$0x1A590] =	vst v0  }
0x2f: {  	[tilespmem:$0x1A5A0] =	vst v0  }
0x30: {  	[tilespmem:$0x1A5B0] =	vst v0  }
0x31: {  	[tilespmem:$0x1A5C0] =	vst v0  }
0x32: {  	[tilespmem:$0x1A5D0] =	vst v0  }
0x33: {  	[tilespmem:$0x1A5E0] =	vst v0  }
0x34: {  	s8 =	simm.s32 $0x0;
	[tilespmem:$0x1A5F0] =	vst v0  }
.LBB2_2:
0x35: {  	s1 =	smov.u32 s8  }
0x36: {  	s8 =	sadd.s32 $0x1, s8;
	p0 =	seq.s32 s1, $0xC  }
0x37: {  	s4 =	smul.u32 @!p0 $0x190, s8;
	s6 =	sand.u32 @!p0 $0x1, s8  }
0x38: {  	p1 =	seq.s32 @!p0 s6, $0x1;
	s6 =	rddreg [dreg:$0x4]  }
0x39: {  	s7 =	rddreg [dreg:$0x0];
	s10 =	smul.u32 $0x190, s1;
	s4 =	sadd.s32 @!p0 s6, s4  }
0x3a: {  	s6 =	simm.s32 @!p0 $0xC800;
	p1 =	por !p1, p0;
	s4 =	sshll.u32 @!p0 s4, $0x4  }
0x3b: {  	s6 =	simm.s32 @p1 $0x0;
	s4 =	sadd.s32 @!p0 s7, s4;
	s7 =	simm.s32 @!p0 $0x0  }
0x3c: {  	[tilespmem:s6], [sflag:$0x1] =	stream.linear.gather @!p0 [hbm4b:s4+s7], $0xC800, $0x38;
	[tilespmem:$0x1A600] =	vst v63  }
0x3d: {  	s4 =	simm.s32 $0x1  }
0x3e: {  	s11 =	sadd.s32 $0x19000, s10;
	_ =	swait.ge [sflag:s4], $0xC800  }
0x3f: {  	v0 =	vmov s11;
	s6 =	sand.u32 $0x1, s1;
	[sflag:s4] =	ssyncset.done $0x0  }
0x40: {  	s1 =	simm.s32 $0x0;
	s7 =	smul.u32 $0x190, s6;
	[tilespmem:$0x1FFF0] =	vst v0;
	[sflag:s4] =	ssyncadd.s32 $0xFFFF3800  }
.LBB2_3:
0x41: {  	v0 =	vld [tilespmem:$0x1FFF0];
	_ =	sdelay $0x6  }
0x42: {  	s11 =	sshll.u32 s1, $0x4  }
0x43: {  	v18 =	vld.idx.msk [tilespmem:v0+s11+$0x0 ss:$0x1], $0xffff;
	_ =	sdelay $0x1  }
0x44: {  	s4 =	sadd.s32 s7, s11  }
0x45: {  	s4 =	sshll.u32 s4, $0x7  }
0x46: {  	s4 =	sand.u32 $0x3FFFFF80, s4  }
0x47: {  	v21 =	vld [tilespmem:s4+$0x0];
	vm0 =	vlt.s32 v18, $0x1  }
0x48: {  	v63 =	vld [tilespmem:s4+$0x10];
	v19 =	vnsel vm0, $0x1, v18  }
0x49: {  	v22 =	vld [tilespmem:s4+$0x20];
	v19 =	vsub.s32 $0x1, v19  }
0x4a: {  	v25 =	vld [tilespmem:s4+$0x30];
	v20 =	vand.u32 $0x1, v18;
	v18 =	vcvt.s32.f32 v19  }
0x4b: {  	v26 =	vld [tilespmem:s4+$0x40];
	v19 =	vcvt.s32.f32 v20  }
0x4c: {  	v9 =	vimm.s32 $0x1;
	v29 =	vld [tilespmem:s4+$0x50];
	v23 =	vperm.xlane v18, v58  }
0x4d: {  	v32 =	vld [tilespmem:s4+$0x60];
	v24 =	vperm.xlane v19, v58;
	v45 =	vperm.xlane v18, v9  }
0x4e: {  	v35 =	vld [tilespmem:s4+$0x70];
	v48 =	vperm.xlane v19, v9;
	v27 =	vmul.f32 v21, v23  }
0x4f: {  	v38 =	vld [tilespmem:s4+$0x80];
	v28 =	vmul.f32 v21, v24;
	v30 =	vmul.f32 v63, v23  }
0x50: {  	v43 =	vld [tilespmem:s4+$0x90];
	v31 =	vmul.f32 v63, v24;
	v33 =	vmul.f32 v22, v23  }
0x51: {  	v46 =	vld [tilespmem:s4+$0xA0];
	v34 =	vmul.f32 v22, v24;
	v36 =	vmul.f32 v25, v23  }
0x52: {  	v50 =	vld [tilespmem:s4+$0xB0];
	v37 =	vmul.f32 v25, v24;
	v39 =	vmul.f32 v26, v23  }
0x53: {  	v17 =	vld [tilespmem:s4+$0x110];
	v40 =	vmul.f32 v26, v24;
	v41 =	vmul.f32 v29, v23  }
0x54: {  	v52 =	vld [tilespmem:s4+$0xC0];
	v42 =	vmul.f32 v29, v24;
	v44 =	vmul.f32 v32, v23  }
0x55: {  	v3 =	vld [tilespmem:s4+$0xD0];
	v47 =	vmul.f32 v32, v24;
	v23 =	vmul.f32 v35, v23  }
0x56: {  	v6 =	vld [tilespmem:s4+$0xE0];
	v20 =	vadd.f32 v43, v63;
	v49 =	vmul.f32 v38, v45;
	v24 =	vmul.f32 v35, v24  }
0x57: {  	v11 =	vld [tilespmem:s4+$0xF0];
	v21 =	vadd.f32 v38, v21;
	v38 =	vmul.f32 v38, v48;
	v1 =	vmul.f32 v43, v45  }
0x58: {  	v20 =	vadd.f32 v17, v20;
	v51 =	vmul.f32 v43, v48;
	v2 =	vmul.f32 v46, v45  }
0x59: {  	v4 =	vmul.f32 v46, v48;
	v22 =	vadd.f32 v46, v22;
	v5 =	vmul.f32 v50, v45  }
0x5a: {  	v25 =	vadd.f32 v50, v25;
	v7 =	vmul.f32 v50, v48;
	v8 =	vmul.f32 v52, v45  }
0x5b: {  	v10 =	vmul.f32 v52, v48;
	v26 =	vadd.f32 v52, v26;
	v29 =	vadd.f32 v3, v29  }
0x5c: {  	v12 =	vmul.f32 v3, v45;
	v32 =	vadd.f32 v6, v32;
	v35 =	vadd.f32 v11, v35  }
0x5d: {  	v13 =	vmul.f32 v3, v48;
	v27 =	vadd.f32 v49, v27;
	v28 =	vadd.f32 v38, v28  }
0x5e: {  	v15 =	vmul.f32 v6, v45;
	v30 =	vadd.f32 v1, v30;
	v31 =	vadd.f32 v51, v31  }
0x5f: {  	v14 =	vld [tilespmem:s4+$0x100];
	v16 =	vmul.f32 v6, v48;
	v33 =	vadd.f32 v2, v33;
	v34 =	vadd.f32 v4, v34  }
0x60: {  	v56 =	vld [tilespmem:s4+$0x120];
	v55 =	vmul.f32 v11, v45;
	v36 =	vadd.f32 v5, v36;
	v37 =	vadd.f32 v7, v37  }
0x61: {  	v60 =	vld [tilespmem:s4+$0x130];
	v57 =	vmul.f32 v11, v48;
	v38 =	vadd.f32 v8, v39;
	v39 =	vadd.f32 v10, v40  }
0x62: {  	v3 =	vld [tilespmem:s4+$0x150];
	v41 =	vadd.f32 v12, v41;
	v40 =	vadd.f32 v13, v42;
	v1 =	vimm.s32 $0x2  }
0x63: {  	v6 =	vld [tilespmem:s4+$0x160];
	v43 =	vadd.f32 v15, v44;
	v42 =	vadd.f32 v16, v47;
	v45 =	vperm.xlane v18, v1  }
0x64: {  	v11 =	vld [tilespmem:s4+$0x170];
	v23 =	vadd.f32 v55, v23;
	v24 =	vadd.f32 v57, v24;
	v48 =	vperm.xlane v19, v1  }
0x65: {  	v21 =	vadd.f32 v14, v21;
	v22 =	vadd.f32 v56, v22;
	v59 =	vmul.f32 v14, v45  }
0x66: {  	v25 =	vadd.f32 v60, v25;
	v61 =	vmul.f32 v14, v48;
	v62 =	vmul.f32 v17, v45  }
0x67: {  	v57 =	vimm.s32 $0x3;
	v63 =	vmul.f32 v17, v48;
	v2 =	vmul.f32 v56, v45  }
0x68: {  	v4 =	vmul.f32 v56, v48;
	v5 =	vmul.f32 v60, v45;
	v29 =	vadd.f32 v3, v29  }
0x69: {  	v7 =	vmul.f32 v60, v48;
	v32 =	vadd.f32 v6, v32;
	v35 =	vadd.f32 v11, v35  }
0x6a: {  	v12 =	vmul.f32 v3, v45;
	v27 =	vadd.f32 v59, v27;
	v28 =	vadd.f32 v61, v28  }
0x6b: {  	v1 =	vld [tilespmem:s4+$0x140];
	v13 =	vmul.f32 v3, v48;
	v30 =	vadd.f32 v62, v30;
	v31 =	vadd.f32 v63, v31  }
0x6c: {  	v15 =	vmul.f32 v6, v45;
	v33 =	vadd.f32 v2, v33;
	v34 =	vadd.f32 v4, v34  }
0x6d: {  	v16 =	vmul.f32 v6, v48;
	v36 =	vadd.f32 v5, v36;
	v37 =	vadd.f32 v7, v37  }
0x6e: {  	v14 =	vld [tilespmem:s4+$0x180];
	v56 =	vmul.f32 v11, v45;
	v41 =	vadd.f32 v12, v41;
	v40 =	vadd.f32 v13, v40  }
0x6f: {  	v17 =	vld [tilespmem:s4+$0x190];
	v43 =	vadd.f32 v15, v43;
	v59 =	vperm.xlane v18, v57;
	v42 =	vadd.f32 v16, v42  }
0x70: {  	v60 =	vld [tilespmem:s4+$0x1A0];
	v61 =	vmul.f32 v11, v48;
	v23 =	vadd.f32 v56, v23;
	v8 =	vmul.f32 v1, v45  }
0x71: {  	v6 =	vld [tilespmem:s4+$0x1D0];
	v10 =	vmul.f32 v1, v48;
	v26 =	vadd.f32 v1, v26;
	v48 =	vperm.xlane v19, v57  }
0x72: {  	v24 =	vadd.f32 v61, v24;
	v38 =	vadd.f32 v8, v38  }
0x73: {  	v39 =	vadd.f32 v10, v39;
	v62 =	vmul.f32 v14, v59;
	v1 =	vmul.f32 v14, v48  }
0x74: {  	v63 =	vld [tilespmem:s4+$0x1B0];
	v21 =	vadd.f32 v14, v21;
	v2 =	vmul.f32 v17, v59;
	v3 =	vmul.f32 v17, v48  }
0x75: {  	v20 =	vadd.f32 v17, v20;
	v5 =	vmul.f32 v60, v59;
	v7 =	vmul.f32 v60, v48  }
0x76: {  	v4 =	vld [tilespmem:s4+$0x1C0];
	v22 =	vadd.f32 v60, v22;
	v15 =	vmul.f32 v6, v59;
	v16 =	vmul.f32 v6, v48  }
0x77: {  	v57 =	vld [tilespmem:s4+$0x210];
	v29 =	vadd.f32 v6, v29;
	v60 =	vimm.s32 $0x4;
	v27 =	vadd.f32 v62, v27  }
0x78: {  	v61 =	vperm.xlane v18, v60;
	v28 =	vadd.f32 v1, v28;
	v30 =	vadd.f32 v2, v30  }
0x79: {  	v31 =	vadd.f32 v3, v31;
	v33 =	vadd.f32 v5, v33;
	v8 =	vmul.f32 v63, v59  }
0x7a: {  	v10 =	vld [tilespmem:s4+$0x1E0];
	v34 =	vadd.f32 v7, v34;
	v25 =	vadd.f32 v63, v25;
	v11 =	vmul.f32 v63, v48  }
0x7b: {  	v14 =	vld [tilespmem:s4+$0x1F0];
	v12 =	vmul.f32 v4, v59;
	v26 =	vadd.f32 v4, v26;
	v41 =	vadd.f32 v15, v41  }
0x7c: {  	v17 =	vld [tilespmem:s4+$0x200];
	v13 =	vmul.f32 v4, v48;
	v40 =	vadd.f32 v16, v40;
	v20 =	vadd.f32 v57, v20  }
0x7d: {  	v36 =	vadd.f32 v8, v36;
	v37 =	vadd.f32 v11, v37  }
0x7e: {  	v5 =	vmul.f32 v57, v61;
	v38 =	vadd.f32 v12, v38;
	v39 =	vadd.f32 v13, v39  }
0x7f: {  	v62 =	vld [tilespmem:s4+$0x220];
	v55 =	vmul.f32 v10, v59;
	v32 =	vadd.f32 v10, v32;
	v56 =	vmul.f32 v10, v48  }
0x80: {  	v3 =	vld [tilespmem:s4+$0x230];
	v59 =	vmul.f32 v14, v59;
	v63 =	vmul.f32 v14, v48;
	v35 =	vadd.f32 v14, v35  }
0x81: {  	v7 =	vld [tilespmem:s4+$0x240];
	v48 =	vperm.xlane v19, v60;
	v21 =	vadd.f32 v17, v21;
	v30 =	vadd.f32 v5, v30  }
0x82: {  	v2 =	vmul.f32 v17, v61;
	v43 =	vadd.f32 v55, v43;
	v42 =	vadd.f32 v56, v42  }
0x83: {  	v23 =	vadd.f32 v59, v23;
	v24 =	vadd.f32 v63, v24;
	v4 =	vmul.f32 v17, v48  }
0x84: {  	v27 =	vadd.f32 v2, v27;
	v6 =	vmul.f32 v57, v48;
	v8 =	vmul.f32 v62, v61  }
0x85: {  	v11 =	vmul.f32 v62, v48;
	v22 =	vadd.f32 v62, v22;
	v12 =	vmul.f32 v3, v61  }
0x86: {  	v13 =	vld [tilespmem:s4+$0x260];
	v25 =	vadd.f32 v3, v25;
	v14 =	vmul.f32 v3, v48;
	v26 =	vadd.f32 v7, v26  }
0x87: {  	v10 =	vld [tilespmem:s4+$0x250];
	v15 =	vmul.f32 v7, v61;
	v28 =	vadd.f32 v4, v28;
	v31 =	vadd.f32 v6, v31  }
0x88: {  	v60 =	vld [tilespmem:s4+$0x290];
	v16 =	vmul.f32 v7, v48;
	v33 =	vadd.f32 v8, v33;
	v34 =	vadd.f32 v11, v34  }
0x89: {  	v17 =	vld [tilespmem:s4+$0x270];
	v62 =	vimm.s32 $0x5;
	v36 =	vadd.f32 v12, v36;
	v37 =	vadd.f32 v14, v37  }
0x8a: {  	v45 =	vperm.xlane v18, v62;
	v38 =	vadd.f32 v15, v38;
	v39 =	vadd.f32 v16, v39  }
0x8b: {  	v56 =	vld [tilespmem:s4+$0x280];
	v57 =	vmul.f32 v13, v61;
	v32 =	vadd.f32 v13, v32;
	v59 =	vmul.f32 v13, v48  }
0x8c: {  	v63 =	vld [tilespmem:s4+$0x2A0];
	v53 =	vmul.f32 v10, v61;
	v55 =	vmul.f32 v10, v48;
	v29 =	vadd.f32 v10, v29  }
0x8d: {  	v6 =	vmul.f32 v60, v45;
	v20 =	vadd.f32 v60, v20;
	v43 =	vadd.f32 v57, v43  }
0x8e: {  	v42 =	vadd.f32 v59, v42;
	v41 =	vadd.f32 v53, v41;
	v61 =	vmul.f32 v17, v61  }
0x8f: {  	v4 =	vld [tilespmem:s4+$0x2B0];
	v40 =	vadd.f32 v55, v40;
	v2 =	vmul.f32 v17, v48;
	v48 =	vperm.xlane v19, v62  }
0x90: {  	v8 =	vld [tilespmem:s4+$0x2C0];
	v35 =	vadd.f32 v17, v35;
	v3 =	vmul.f32 v56, v45;
	v21 =	vadd.f32 v56, v21  }
0x91: {  	v11 =	vld [tilespmem:s4+$0x2D0];
	v10 =	vmul.f32 v63, v45;
	v30 =	vadd.f32 v6, v30;
	v22 =	vadd.f32 v63, v22  }
0x92: {  	v14 =	vld [tilespmem:s4+$0x2E0];
	v23 =	vadd.f32 v61, v23;
	v24 =	vadd.f32 v2, v24;
	v5 =	vmul.f32 v56, v48  }
0x93: {  	v27 =	vadd.f32 v3, v27;
	v7 =	vmul.f32 v60, v48;
	v12 =	vmul.f32 v63, v48  }
0x94: {  	v33 =	vadd.f32 v10, v33;
	v13 =	vmul.f32 v4, v45;
	v15 =	vmul.f32 v4, v48  }
0x95: {  	v25 =	vadd.f32 v4, v25;
	v16 =	vmul.f32 v8, v45;
	v17 =	vmul.f32 v8, v48  }
0x96: {  	v26 =	vadd.f32 v8, v26;
	v56 =	vmul.f32 v11, v45;
	v29 =	vadd.f32 v11, v29  }
0x97: {  	v59 =	vld [tilespmem:s4+$0x300];
	v57 =	vmul.f32 v11, v48;
	v32 =	vadd.f32 v14, v32;
	v28 =	vadd.f32 v5, v28  }
0x98: {  	v55 =	vld [tilespmem:s4+$0x2F0];
	v60 =	vmul.f32 v14, v45;
	v31 =	vadd.f32 v7, v31;
	v34 =	vadd.f32 v12, v34  }
0x99: {  	v62 =	vld [tilespmem:s4+$0x310];
	v61 =	vmul.f32 v14, v48;
	v36 =	vadd.f32 v13, v36;
	v37 =	vadd.f32 v15, v37  }
0x9a: {  	v6 =	vld [tilespmem:s4+$0x320];
	v4 =	vimm.s32 $0x6;
	v38 =	vadd.f32 v16, v38;
	v39 =	vadd.f32 v17, v39  }
0x9b: {  	v1 =	vld [tilespmem:s4+$0x380];
	v8 =	vperm.xlane v19, v4;
	v41 =	vadd.f32 v56, v41;
	v40 =	vadd.f32 v57, v40  }
0x9c: {  	v43 =	vadd.f32 v60, v43;
	v5 =	vperm.xlane v18, v4;
	v42 =	vadd.f32 v61, v42  }
0x9d: {  	v11 =	vld [tilespmem:s4+$0x330];
	v21 =	vadd.f32 v59, v21;
	v63 =	vmul.f32 v55, v45;
	v7 =	vmul.f32 v55, v48  }
0x9e: {  	v35 =	vadd.f32 v55, v35;
	v12 =	vmul.f32 v59, v8;
	v14 =	vmul.f32 v62, v8  }
0x9f: {  	v20 =	vadd.f32 v62, v20;
	v53 =	vmul.f32 v6, v8;
	v22 =	vadd.f32 v6, v22  }
0xa0: {  	v10 =	vmul.f32 v59, v5;
	v13 =	vmul.f32 v62, v5;
	v21 =	vadd.f32 v1, v21  }
0xa1: {  	v15 =	vld [tilespmem:s4+$0x340];
	v16 =	vmul.f32 v6, v5;
	v23 =	vadd.f32 v63, v23;
	v24 =	vadd.f32 v7, v24  }
0xa2: {  	v17 =	vld [tilespmem:s4+$0x350];
	v28 =	vadd.f32 v12, v28;
	v31 =	vadd.f32 v14, v31;
	v55 =	vmul.f32 v11, v5  }
0xa3: {  	v56 =	vld [tilespmem:s4+$0x360];
	v34 =	vadd.f32 v53, v34;
	v25 =	vadd.f32 v11, v25;
	v57 =	vmul.f32 v11, v8  }
0xa4: {  	v61 =	vld [tilespmem:s4+$0x370];
	v14 =	vimm.s32 $0x7;
	v27 =	vadd.f32 v10, v27;
	v30 =	vadd.f32 v13, v30  }
0xa5: {  	v4 =	vld [tilespmem:s4+$0x390];
	v33 =	vadd.f32 v16, v33;
	v45 =	vperm.xlane v18, v14;
	v48 =	vperm.xlane v19, v14  }
0xa6: {  	v36 =	vadd.f32 v55, v36;
	v59 =	vmul.f32 v15, v5;
	v60 =	vmul.f32 v15, v8  }
0xa7: {  	v37 =	vadd.f32 v57, v37;
	v26 =	vadd.f32 v15, v26;
	v62 =	vmul.f32 v17, v5  }
0xa8: {  	v63 =	vmul.f32 v17, v8;
	v29 =	vadd.f32 v17, v29;
	v2 =	vmul.f32 v56, v5  }
0xa9: {  	v32 =	vadd.f32 v56, v32;
	v3 =	vmul.f32 v56, v8;
	v5 =	vmul.f32 v61, v5  }
0xaa: {  	v6 =	vld [tilespmem:s4+$0x3A0];
	v7 =	vmul.f32 v61, v8;
	v35 =	vadd.f32 v61, v35;
	v20 =	vadd.f32 v4, v20  }
0xab: {  	v8 =	vmul.f32 v1, v45;
	v38 =	vadd.f32 v59, v38;
	v39 =	vadd.f32 v60, v39  }
0xac: {  	v11 =	vmul.f32 v1, v48;
	v41 =	vadd.f32 v62, v41;
	v40 =	vadd.f32 v63, v40  }
0xad: {  	v10 =	vld [tilespmem:s4+$0x3B0];
	v12 =	vmul.f32 v4, v45;
	v43 =	vadd.f32 v2, v43;
	v42 =	vadd.f32 v3, v42  }
0xae: {  	v15 =	vld [tilespmem:s4+$0x3C0];
	v13 =	vmul.f32 v4, v48;
	v23 =	vadd.f32 v5, v23;
	v24 =	vadd.f32 v7, v24  }
0xaf: {  	v17 =	vld [tilespmem:s4+$0x3D0];
	v16 =	vmul.f32 v6, v45;
	v22 =	vadd.f32 v6, v22;
	v27 =	vadd.f32 v8, v27  }
0xb0: {  	v57 =	vld [tilespmem:s4+$0x3E0];
	v55 =	vmul.f32 v6, v48;
	v28 =	vadd.f32 v11, v28;
	v30 =	vadd.f32 v12, v30  }
0xb1: {  	v31 =	vadd.f32 v13, v31;
	v13 =	vimm.s32 $0x8;
	v33 =	vadd.f32 v16, v33  }
0xb2: {  	v56 =	vmul.f32 v10, v45;
	v34 =	vadd.f32 v55, v34;
	v59 =	vmul.f32 v10, v48  }
0xb3: {  	v62 =	vld [tilespmem:s4+$0x3F0];
	v25 =	vadd.f32 v10, v25;
	v60 =	vmul.f32 v15, v45;
	v61 =	vmul.f32 v15, v48  }
0xb4: {  	v2 =	vld [tilespmem:s4+$0x400];
	v26 =	vadd.f32 v15, v26;
	v63 =	vmul.f32 v17, v45;
	v29 =	vadd.f32 v17, v29  }
0xb5: {  	v5 =	vld [tilespmem:s4+$0x410];
	v1 =	vmul.f32 v17, v48;
	v32 =	vadd.f32 v57, v32;
	v36 =	vadd.f32 v56, v36  }
0xb6: {  	v7 =	vld [tilespmem:s4+$0x420];
	v3 =	vmul.f32 v57, v45;
	v37 =	vadd.f32 v59, v37;
	v38 =	vadd.f32 v60, v38  }
0xb7: {  	v11 =	vld [tilespmem:s4+$0x430];
	v4 =	vmul.f32 v57, v48;
	v39 =	vadd.f32 v61, v39;
	v41 =	vadd.f32 v63, v41  }
0xb8: {  	v40 =	vadd.f32 v1, v40;
	v43 =	vadd.f32 v3, v43;
	v6 =	vmul.f32 v62, v45  }
0xb9: {  	v45 =	vperm.xlane v18, v13;
	v42 =	vadd.f32 v4, v42;
	v8 =	vmul.f32 v62, v48  }
0xba: {  	v55 =	vld [tilespmem:s4+$0x450];
	v48 =	vperm.xlane v19, v13;
	v35 =	vadd.f32 v62, v35;
	v21 =	vadd.f32 v2, v21  }
0xbb: {  	v17 =	vld [tilespmem:s4+$0x440];
	v20 =	vadd.f32 v5, v20;
	v22 =	vadd.f32 v7, v22  }
0xbc: {  	v25 =	vadd.f32 v11, v25;
	v10 =	vmul.f32 v2, v45;
	v12 =	vmul.f32 v2, v48  }
0xbd: {  	v23 =	vadd.f32 v6, v23;
	v15 =	vmul.f32 v5, v45;
	v16 =	vmul.f32 v5, v48  }
0xbe: {  	v24 =	vadd.f32 v8, v24;
	v53 =	vmul.f32 v7, v45;
	v56 =	vmul.f32 v7, v48  }
0xbf: {  	v57 =	vmul.f32 v11, v45;
	v60 =	vmul.f32 v11, v48;
	v29 =	vadd.f32 v55, v29  }
0xc0: {  	v59 =	vld [tilespmem:s4+$0x460];
	v1 =	vmul.f32 v55, v45;
	v26 =	vadd.f32 v17, v26;
	v27 =	vadd.f32 v10, v27  }
0xc1: {  	v63 =	vld [tilespmem:s4+$0x470];
	v2 =	vmul.f32 v55, v48;
	v28 =	vadd.f32 v12, v28;
	v30 =	vadd.f32 v15, v30  }
0xc2: {  	v61 =	vmul.f32 v17, v45;
	v31 =	vadd.f32 v16, v31;
	v33 =	vadd.f32 v53, v33  }
0xc3: {  	v3 =	vld [tilespmem:s4+$0x480];
	v62 =	vmul.f32 v17, v48;
	v34 =	vadd.f32 v56, v34;
	v36 =	vadd.f32 v57, v36  }
0xc4: {  	v17 =	vimm.s32 $0x9;
	v37 =	vadd.f32 v60, v37;
	v41 =	vadd.f32 v1, v41  }
0xc5: {  	v4 =	vmul.f32 v59, v45;
	v40 =	vadd.f32 v2, v40;
	v32 =	vadd.f32 v59, v32  }
0xc6: {  	v6 =	vld [tilespmem:s4+$0x490];
	v5 =	vmul.f32 v59, v48;
	v38 =	vadd.f32 v61, v38;
	v7 =	vmul.f32 v63, v45  }
0xc7: {  	v8 =	vld [tilespmem:s4+$0x4A0];
	v39 =	vadd.f32 v62, v39;
	v45 =	vperm.xlane v18, v17;
	v10 =	vmul.f32 v63, v48  }
0xc8: {  	v48 =	vperm.xlane v19, v17;
	v35 =	vadd.f32 v63, v35;
	v21 =	vadd.f32 v3, v21  }
0xc9: {  	v43 =	vadd.f32 v4, v43;
	v42 =	vadd.f32 v5, v42  }
0xca: {  	v12 =	vld [tilespmem:s4+$0x4B0];
	v23 =	vadd.f32 v7, v23;
	v11 =	vmul.f32 v3, v45;
	v15 =	vmul.f32 v3, v48  }
0xcb: {  	v57 =	vld [tilespmem:s4+$0x4C0];
	v24 =	vadd.f32 v10, v24;
	v16 =	vmul.f32 v6, v45;
	v56 =	vmul.f32 v6, v48  }
0xcc: {  	v60 =	vld [tilespmem:s4+$0x4D0];
	v20 =	vadd.f32 v6, v20;
	v59 =	vmul.f32 v8, v45;
	v22 =	vadd.f32 v8, v22  }
0xcd: {  	v61 =	vmul.f32 v8, v48;
	v27 =	vadd.f32 v11, v27;
	v28 =	vadd.f32 v15, v28  }
0xce: {  	v63 =	vld [tilespmem:s4+$0x4E0];
	v30 =	vadd.f32 v16, v30;
	v31 =	vadd.f32 v56, v31  }
0xcf: {  	v33 =	vadd.f32 v59, v33;
	v62 =	vmul.f32 v12, v45;
	v34 =	vadd.f32 v61, v34  }
0xd0: {  	v25 =	vadd.f32 v12, v25;
	v1 =	vmul.f32 v12, v48;
	v2 =	vmul.f32 v57, v45  }
0xd1: {  	v4 =	vld [tilespmem:s4+$0x4F0];
	v3 =	vmul.f32 v57, v48;
	v26 =	vadd.f32 v57, v26;
	v5 =	vmul.f32 v60, v45  }
0xd2: {  	v6 =	vmul.f32 v60, v48;
	v29 =	vadd.f32 v60, v29;
	v16 =	vimm.s32 $0xA  }
0xd3: {  	v7 =	vld [tilespmem:s4+$0x500];
	v8 =	vmul.f32 v63, v45;
	v32 =	vadd.f32 v63, v32;
	v36 =	vadd.f32 v62, v36  }
0xd4: {  	v55 =	vld [tilespmem:s4+$0x580];
	v10 =	vmul.f32 v63, v48;
	v37 =	vadd.f32 v1, v37;
	v38 =	vadd.f32 v2, v38  }
0xd5: {  	v11 =	vld [tilespmem:s4+$0x510];
	v15 =	vperm.xlane v18, v16;
	v39 =	vadd.f32 v3, v39;
	v41 =	vadd.f32 v5, v41  }
0xd6: {  	v56 =	vld [tilespmem:s4+$0x520];
	v40 =	vadd.f32 v6, v40;
	v12 =	vmul.f32 v4, v45;
	v57 =	vmul.f32 v4, v48  }
0xd7: {  	v60 =	vld [tilespmem:s4+$0x530];
	v48 =	vperm.xlane v19, v16;
	v35 =	vadd.f32 v4, v35;
	v43 =	vadd.f32 v8, v43  }
0xd8: {  	v42 =	vadd.f32 v10, v42;
	v59 =	vmul.f32 v7, v15;
	v21 =	vadd.f32 v7, v21  }
0xd9: {  	v23 =	vadd.f32 v12, v23;
	v24 =	vadd.f32 v57, v24;
	v61 =	vmul.f32 v7, v48  }
0xda: {  	v1 =	vld [tilespmem:s4+$0x540];
	v27 =	vadd.f32 v59, v27;
	v62 =	vmul.f32 v11, v15;
	v63 =	vmul.f32 v11, v48  }
0xdb: {  	v20 =	vadd.f32 v11, v20;
	v2 =	vmul.f32 v56, v15;
	v22 =	vadd.f32 v56, v22  }
0xdc: {  	v3 =	vld [tilespmem:s4+$0x550];
	v4 =	vmul.f32 v56, v48;
	v25 =	vadd.f32 v60, v25;
	v21 =	vadd.f32 v55, v21  }
0xdd: {  	v6 =	vld [tilespmem:s4+$0x560];
	v5 =	vmul.f32 v60, v15;
	v28 =	vadd.f32 v61, v28;
	v30 =	vadd.f32 v62, v30  }
0xde: {  	v7 =	vmul.f32 v60, v48;
	v31 =	vadd.f32 v63, v31;
	v33 =	vadd.f32 v2, v33  }
0xdf: {  	v34 =	vadd.f32 v4, v34;
	v36 =	vadd.f32 v5, v36;
	v8 =	vmul.f32 v1, v15  }
0xe0: {  	v11 =	vld [tilespmem:s4+$0x570];
	v10 =	vmul.f32 v1, v48;
	v37 =	vadd.f32 v7, v37;
	v26 =	vadd.f32 v1, v26  }
0xe1: {  	v59 =	vld [tilespmem:s4+$0x590];
	v52 =	vmul.f32 v3, v15;
	v53 =	vmul.f32 v3, v48;
	v29 =	vadd.f32 v3, v29  }
0xe2: {  	v61 =	vld [tilespmem:s4+$0x5A0];
	v56 =	vmul.f32 v6, v15;
	v32 =	vadd.f32 v6, v32;
	v38 =	vadd.f32 v8, v38  }
0xe3: {  	v57 =	vmul.f32 v6, v48;
	v39 =	vadd.f32 v10, v39;
	v41 =	vadd.f32 v52, v41  }
0xe4: {  	v1 =	vld [tilespmem:s4+$0x5B0];
	v40 =	vadd.f32 v53, v40;
	v43 =	vadd.f32 v56, v43  }
0xe5: {  	v5 =	vld [tilespmem:s4+$0x5C0];
	v42 =	vadd.f32 v57, v42;
	v60 =	vmul.f32 v11, v15;
	v15 =	vimm.s32 $0xB  }
0xe6: {  	v7 =	vld [tilespmem:s4+$0x5D0];
	v62 =	vmul.f32 v11, v48;
	v35 =	vadd.f32 v11, v35;
	v20 =	vadd.f32 v59, v20  }
0xe7: {  	v57 =	vld [tilespmem:s4+$0x5F0];
	v45 =	vperm.xlane v18, v15;
	v48 =	vperm.xlane v19, v15;
	v22 =	vadd.f32 v61, v22  }
0xe8: {  	v47 =	vperm.xlane v18, v54;
	v23 =	vadd.f32 v60, v23;
	v24 =	vadd.f32 v62, v24  }
0xe9: {  	v25 =	vadd.f32 v1, v25;
	v63 =	vmul.f32 v55, v45;
	v2 =	vmul.f32 v55, v48  }
0xea: {  	v26 =	vadd.f32 v5, v26;
	v3 =	vmul.f32 v59, v45;
	v4 =	vmul.f32 v59, v48  }
0xeb: {  	v29 =	vadd.f32 v7, v29;
	v6 =	vmul.f32 v61, v45;
	v8 =	vmul.f32 v61, v48  }
0xec: {  	v10 =	vmul.f32 v1, v45;
	v12 =	vmul.f32 v1, v48;
	v35 =	vadd.f32 v57, v35  }
0xed: {  	v11 =	vld [tilespmem:s4+$0x5E0];
	v55 =	vmul.f32 v5, v45;
	v27 =	vadd.f32 v63, v27;
	v28 =	vadd.f32 v2, v28  }
0xee: {  	v56 =	vmul.f32 v5, v48;
	v30 =	vadd.f32 v3, v30;
	v31 =	vadd.f32 v4, v31  }
0xef: {  	v59 =	vmul.f32 v7, v45;
	v33 =	vadd.f32 v6, v33;
	v34 =	vadd.f32 v8, v34  }
0xf0: {  	v60 =	vmul.f32 v7, v48;
	v36 =	vadd.f32 v10, v36;
	v37 =	vadd.f32 v12, v37  }
0xf1: {  	v61 =	vld [tilespmem:s4+$0x600];
	v5 =	vmul.f32 v57, v45;
	v38 =	vadd.f32 v55, v38;
	v39 =	vadd.f32 v56, v39  }
0xf2: {  	v7 =	vld [tilespmem:s4+$0x620];
	v41 =	vadd.f32 v59, v41;
	v62 =	vmul.f32 v11, v45;
	v40 =	vadd.f32 v60, v40  }
0xf3: {  	v1 =	vld [tilespmem:s4+$0x660];
	v32 =	vadd.f32 v11, v32;
	v63 =	vmul.f32 v11, v48;
	v6 =	vimm.s32 $0xC  }
0xf4: {  	v4 =	vld [tilespmem:s4+$0x610];
	v8 =	vmul.f32 v57, v48;
	v45 =	vperm.xlane v18, v6;
	v23 =	vadd.f32 v5, v23  }
0xf5: {  	v11 =	vld [tilespmem:s4+$0x630];
	v48 =	vperm.xlane v19, v6;
	v43 =	vadd.f32 v62, v43;
	v42 =	vadd.f32 v63, v42  }
0xf6: {  	v24 =	vadd.f32 v8, v24;
	v10 =	vmul.f32 v61, v45;
	v21 =	vadd.f32 v61, v21  }
0xf7: {  	v59 =	vld [tilespmem:s4+$0x640];
	v12 =	vmul.f32 v61, v48;
	v60 =	vmul.f32 v7, v45;
	v22 =	vadd.f32 v7, v22  }
0xf8: {  	v5 =	vld [tilespmem:s4+$0x670];
	v62 =	vmul.f32 v7, v48;
	v32 =	vadd.f32 v1, v32;
	v27 =	vadd.f32 v10, v27  }
0xf9: {  	v56 =	vmul.f32 v4, v45;
	v57 =	vmul.f32 v4, v48;
	v28 =	vadd.f32 v12, v28  }
0xfa: {  	v20 =	vadd.f32 v4, v20;
	v33 =	vadd.f32 v60, v33;
	v63 =	vmul.f32 v11, v45  }
0xfb: {  	v34 =	vadd.f32 v62, v34;
	v25 =	vadd.f32 v11, v25;
	v2 =	vmul.f32 v11, v48  }
0xfc: {  	v61 =	vld [tilespmem:s4+$0x650];
	v3 =	vmul.f32 v59, v45;
	v4 =	vmul.f32 v59, v48;
	v26 =	vadd.f32 v59, v26  }
0xfd: {  	v8 =	vld [tilespmem:s4+$0x680];
	v10 =	vmul.f32 v1, v45;
	v35 =	vadd.f32 v5, v35;
	v30 =	vadd.f32 v56, v30  }
0xfe: {  	v11 =	vmul.f32 v1, v48;
	v31 =	vadd.f32 v57, v31;
	v36 =	vadd.f32 v63, v36  }
0xff: {  	v55 =	vmul.f32 v5, v45;
	v37 =	vadd.f32 v2, v37;
	v38 =	vadd.f32 v3, v38  }
0x100: {  	v12 =	vld [tilespmem:s4+$0x690];
	v59 =	vmul.f32 v5, v48;
	v39 =	vadd.f32 v4, v39;
	v43 =	vadd.f32 v10, v43  }
0x101: {  	v56 =	vimm.s32 $0xD;
	v42 =	vadd.f32 v11, v42;
	v6 =	vmul.f32 v61, v45  }
0x102: {  	v57 =	vld [tilespmem:s4+$0x6A0];
	v21 =	vadd.f32 v8, v21;
	v7 =	vmul.f32 v61, v48;
	v45 =	vperm.xlane v18, v56  }
0x103: {  	v29 =	vadd.f32 v61, v29;
	v48 =	vperm.xlane v19, v56;
	v23 =	vadd.f32 v55, v23  }
0x104: {  	v2 =	vld [tilespmem:s4+$0x6C0];
	v24 =	vadd.f32 v59, v24;
	v41 =	vadd.f32 v6, v41;
	v60 =	vmul.f32 v8, v45  }
0x105: {  	v4 =	vld [tilespmem:s4+$0x6D0];
	v40 =	vadd.f32 v7, v40;
	v62 =	vmul.f32 v8, v48;
	v63 =	vmul.f32 v12, v45  }
0x106: {  	v61 =	vld [tilespmem:s4+$0x6B0];
	v1 =	vmul.f32 v12, v48;
	v20 =	vadd.f32 v12, v20;
	v27 =	vadd.f32 v60, v27  }
0x107: {  	v28 =	vadd.f32 v62, v28;
	v3 =	vmul.f32 v57, v45;
	v30 =	vadd.f32 v63, v30  }
0x108: {  	v31 =	vadd.f32 v1, v31;
	v5 =	vmul.f32 v57, v48;
	v22 =	vadd.f32 v57, v22  }
0x109: {  	v10 =	vmul.f32 v2, v45;
	v11 =	vmul.f32 v2, v48;
	v26 =	vadd.f32 v2, v26  }
0x10a: {  	v8 =	vld [tilespmem:s4+$0x6E0];
	v55 =	vmul.f32 v4, v45;
	v56 =	vmul.f32 v4, v48;
	v29 =	vadd.f32 v4, v29  }
0x10b: {  	v12 =	vld [tilespmem:s4+$0x6F0];
	v62 =	vimm.s32 $0xE;
	v25 =	vadd.f32 v61, v25;
	v33 =	vadd.f32 v3, v33  }
0x10c: {  	v6 =	vmul.f32 v61, v45;
	v34 =	vadd.f32 v5, v34;
	v38 =	vadd.f32 v10, v38  }
0x10d: {  	v57 =	vld [tilespmem:s4+$0x700];
	v7 =	vmul.f32 v61, v48;
	v39 =	vadd.f32 v11, v39;
	v41 =	vadd.f32 v55, v41  }
0x10e: {  	v2 =	vld [tilespmem:s4+$0x720];
	v49 =	vperm.xlane v18, v62;
	v40 =	vadd.f32 v56, v40;
	v36 =	vadd.f32 v6, v36  }
0x10f: {  	v4 =	vld [tilespmem:s4+$0x730];
	v37 =	vadd.f32 v7, v37;
	v59 =	vmul.f32 v8, v45;
	v60 =	vmul.f32 v8, v48  }
0x110: {  	v61 =	vld [tilespmem:s4+$0x710];
	v32 =	vadd.f32 v8, v32;
	v45 =	vmul.f32 v12, v45;
	v63 =	vmul.f32 v12, v48  }
0x111: {  	v48 =	vperm.xlane v19, v62;
	v35 =	vadd.f32 v12, v35;
	v43 =	vadd.f32 v59, v43  }
0x112: {  	v42 =	vadd.f32 v60, v42;
	v3 =	vmul.f32 v57, v49;
	v23 =	vadd.f32 v45, v23  }
0x113: {  	v24 =	vadd.f32 v63, v24;
	v5 =	vmul.f32 v57, v48;
	v21 =	vadd.f32 v57, v21  }
0x114: {  	v56 =	vld [tilespmem:s4+$0x760];
	v10 =	vmul.f32 v2, v49;
	v11 =	vmul.f32 v2, v48;
	v22 =	vadd.f32 v2, v22  }
0x115: {  	v7 =	vld [tilespmem:s4+$0x740];
	v53 =	vmul.f32 v4, v49;
	v25 =	vadd.f32 v4, v25;
	v20 =	vadd.f32 v61, v20  }
0x116: {  	v12 =	vld [tilespmem:s4+$0x750];
	v55 =	vmul.f32 v4, v48;
	v27 =	vadd.f32 v3, v27;
	v28 =	vadd.f32 v5, v28  }
0x117: {  	v6 =	vmul.f32 v61, v49;
	v33 =	vadd.f32 v10, v33;
	v34 =	vadd.f32 v11, v34  }
0x118: {  	v8 =	vmul.f32 v61, v48;
	v44 =	vadd.f32 v53, v36;
	v45 =	vadd.f32 v55, v37  }
0x119: {  	v59 =	vld [tilespmem:s4+$0x770];
	v1 =	vmul.f32 v56, v49;
	v53 =	vadd.f32 v56, v32;
	v30 =	vadd.f32 v6, v30  }
0x11a: {  	v63 =	vld [tilespmem:s4+$0x780];
	v31 =	vadd.f32 v8, v31;
	v57 =	vmul.f32 v7, v49;
	v26 =	vadd.f32 v7, v26  }
0x11b: {  	v2 =	vld [tilespmem:s4+$0x790];
	v60 =	vmul.f32 v7, v48;
	v61 =	vmul.f32 v12, v49;
	v29 =	vadd.f32 v12, v29  }
0x11c: {  	v62 =	vmul.f32 v12, v48;
	v43 =	vadd.f32 v1, v43;
	v38 =	vadd.f32 v57, v38  }
0x11d: {  	v3 =	vmul.f32 v56, v48;
	v52 =	vadd.f32 v60, v39;
	v50 =	vadd.f32 v61, v41  }
0x11e: {  	v5 =	vld [tilespmem:s4+$0x7A0];
	v46 =	vadd.f32 v62, v40;
	v4 =	vmul.f32 v59, v49;
	v49 =	vperm.xlane v19, v54  }
0x11f: {  	v10 =	vld [tilespmem:s4+$0x7B0];
	v54 =	vadd.f32 v3, v42;
	v55 =	vadd.f32 v59, v35;
	v6 =	vmul.f32 v59, v48  }
0x120: {  	v7 =	vmul.f32 v63, v47;
	v56 =	vadd.f32 v63, v21;
	v11 =	vmul.f32 v2, v47  }
0x121: {  	v12 =	vld [tilespmem:s4+$0x7C0];
	v57 =	vadd.f32 v2, v20;
	v48 =	vadd.f32 v4, v23;
	v8 =	vmul.f32 v63, v49  }
0x122: {  	v51 =	vadd.f32 v6, v24;
	v42 =	vadd.f32 v7, v27;
	v37 =	vmul.f32 v2, v49  }
0x123: {  	s11 =	sor.u32 $0x10, s11;
	v40 =	vadd.f32 v11, v30;
	v59 =	vmul.f32 v5, v47;
	v36 =	vadd.f32 v5, v22  }
0x124: {  	v60 =	vld.idx.msk [tilespmem:v0+s11+$0x0 ss:$0x1], $0xffff;
	v18 =	vmul.f32 v5, v49;
	v62 =	vmul.f32 v10, v47;
	v41 =	vadd.f32 v8, v28  }
0x125: {  	v61 =	vld [tilespmem:s4+$0x7D0];
	v63 =	vmul.f32 v10, v49;
	v39 =	vadd.f32 v37, v31;
	v32 =	vadd.f32 v59, v33  }
0x126: {  	s11 =	sadd.s32 s7, s11;
	v3 =	vld [tilespmem:s4+$0x7F0];
	v0 =	vmul.f32 v12, v47;
	v33 =	vadd.f32 v18, v34;
	v37 =	vadd.f32 v10, v25  }
0x127: {  	s11 =	sshll.u32 s11, $0x7;
	v1 =	vmul.f32 v12, v49;
	v25 =	vadd.f32 v62, v44;
	v22 =	vadd.f32 v63, v45  }
0x128: {  	v2 =	vld [tilespmem:s4+$0x7E0];
	s11 =	sand.u32 $0x3FFFFF80, s11;
	v31 =	vadd.f32 v12, v26;
	v57 =	vsub.f32 v57, v40  }
0x129: {  	v44 =	vld [tilespmem:s11+$0x0];
	v20 =	vadd.f32 v0, v38;
	vm15 =	vlt.s32 v60, $0x1;
	v21 =	vadd.f32 v1, v52  }
0x12a: {  	v45 =	vld [tilespmem:s11+$0x10];
	v4 =	vmul.f32 v61, v47;
	v6 =	vmul.f32 v61, v49;
	v5 =	vnsel vm15, $0x1, v60  }
0x12b: {  	v62 =	vld [tilespmem:s11+$0x60];
	v24 =	vand.u32 $0x1, v60;
	v8 =	vmul.f32 v3, v47;
	v18 =	vsub.s32 $0x1, v5  }
0x12c: {  	v34 =	vadd.f32 v61, v29;
	v10 =	vmul.f32 v3, v49;
	v0 =	vld [tilespmem:s11+$0x70];
	v19 =	vcvt.s32.f32 v18  }
0x12d: {  	v23 =	vadd.f32 v4, v50;
	v7 =	vmul.f32 v2, v47;
	v50 =	vld [tilespmem:s11+$0x20];
	v18 =	vcvt.s32.f32 v24  }
0x12e: {  	v30 =	vadd.f32 v3, v55;
	v11 =	vmul.f32 v2, v49;
	v49 =	vld [tilespmem:s11+$0x40];
	v12 =	vperm.xlane v19, v58  }
0x12f: {  	v60 =	vld [tilespmem:s11+$0x50];
	v24 =	vadd.f32 v6, v46;
	v52 =	vperm.xlane v18, v58;
	v6 =	vperm.xlane v19, v9  }
0x130: {  	v35 =	vadd.f32 v2, v53;
	v2 =	vld [tilespmem:s11+$0x80];
	v9 =	vperm.xlane v18, v9;
	v53 =	vmul.f32 v44, v12  }
0x131: {  	v4 =	vld [tilespmem:s11+$0x90];
	v27 =	vadd.f32 v11, v54;
	v59 =	vmul.f32 v44, v52;
	v54 =	vmul.f32 v45, v12  }
0x132: {  	v29 =	vadd.f32 v10, v51;
	v58 =	vld [tilespmem:s11+$0x30];
	v61 =	vmul.f32 v45, v52;
	v55 =	vmul.f32 v50, v12  }
0x133: {  	v26 =	vadd.f32 v7, v43;
	v7 =	vld [tilespmem:s11+$0xA0];
	v63 =	vmul.f32 v50, v52;
	v47 =	vmul.f32 v49, v12  }
0x134: {  	v11 =	vsub.f32 v56, v42;
	v51 =	vmul.f32 v49, v52;
	v56 =	vmul.f32 v60, v12  }
0x135: {  	v38 =	vsub.f32 v57, v39;
	v3 =	vmul.f32 v60, v52;
	v5 =	vmul.f32 v62, v12  }
0x136: {  	v28 =	vadd.f32 v8, v48;
	v46 =	vmul.f32 v0, v12;
	v57 =	vmul.f32 v4, v6  }
0x137: {  	v10 =	vld [tilespmem:s11+$0xB0];
	v43 =	vsub.f32 v11, v41;
	v48 =	vmul.f32 v58, v12;
	v12 =	vmul.f32 v2, v6  }
0x138: {  	v44 =	vadd.f32 v2, v44;
	v54 =	vadd.f32 v57, v54;
	v57 =	vmul.f32 v7, v9  }
0x139: {  	v11 =	vmul.f32 v4, v9;
	v2 =	vmul.f32 v2, v9;
	v53 =	vadd.f32 v12, v53;
	v12 =	vld [tilespmem:s11+$0xC0]  }
0x13a: {  	v8 =	vmul.f32 v62, v52;
	v4 =	vadd.f32 v4, v45;
	v57 =	vadd.f32 v57, v63;
	v63 =	vld [tilespmem:s11+$0xF0]  }
0x13b: {  	v45 =	vmul.f32 v7, v6;
	v11 =	vadd.f32 v11, v61;
	v2 =	vadd.f32 v2, v59;
	v59 =	vld [tilespmem:s11+$0xD0]  }
0x13c: {  	v7 =	vadd.f32 v7, v50;
	v61 =	vmul.f32 v10, v6;
	v1 =	vmul.f32 v58, v52  }
0x13d: {  	v58 =	vadd.f32 v10, v58;
	v10 =	vmul.f32 v10, v9;
	v45 =	vadd.f32 v45, v55;
	v55 =	vld [tilespmem:s11+$0xE0]  }
0x13e: {  	v52 =	vmul.f32 v0, v52;
	v48 =	vadd.f32 v61, v48;
	v50 =	vmul.f32 v12, v6  }
0x13f: {  	v1 =	vadd.f32 v10, v1;
	v0 =	vadd.f32 v63, v0;
	v61 =	vmul.f32 v12, v9  }
0x140: {  	v10 =	vadd.f32 v12, v49;
	v12 =	vmul.f32 v59, v6;
	v47 =	vadd.f32 v50, v47  }
0x141: {  	v49 =	vadd.f32 v61, v51;
	v61 =	vmul.f32 v59, v9;
	v51 =	vld [tilespmem:s11+$0x100];
	v59 =	vadd.f32 v59, v60  }
0x142: {  	v12 =	vadd.f32 v12, v56;
	v56 =	vmul.f32 v55, v6;
	v50 =	vadd.f32 v55, v62  }
0x143: {  	v55 =	vmul.f32 v55, v9;
	v60 =	vld [tilespmem:s11+$0x110];
	v6 =	vmul.f32 v63, v6;
	v62 =	vimm.s32 $0x2  }
0x144: {  	v9 =	vmul.f32 v63, v9;
	v63 =	vld [tilespmem:s11+$0x140];
	v5 =	vadd.f32 v56, v5;
	v56 =	vperm.xlane v19, v62  }
0x145: {  	v3 =	vadd.f32 v61, v3;
	v61 =	vld [tilespmem:s11+$0x120];
	v8 =	vadd.f32 v55, v8;
	v55 =	vperm.xlane v18, v62  }
0x146: {  	v6 =	vadd.f32 v6, v46;
	v62 =	vld [tilespmem:s11+$0x130];
	v46 =	vmul.f32 v51, v56  }
0x147: {  	v9 =	vadd.f32 v9, v52;
	v44 =	vadd.f32 v51, v44;
	v51 =	vmul.f32 v51, v55  }
0x148: {  	v4 =	vadd.f32 v60, v4;
	v46 =	vadd.f32 v46, v53;
	v53 =	vmul.f32 v60, v55  }
0x149: {  	v52 =	vmul.f32 v60, v56;
	v10 =	vadd.f32 v63, v10;
	v2 =	vadd.f32 v51, v2  }
0x14a: {  	v51 =	vmul.f32 v61, v56;
	v60 =	vld [tilespmem:s11+$0x150];
	v11 =	vadd.f32 v53, v11;
	v53 =	vmul.f32 v61, v55  }
0x14b: {  	v52 =	vadd.f32 v52, v54;
	v7 =	vadd.f32 v61, v7;
	v54 =	vld [tilespmem:s11+$0x160];
	v61 =	vmul.f32 v62, v56  }
0x14c: {  	v45 =	vadd.f32 v51, v45;
	v51 =	vmul.f32 v63, v56;
	v53 =	vadd.f32 v53, v57  }
0x14d: {  	v57 =	vadd.f32 v62, v58;
	v58 =	vmul.f32 v62, v55;
	v48 =	vadd.f32 v61, v48  }
0x14e: {  	v61 =	vmul.f32 v63, v55;
	v62 =	vld [tilespmem:s11+$0x170];
	v47 =	vadd.f32 v51, v47;
	v63 =	vimm.s32 $0x3  }
0x14f: {  	v51 =	vmul.f32 v60, v55;
	v59 =	vadd.f32 v60, v59;
	v1 =	vadd.f32 v58, v1  }
0x150: {  	v58 =	vmul.f32 v60, v56;
	v49 =	vadd.f32 v61, v49;
	v61 =	vld [tilespmem:s11+$0x180];
	v60 =	vmul.f32 v54, v56  }
0x151: {  	v50 =	vadd.f32 v54, v50;
	v3 =	vadd.f32 v51, v3;
	v51 =	vmul.f32 v54, v55;
	v54 =	vld [tilespmem:s11+$0x190]  }
0x152: {  	v12 =	vadd.f32 v58, v12;
	v5 =	vadd.f32 v60, v5;
	v58 =	vperm.xlane v19, v63  }
0x153: {  	v60 =	vld [tilespmem:s11+$0x1A0];
	v56 =	vmul.f32 v62, v56;
	v8 =	vadd.f32 v51, v8;
	v51 =	vmul.f32 v62, v55  }
0x154: {  	v55 =	vperm.xlane v18, v63;
	v0 =	vadd.f32 v62, v0;
	v62 =	vld [tilespmem:s11+$0x1B0]  }
0x155: {  	v63 =	vld [tilespmem:s11+$0x1C0];
	v6 =	vadd.f32 v56, v6;
	v56 =	vmul.f32 v61, v58;
	v9 =	vadd.f32 v51, v9  }
0x156: {  	v44 =	vadd.f32 v61, v44;
	v51 =	vmul.f32 v61, v55;
	v61 =	vmul.f32 v54, v55  }
0x157: {  	v4 =	vadd.f32 v54, v4;
	v46 =	vadd.f32 v56, v46;
	v56 =	vmul.f32 v54, v58  }
0x158: {  	v2 =	vadd.f32 v51, v2;
	v51 =	vmul.f32 v60, v58;
	v7 =	vadd.f32 v60, v7  }
0x159: {  	v54 =	vld [tilespmem:s11+$0x1D0];
	v11 =	vadd.f32 v61, v11;
	v52 =	vadd.f32 v56, v52;
	v56 =	vmul.f32 v60, v55  }
0x15a: {  	v61 =	vmul.f32 v63, v55;
	v45 =	vadd.f32 v51, v45;
	v51 =	vmul.f32 v62, v58;
	v60 =	vld [tilespmem:s11+$0x1E0]  }
0x15b: {  	v53 =	vadd.f32 v56, v53;
	v56 =	vadd.f32 v62, v57;
	v57 =	vmul.f32 v62, v55  }
0x15c: {  	v49 =	vadd.f32 v61, v49;
	v61 =	vld [tilespmem:s11+$0x200];
	v48 =	vadd.f32 v51, v48;
	v51 =	vmul.f32 v63, v58  }
0x15d: {  	v10 =	vadd.f32 v63, v10;
	v62 =	vld [tilespmem:s11+$0x1F0];
	v1 =	vadd.f32 v57, v1  }
0x15e: {  	v57 =	vmul.f32 v54, v58;
	v47 =	vadd.f32 v51, v47;
	v51 =	vmul.f32 v54, v55  }
0x15f: {  	v54 =	vadd.f32 v54, v59;
	v63 =	vmul.f32 v60, v58;
	v50 =	vadd.f32 v60, v50  }
0x160: {  	v59 =	vld [tilespmem:s11+$0x210];
	v12 =	vadd.f32 v57, v12;
	v3 =	vadd.f32 v51, v3  }
0x161: {  	v51 =	vmul.f32 v60, v55;
	v5 =	vadd.f32 v63, v5;
	v63 =	vimm.s32 $0x4  }
0x162: {  	v60 =	vld [tilespmem:s11+$0x220];
	v44 =	vadd.f32 v61, v44;
	v57 =	vmul.f32 v62, v58;
	v58 =	vperm.xlane v19, v63  }
0x163: {  	v8 =	vadd.f32 v51, v8;
	v51 =	vmul.f32 v62, v55;
	v55 =	vperm.xlane v18, v63  }
0x164: {  	v0 =	vadd.f32 v62, v0;
	v62 =	vld [tilespmem:s11+$0x230];
	v6 =	vadd.f32 v57, v6;
	v57 =	vmul.f32 v61, v58  }
0x165: {  	v63 =	vld [tilespmem:s11+$0x240];
	v4 =	vadd.f32 v59, v4;
	v9 =	vadd.f32 v51, v9;
	v51 =	vmul.f32 v61, v55  }
0x166: {  	v61 =	vmul.f32 v59, v55;
	v46 =	vadd.f32 v57, v46;
	v57 =	vmul.f32 v59, v58  }
0x167: {  	v7 =	vadd.f32 v60, v7;
	v2 =	vadd.f32 v51, v2;
	v51 =	vmul.f32 v60, v58  }
0x168: {  	v59 =	vld [tilespmem:s11+$0x250];
	v11 =	vadd.f32 v61, v11;
	v52 =	vadd.f32 v57, v52;
	v57 =	vmul.f32 v60, v55  }
0x169: {  	v56 =	vadd.f32 v62, v56;
	v45 =	vadd.f32 v51, v45;
	v51 =	vmul.f32 v62, v58;
	v60 =	vld [tilespmem:s11+$0x260]  }
0x16a: {  	v61 =	vmul.f32 v63, v55;
	v53 =	vadd.f32 v57, v53;
	v57 =	vmul.f32 v62, v55  }
0x16b: {  	v10 =	vadd.f32 v63, v10;
	v48 =	vadd.f32 v51, v48;
	v51 =	vmul.f32 v63, v58  }
0x16c: {  	v49 =	vadd.f32 v61, v49;
	v62 =	vld [tilespmem:s11+$0x270];
	v1 =	vadd.f32 v57, v1  }
0x16d: {  	v57 =	vmul.f32 v59, v58;
	v47 =	vadd.f32 v51, v47;
	v51 =	vmul.f32 v59, v55  }
0x16e: {  	v61 =	vld [tilespmem:s11+$0x280];
	v54 =	vadd.f32 v59, v54;
	v63 =	vmul.f32 v60, v58;
	v50 =	vadd.f32 v60, v50  }
0x16f: {  	v59 =	vld [tilespmem:s11+$0x290];
	v12 =	vadd.f32 v57, v12;
	v3 =	vadd.f32 v51, v3  }
0x170: {  	v51 =	vmul.f32 v60, v55;
	v5 =	vadd.f32 v63, v5;
	v63 =	vimm.s32 $0x5  }
0x171: {  	v60 =	vld [tilespmem:s11+$0x2A0];
	v57 =	vmul.f32 v62, v58;
	v0 =	vadd.f32 v62, v0;
	v58 =	vperm.xlane v19, v63  }
0x172: {  	v8 =	vadd.f32 v51, v8;
	v51 =	vmul.f32 v62, v55;
	v55 =	vperm.xlane v18, v63;
	v62 =	vld [tilespmem:s11+$0x2B0]  }
0x173: {  	v44 =	vadd.f32 v61, v44;
	v63 =	vld [tilespmem:s11+$0x2C0];
	v6 =	vadd.f32 v57, v6;
	v57 =	vmul.f32 v61, v58  }
0x174: {  	v4 =	vadd.f32 v59, v4;
	v9 =	vadd.f32 v51, v9;
	v51 =	vmul.f32 v61, v55  }
0x175: {  	v61 =	vmul.f32 v59, v55;
	v46 =	vadd.f32 v57, v46;
	v57 =	vmul.f32 v59, v58  }
0x176: {  	v7 =	vadd.f32 v60, v7;
	v2 =	vadd.f32 v51, v2;
	v51 =	vmul.f32 v60, v58  }
0x177: {  	v59 =	vld [tilespmem:s11+$0x2D0];
	v11 =	vadd.f32 v61, v11;
	v52 =	vadd.f32 v57, v52;
	v57 =	vmul.f32 v60, v55  }
0x178: {  	v61 =	vmul.f32 v63, v55;
	v45 =	vadd.f32 v51, v45;
	v51 =	vmul.f32 v62, v58;
	v60 =	vld [tilespmem:s11+$0x2E0]  }
0x179: {  	v56 =	vadd.f32 v62, v56;
	v53 =	vadd.f32 v57, v53;
	v57 =	vmul.f32 v62, v55  }
0x17a: {  	v49 =	vadd.f32 v61, v49;
	v61 =	vld [tilespmem:s11+$0x300];
	v48 =	vadd.f32 v51, v48;
	v51 =	vmul.f32 v63, v58  }
0x17b: {  	v10 =	vadd.f32 v63, v10;
	v62 =	vld [tilespmem:s11+$0x2F0];
	v1 =	vadd.f32 v57, v1  }
0x17c: {  	v57 =	vmul.f32 v59, v58;
	v47 =	vadd.f32 v51, v47;
	v51 =	vmul.f32 v59, v55  }
0x17d: {  	v54 =	vadd.f32 v59, v54;
	v63 =	vmul.f32 v60, v58;
	v50 =	vadd.f32 v60, v50  }
0x17e: {  	v59 =	vld [tilespmem:s11+$0x310];
	v12 =	vadd.f32 v57, v12;
	v3 =	vadd.f32 v51, v3  }
0x17f: {  	v51 =	vmul.f32 v60, v55;
	v5 =	vadd.f32 v63, v5;
	v63 =	vimm.s32 $0x6  }
0x180: {  	v60 =	vld [tilespmem:s11+$0x320];
	v44 =	vadd.f32 v61, v44;
	v57 =	vmul.f32 v62, v58;
	v58 =	vperm.xlane v19, v63  }
0x181: {  	v8 =	vadd.f32 v51, v8;
	v51 =	vmul.f32 v62, v55;
	v55 =	vperm.xlane v18, v63;
	v63 =	vld [tilespmem:s11+$0x340]  }
0x182: {  	v0 =	vadd.f32 v62, v0;
	v62 =	vld [tilespmem:s11+$0x330];
	v6 =	vadd.f32 v57, v6;
	v57 =	vmul.f32 v61, v58  }
0x183: {  	v9 =	vadd.f32 v51, v9;
	v51 =	vmul.f32 v61, v55;
	v61 =	vmul.f32 v59, v55  }
0x184: {  	v4 =	vadd.f32 v59, v4;
	v46 =	vadd.f32 v57, v46;
	v57 =	vmul.f32 v59, v58  }
0x185: {  	v2 =	vadd.f32 v51, v2;
	v51 =	vmul.f32 v60, v58;
	v59 =	vld [tilespmem:s11+$0x350];
	v11 =	vadd.f32 v61, v11  }
0x186: {  	v61 =	vmul.f32 v63, v55;
	v52 =	vadd.f32 v57, v52;
	v57 =	vmul.f32 v60, v55  }
0x187: {  	v7 =	vadd.f32 v60, v7;
	v45 =	vadd.f32 v51, v45;
	v51 =	vmul.f32 v62, v58;
	v60 =	vld [tilespmem:s11+$0x360]  }
0x188: {  	v49 =	vadd.f32 v61, v49;
	v61 =	vld [tilespmem:s11+$0x380];
	v53 =	vadd.f32 v57, v53;
	v57 =	vmul.f32 v62, v55  }
0x189: {  	v56 =	vadd.f32 v62, v56;
	v48 =	vadd.f32 v51, v48;
	v51 =	vmul.f32 v63, v58;
	v62 =	vld [tilespmem:s11+$0x370]  }
0x18a: {  	v10 =	vadd.f32 v63, v10;
	v1 =	vadd.f32 v57, v1;
	v57 =	vmul.f32 v59, v58  }
0x18b: {  	v54 =	vadd.f32 v59, v54;
	v47 =	vadd.f32 v51, v47;
	v51 =	vmul.f32 v59, v55  }
0x18c: {  	v59 =	vld [tilespmem:s11+$0x390];
	v63 =	vmul.f32 v60, v58;
	v50 =	vadd.f32 v60, v50;
	v12 =	vadd.f32 v57, v12  }
0x18d: {  	v3 =	vadd.f32 v51, v3;
	v51 =	vmul.f32 v60, v55;
	v44 =	vadd.f32 v61, v44  }
0x18e: {  	v60 =	vld [tilespmem:s11+$0x3A0];
	v5 =	vadd.f32 v63, v5;
	v57 =	vmul.f32 v62, v58;
	v58 =	vperm.xlane v19, v14  }
0x18f: {  	v63 =	vld [tilespmem:s11+$0x3C0];
	v8 =	vadd.f32 v51, v8;
	v51 =	vmul.f32 v62, v55;
	v55 =	vperm.xlane v18, v14  }
0x190: {  	v0 =	vadd.f32 v62, v0;
	v62 =	vld [tilespmem:s11+$0x3B0];
	v6 =	vadd.f32 v57, v6;
	v14 =	vmul.f32 v61, v58  }
0x191: {  	v57 =	vmul.f32 v59, v58;
	v9 =	vadd.f32 v51, v9;
	v51 =	vmul.f32 v61, v55  }
0x192: {  	v4 =	vadd.f32 v59, v4;
	v46 =	vadd.f32 v14, v46;
	v14 =	vmul.f32 v59, v55  }
0x193: {  	v59 =	vld [tilespmem:s11+$0x3D0];
	v52 =	vadd.f32 v57, v52;
	v2 =	vadd.f32 v51, v2;
	v51 =	vmul.f32 v60, v58  }
0x194: {  	v61 =	vmul.f32 v63, v55;
	v11 =	vadd.f32 v14, v11;
	v14 =	vmul.f32 v60, v55  }
0x195: {  	v7 =	vadd.f32 v60, v7;
	v60 =	vld [tilespmem:s11+$0x3E0];
	v45 =	vadd.f32 v51, v45;
	v51 =	vmul.f32 v62, v58  }
0x196: {  	v49 =	vadd.f32 v61, v49;
	v61 =	vld [tilespmem:s11+$0x400];
	v53 =	vadd.f32 v14, v53;
	v14 =	vmul.f32 v62, v55  }
0x197: {  	v56 =	vadd.f32 v62, v56;
	v62 =	vld [tilespmem:s11+$0x3F0];
	v48 =	vadd.f32 v51, v48;
	v51 =	vmul.f32 v63, v58  }
0x198: {  	v10 =	vadd.f32 v63, v10;
	v1 =	vadd.f32 v14, v1;
	v14 =	vmul.f32 v59, v58  }
0x199: {  	v54 =	vadd.f32 v59, v54;
	v47 =	vadd.f32 v51, v47;
	v51 =	vmul.f32 v59, v55  }
0x19a: {  	v63 =	vmul.f32 v60, v58;
	v50 =	vadd.f32 v60, v50;
	v59 =	vld [tilespmem:s11+$0x410];
	v12 =	vadd.f32 v14, v12  }
0x19b: {  	v44 =	vadd.f32 v61, v44;
	v3 =	vadd.f32 v51, v3;
	v51 =	vmul.f32 v60, v55;
	v60 =	vld [tilespmem:s11+$0x420]  }
0x19c: {  	v5 =	vadd.f32 v63, v5;
	v14 =	vmul.f32 v62, v58;
	v58 =	vperm.xlane v19, v13;
	v63 =	vld [tilespmem:s11+$0x440]  }
0x19d: {  	v0 =	vadd.f32 v62, v0;
	v8 =	vadd.f32 v51, v8;
	v51 =	vmul.f32 v62, v55  }
0x19e: {  	v55 =	vperm.xlane v18, v13;
	v6 =	vadd.f32 v14, v6;
	v14 =	vmul.f32 v61, v58;
	v62 =	vld [tilespmem:s11+$0x430]  }
0x19f: {  	v57 =	vmul.f32 v59, v58;
	v4 =	vadd.f32 v59, v4;
	v9 =	vadd.f32 v51, v9  }
0x1a0: {  	v13 =	vmul.f32 v61, v55;
	v46 =	vadd.f32 v14, v46;
	v14 =	vmul.f32 v59, v55;
	v59 =	vld [tilespmem:s11+$0x450]  }
0x1a1: {  	v52 =	vadd.f32 v57, v52;
	v7 =	vadd.f32 v60, v7;
	v51 =	vmul.f32 v63, v58  }
0x1a2: {  	v61 =	vld [tilespmem:s11+$0x480];
	v10 =	vadd.f32 v63, v10;
	v2 =	vadd.f32 v13, v2;
	v13 =	vmul.f32 v60, v58  }
0x1a3: {  	v11 =	vadd.f32 v14, v11;
	v14 =	vmul.f32 v60, v55;
	v60 =	vld [tilespmem:s11+$0x460];
	v56 =	vadd.f32 v62, v56  }
0x1a4: {  	v47 =	vadd.f32 v51, v47;
	v45 =	vadd.f32 v13, v45;
	v13 =	vmul.f32 v62, v58  }
0x1a5: {  	v53 =	vadd.f32 v14, v53;
	v14 =	vmul.f32 v62, v55;
	v62 =	vld [tilespmem:s11+$0x470];
	v51 =	vmul.f32 v59, v55  }
0x1a6: {  	v54 =	vadd.f32 v59, v54;
	v48 =	vadd.f32 v13, v48;
	v13 =	vmul.f32 v63, v55  }
0x1a7: {  	v44 =	vadd.f32 v61, v44;
	v1 =	vadd.f32 v14, v1;
	v14 =	vmul.f32 v59, v58;
	v59 =	vld [tilespmem:s11+$0x490]  }
0x1a8: {  	v63 =	vld [tilespmem:s11+$0x4C0];
	v3 =	vadd.f32 v51, v3;
	v49 =	vadd.f32 v13, v49;
	v13 =	vmul.f32 v60, v58  }
0x1a9: {  	v50 =	vadd.f32 v60, v50;
	v12 =	vadd.f32 v14, v12;
	v14 =	vmul.f32 v60, v55  }
0x1aa: {  	v60 =	vld [tilespmem:s11+$0x4A0];
	v0 =	vadd.f32 v62, v0;
	v5 =	vadd.f32 v13, v5  }
0x1ab: {  	v13 =	vmul.f32 v62, v58;
	v58 =	vperm.xlane v19, v17;
	v8 =	vadd.f32 v14, v8  }
0x1ac: {  	v14 =	vmul.f32 v62, v55;
	v55 =	vperm.xlane v18, v17;
	v62 =	vld [tilespmem:s11+$0x4B0];
	v4 =	vadd.f32 v59, v4  }
0x1ad: {  	v10 =	vadd.f32 v63, v10;
	v6 =	vadd.f32 v13, v6;
	v13 =	vmul.f32 v61, v58  }
0x1ae: {  	v9 =	vadd.f32 v14, v9;
	v14 =	vmul.f32 v61, v55;
	v17 =	vmul.f32 v59, v58;
	v61 =	vld [tilespmem:s11+$0x500]  }
0x1af: {  	v7 =	vadd.f32 v60, v7;
	v46 =	vadd.f32 v13, v46;
	v13 =	vmul.f32 v59, v55  }
0x1b0: {  	v2 =	vadd.f32 v14, v2;
	v14 =	vmul.f32 v60, v58;
	v59 =	vld [tilespmem:s11+$0x4D0];
	v52 =	vadd.f32 v17, v52  }
0x1b1: {  	v17 =	vmul.f32 v60, v55;
	v60 =	vld [tilespmem:s11+$0x4E0];
	v56 =	vadd.f32 v62, v56;
	v11 =	vadd.f32 v13, v11  }
0x1b2: {  	v45 =	vadd.f32 v14, v45;
	v13 =	vmul.f32 v62, v58;
	v14 =	vmul.f32 v62, v55  }
0x1b3: {  	v53 =	vadd.f32 v17, v53;
	v17 =	vmul.f32 v63, v58;
	v62 =	vld [tilespmem:s11+$0x4F0];
	v44 =	vadd.f32 v61, v44  }
0x1b4: {  	v48 =	vadd.f32 v13, v48;
	v13 =	vmul.f32 v63, v55;
	v1 =	vadd.f32 v14, v1  }
0x1b5: {  	v47 =	vadd.f32 v17, v47;
	v14 =	vmul.f32 v59, v58;
	v17 =	vmul.f32 v59, v55  }
0x1b6: {  	v54 =	vadd.f32 v59, v54;
	v63 =	vmul.f32 v60, v58;
	v50 =	vadd.f32 v60, v50  }
0x1b7: {  	v59 =	vld [tilespmem:s11+$0x510];
	v49 =	vadd.f32 v13, v49;
	v13 =	vmul.f32 v60, v55;
	v12 =	vadd.f32 v14, v12  }
0x1b8: {  	v3 =	vadd.f32 v17, v3;
	v14 =	vmul.f32 v62, v58;
	v58 =	vperm.xlane v19, v16  }
0x1b9: {  	v60 =	vld [tilespmem:s11+$0x520];
	v5 =	vadd.f32 v63, v5;
	v17 =	vmul.f32 v62, v55;
	v55 =	vperm.xlane v18, v16  }
0x1ba: {  	v0 =	vadd.f32 v62, v0;
	v62 =	vld [tilespmem:s11+$0x530];
	v8 =	vadd.f32 v13, v8  }
0x1bb: {  	v63 =	vld [tilespmem:s11+$0x540];
	v6 =	vadd.f32 v14, v6;
	v13 =	vmul.f32 v61, v58;
	v14 =	vmul.f32 v61, v55  }
0x1bc: {  	v9 =	vadd.f32 v17, v9;
	v16 =	vmul.f32 v59, v58;
	v4 =	vadd.f32 v59, v4  }
0x1bd: {  	v61 =	vld [tilespmem:s11+$0x580];
	v17 =	vmul.f32 v59, v55;
	v46 =	vadd.f32 v13, v46;
	v2 =	vadd.f32 v14, v2  }
0x1be: {  	v59 =	vld [tilespmem:s11+$0x550];
	v13 =	vmul.f32 v60, v58;
	v14 =	vmul.f32 v60, v55;
	v7 =	vadd.f32 v60, v7  }
0x1bf: {  	v52 =	vadd.f32 v16, v52;
	v11 =	vadd.f32 v17, v11;
	v16 =	vmul.f32 v62, v58  }
0x1c0: {  	v60 =	vld [tilespmem:s11+$0x560];
	v56 =	vadd.f32 v62, v56;
	v17 =	vmul.f32 v62, v55;
	v10 =	vadd.f32 v63, v10  }
0x1c1: {  	v62 =	vld [tilespmem:s11+$0x570];
	v45 =	vadd.f32 v13, v45;
	v53 =	vadd.f32 v14, v53;
	v13 =	vmul.f32 v63, v58  }
0x1c2: {  	v14 =	vmul.f32 v63, v55;
	v48 =	vadd.f32 v16, v48;
	v1 =	vadd.f32 v17, v1  }
0x1c3: {  	v63 =	vld [tilespmem:s11+$0x5C0];
	v44 =	vadd.f32 v61, v44;
	v16 =	vmul.f32 v59, v58;
	v47 =	vadd.f32 v13, v47  }
0x1c4: {  	v49 =	vadd.f32 v14, v49;
	v17 =	vmul.f32 v59, v55;
	v54 =	vadd.f32 v59, v54  }
0x1c5: {  	v59 =	vld [tilespmem:s11+$0x590];
	v50 =	vadd.f32 v60, v50;
	v12 =	vadd.f32 v16, v12;
	v16 =	vmul.f32 v60, v58  }
0x1c6: {  	v3 =	vadd.f32 v17, v3;
	v17 =	vmul.f32 v60, v55;
	v13 =	vmul.f32 v62, v58  }
0x1c7: {  	v58 =	vperm.xlane v19, v15;
	v60 =	vld [tilespmem:s11+$0x5A0];
	v14 =	vmul.f32 v62, v55;
	v0 =	vadd.f32 v62, v0  }
0x1c8: {  	v55 =	vperm.xlane v18, v15;
	v10 =	vadd.f32 v63, v10;
	v5 =	vadd.f32 v16, v5  }
0x1c9: {  	v62 =	vld [tilespmem:s11+$0x5B0];
	v8 =	vadd.f32 v17, v8;
	v6 =	vadd.f32 v13, v6;
	v16 =	vmul.f32 v61, v58  }
0x1ca: {  	v9 =	vadd.f32 v14, v9;
	v17 =	vmul.f32 v61, v55;
	v13 =	vmul.f32 v59, v58  }
0x1cb: {  	v14 =	vmul.f32 v59, v55;
	v4 =	vadd.f32 v59, v4;
	v46 =	vadd.f32 v16, v46  }
0x1cc: {  	v61 =	vld [tilespmem:s11+$0x5F0];
	v2 =	vadd.f32 v17, v2;
	v15 =	vmul.f32 v60, v58;
	v52 =	vadd.f32 v13, v52  }
0x1cd: {  	v59 =	vld [tilespmem:s11+$0x5D0];
	v11 =	vadd.f32 v14, v11;
	v16 =	vmul.f32 v60, v55;
	v7 =	vadd.f32 v60, v7  }
0x1ce: {  	v17 =	vmul.f32 v62, v58;
	v13 =	vmul.f32 v62, v55;
	v45 =	vadd.f32 v15, v45  }
0x1cf: {  	[tilespmem:s12+$0x0] =	vst.add.f32.msk $0xffff, v42;
	v14 =	vmul.f32 v63, v58;
	v42 =	vadd.f32 v16, v53;
	v53 =	vadd.f32 v62, v56  }
0x1d0: {  	v60 =	vld [tilespmem:s11+$0x5E0];
	v48 =	vadd.f32 v17, v48;
	v15 =	vmul.f32 v63, v55;
	v1 =	vadd.f32 v13, v1  }
0x1d1: {  	[tilespmem:s13+$0x0] =	vst.add.f32.msk $0xffff, v41;
	v47 =	vadd.f32 v14, v47;
	v62 =	vmul.f32 v61, v58;
	v63 =	vimm.s32 $0xC  }
0x1d2: {  	[tilespmem:s14+$0x0] =	vst.add.f32.msk $0xffff, v43;
	v0 =	vadd.f32 v61, v0;
	v16 =	vmul.f32 v59, v58;
	v17 =	vmul.f32 v59, v55  }
0x1d3: {  	v56 =	vld [tilespmem:s11+$0x600];
	v43 =	vadd.f32 v59, v54;
	v57 =	vperm.xlane v19, v63;
	v49 =	vadd.f32 v15, v49  }
0x1d4: {  	v14 =	vld [tilespmem:s11+$0x620];
	v15 =	vmul.f32 v61, v55;
	v6 =	vadd.f32 v62, v6;
	v12 =	vadd.f32 v16, v12  }
0x1d5: {  	v54 =	vld [tilespmem:s11+$0x610];
	v59 =	vmul.f32 v60, v58;
	v50 =	vadd.f32 v60, v50;
	v60 =	vmul.f32 v60, v55  }
0x1d6: {  	[tilespmem:s15+$0x0] =	vst.add.f32.msk $0xffff, v40;
	v51 =	vperm.xlane v18, v63;
	v3 =	vadd.f32 v17, v3;
	v9 =	vadd.f32 v15, v9  }
0x1d7: {  	v17 =	vld [tilespmem:s11+$0x630];
	v5 =	vadd.f32 v59, v5;
	v8 =	vadd.f32 v60, v8  }
0x1d8: {  	[tilespmem:s16+$0x0] =	vst.add.f32.msk $0xffff, v39;
	v16 =	vmul.f32 v56, v57;
	v39 =	vadd.f32 v56, v44;
	v60 =	vmul.f32 v56, v51  }
0x1d9: {  	v58 =	vld [tilespmem:s11+$0x670];
	v63 =	vmul.f32 v14, v57;
	v13 =	vmul.f32 v14, v51;
	v7 =	vadd.f32 v14, v7  }
0x1da: {  	v56 =	vld [tilespmem:s11+$0x640];
	v61 =	vmul.f32 v54, v57;
	v4 =	vadd.f32 v54, v4;
	v41 =	vadd.f32 v16, v46  }
0x1db: {  	v59 =	vld [tilespmem:s11+$0x6B0];
	v62 =	vmul.f32 v54, v51;
	v2 =	vadd.f32 v60, v2;
	v40 =	vadd.f32 v63, v45  }
0x1dc: {  	v54 =	vld [tilespmem:s11+$0x650];
	v42 =	vadd.f32 v13, v42;
	v44 =	vadd.f32 v61, v52;
	v14 =	vmul.f32 v17, v57  }
0x1dd: {  	v11 =	vadd.f32 v62, v11;
	v46 =	vadd.f32 v17, v53;
	v15 =	vmul.f32 v17, v51  }
0x1de: {  	v60 =	vld [tilespmem:s11+$0x690];
	v0 =	vadd.f32 v58, v0;
	v45 =	vadd.f32 v14, v48  }
0x1df: {  	v52 =	vld [tilespmem:s11+$0x660];
	v16 =	vmul.f32 v56, v57;
	v17 =	vmul.f32 v56, v51;
	v1 =	vadd.f32 v15, v1  }
0x1e0: {  	v53 =	vld [tilespmem:s11+$0x6C0];
	v10 =	vadd.f32 v56, v10;
	v14 =	vmul.f32 v58, v51;
	v46 =	vadd.f32 v59, v46  }
0x1e1: {  	v61 =	vld [tilespmem:s11+$0x6D0];
	v62 =	vmul.f32 v54, v57;
	v63 =	vmul.f32 v54, v51;
	v43 =	vadd.f32 v54, v43  }
0x1e2: {  	v55 =	vld [tilespmem:s11+$0x680];
	v47 =	vadd.f32 v16, v47;
	v48 =	vadd.f32 v17, v49;
	v16 =	vmul.f32 v58, v57  }
0x1e3: {  	v13 =	vld [tilespmem:s11+$0x720];
	v17 =	vimm.s32 $0xD;
	v9 =	vadd.f32 v14, v9;
	v4 =	vadd.f32 v60, v4  }
0x1e4: {  	v56 =	vld [tilespmem:s11+$0x6A0];
	v12 =	vadd.f32 v62, v12;
	v3 =	vadd.f32 v63, v3;
	v49 =	vmul.f32 v52, v57  }
0x1e5: {  	v14 =	vld [tilespmem:s11+$0x740];
	v54 =	vmul.f32 v52, v51;
	v50 =	vadd.f32 v52, v50;
	v57 =	vperm.xlane v19, v17  }
0x1e6: {  	v62 =	vld [tilespmem:s11+$0x6E0];
	v51 =	vperm.xlane v18, v17;
	v10 =	vadd.f32 v53, v10;
	v43 =	vadd.f32 v61, v43  }
0x1e7: {  	v63 =	vld [tilespmem:s11+$0x6F0];
	v6 =	vadd.f32 v16, v6;
	v5 =	vadd.f32 v49, v5  }
0x1e8: {  	v52 =	vld [tilespmem:s11+$0x710];
	v8 =	vadd.f32 v54, v8;
	v15 =	vmul.f32 v55, v57;
	v16 =	vmul.f32 v55, v51  }
0x1e9: {  	[tilespmem:s17+$0x0] =	vst.add.f32.msk $0xffff, v38;
	v55 =	vadd.f32 v55, v39;
	v17 =	vmul.f32 v60, v57;
	v7 =	vadd.f32 v56, v7  }
0x1ea: {  	[tilespmem:s18+$0x0] =	vst.add.f32.msk $0xffff, v32;
	v54 =	vadd.f32 v15, v41;
	v2 =	vadd.f32 v16, v2;
	v16 =	vmul.f32 v60, v51  }
0x1eb: {  	[tilespmem:s19+$0x0] =	vst.add.f32.msk $0xffff, v33;
	v44 =	vadd.f32 v17, v44;
	v17 =	vmul.f32 v56, v57;
	v7 =	vadd.f32 v13, v7  }
0x1ec: {  	v58 =	vld [tilespmem:s11+$0x700];
	v60 =	vmul.f32 v56, v51;
	v10 =	vadd.f32 v14, v10;
	v50 =	vadd.f32 v62, v50  }
0x1ed: {  	v39 =	vld [tilespmem:s11+$0x770];
	v41 =	vmul.f32 v59, v57;
	v0 =	vadd.f32 v63, v0;
	v4 =	vadd.f32 v52, v4  }
0x1ee: {  	v49 =	vld [tilespmem:s11+$0x730];
	v11 =	vadd.f32 v16, v11;
	v15 =	vadd.f32 v17, v40;
	v40 =	vmul.f32 v59, v51  }
0x1ef: {  	v56 =	vld [tilespmem:s11+$0x750];
	v60 =	vadd.f32 v60, v42;
	v45 =	vadd.f32 v41, v45;
	v41 =	vmul.f32 v61, v57  }
0x1f0: {  	v16 =	vld [tilespmem:s11+$0x760];
	v59 =	vmul.f32 v53, v57;
	v1 =	vadd.f32 v40, v1;
	v40 =	vmul.f32 v53, v51  }
0x1f1: {  	v17 =	vmul.f32 v61, v51;
	v61 =	vld [tilespmem:s11+$0x7A0];
	v12 =	vadd.f32 v41, v12;
	v41 =	vmul.f32 v62, v51  }
0x1f2: {  	v42 =	vld [tilespmem:s11+$0x7E0];
	v0 =	vadd.f32 v39, v0;
	v48 =	vadd.f32 v40, v48;
	v40 =	vmul.f32 v62, v57  }
0x1f3: {  	v47 =	vadd.f32 v59, v47;
	v59 =	vld [tilespmem:s11+$0x790];
	v8 =	vadd.f32 v41, v8;
	v41 =	vmul.f32 v63, v51  }
0x1f4: {  	v3 =	vadd.f32 v17, v3;
	v62 =	vmul.f32 v63, v57;
	v57 =	vld [tilespmem:s11+$0x7C0];
	v5 =	vadd.f32 v40, v5  }
0x1f5: {  	v53 =	vld [tilespmem:s11+$0x780];
	v40 =	vimm.s32 $0xE;
	v41 =	vadd.f32 v41, v9;
	v9 =	vsub.f32 v36, v32  }
0x1f6: {  	v17 =	vld [tilespmem:s11+$0x7B0];
	v7 =	vadd.f32 v61, v7;
	v6 =	vadd.f32 v62, v6;
	v63 =	vperm.xlane v18, v40  }
0x1f7: {  	v51 =	vld [tilespmem:s11+$0x7D0];
	v36 =	vadd.f32 v58, v55;
	v62 =	vperm.xlane v19, v40;
	v9 =	vsub.f32 v9, v33  }
0x1f8: {  	v32 =	vsub.f32 v37, v25;
	v40 =	vld [tilespmem:s11+$0x7F0];
	v4 =	vadd.f32 v59, v4;
	v55 =	vmul.f32 v58, v63  }
0x1f9: {  	v38 =	vmul.f32 v58, v62;
	v37 =	vmul.f32 v14, v62;
	v10 =	vadd.f32 v57, v10;
	[tilespmem:s20+$0x0] =	vst.add.f32.msk $0xffff, v9  }
0x1fa: {  	v9 =	vsub.f32 v32, v22;
	v2 =	vadd.f32 v55, v2;
	v55 =	vmul.f32 v52, v62;
	[tilespmem:s21+$0x0] =	vst.add.f32.msk $0xffff, v25  }
0x1fb: {  	v32 =	vmul.f32 v52, v63;
	v33 =	vadd.f32 v38, v54;
	v52 =	vsub.f32 v31, v20;
	[tilespmem:s22+$0x0] =	vst.add.f32.msk $0xffff, v22  }
0x1fc: {  	v54 =	vimm.s32 $0xF;
	v31 =	vadd.f32 v55, v44;
	v55 =	vmul.f32 v13, v62;
	[tilespmem:s23+$0x0] =	vst.add.f32.msk $0xffff, v9  }
0x1fd: {  	v38 =	vsub.f32 v35, v26;
	v19 =	vperm.xlane v19, v54;
	v44 =	vsub.f32 v52, v21;
	[tilespmem:s24+$0x0] =	vst.add.f32.msk $0xffff, v20  }
0x1fe: {  	v14 =	vmul.f32 v14, v63;
	v15 =	vadd.f32 v55, v15;
	v55 =	vsub.f32 v34, v23;
	[tilespmem:s25+$0x0] =	vst.add.f32.msk $0xffff, v21  }
0x1ff: {  	v25 =	vadd.f32 v56, v43;
	v21 =	vadd.f32 v49, v46;
	v46 =	vmul.f32 v53, v19;
	[tilespmem:s26+$0x0] =	vst.add.f32.msk $0xffff, v44  }
0x200: {  	v11 =	vadd.f32 v32, v11;
	v18 =	vperm.xlane v18, v54;
	v34 =	vsub.f32 v55, v24;
	[tilespmem:s28+$0x0] =	vst.add.f32.msk $0xffff, v23  }
0x201: {  	v32 =	vmul.f32 v49, v63;
	v52 =	vmul.f32 v49, v62;
	v49 =	vadd.f32 v46, v33;
	[tilespmem:s29+$0x0] =	vst.add.f32.msk $0xffff, v24  }
0x202: {  	v35 =	vadd.f32 v16, v50;
	v0 =	vadd.f32 v40, v0;
	v55 =	vmul.f32 v53, v18;
	[tilespmem:s30+$0x0] =	vst.add.f32.msk $0xffff, v34  }
0x203: {  	v22 =	vadd.f32 v52, v45;
	v52 =	vadd.f32 v53, v36;
	[tilespmem:s12+$0x0] =	vst.add.f32.msk $0xffff, v49  }
0x204: {  	v9 =	vadd.f32 v14, v48;
	v2 =	vadd.f32 v55, v2;
	[tilespmem:s31+$0x0] =	vst.add.f32.msk $0xffff, v26  }
0x205: {  	v48 =	vmul.f32 v56, v63;
	v45 =	vsub.f32 v38, v27;
	v23 =	vsub.f32 v52, v49;
	[tilespmem:s2+$0x0] =	vst.add.f32.msk $0xffff, v27  }
0x206: {  	v20 =	vadd.f32 v37, v47;
	v44 =	vmul.f32 v56, v62;
	v56 =	vmul.f32 v59, v19;
	[tilespmem:s13+$0x0] =	vst.add.f32.msk $0xffff, v2  }
0x207: {  	v47 =	vsub.f32 v30, v28;
	v23 =	vsub.f32 v23, v2;
	[tilespmem:s0+$0x0] =	vst.add.f32.msk $0xffff, v45  }
0x208: {  	v13 =	vmul.f32 v13, v63;
	v30 =	vadd.f32 v56, v31;
	v31 =	vmul.f32 v59, v18;
	[tilespmem:s9+$0x0] =	vst.add.f32.msk $0xffff, v28  }
0x209: {  	v1 =	vadd.f32 v32, v1;
	v32 =	vmul.f32 v61, v19;
	v24 =	vsub.f32 v47, v29;
	[tilespmem:s14+$0x0] =	vst.add.f32.msk $0xffff, v23  }
0x20a: {  	v11 =	vadd.f32 v31, v11;
	v4 =	vsub.f32 v4, v30;
	[tilespmem:s3+$0x0] =	vst.add.f32.msk $0xffff, v29  }
0x20b: {  	v13 =	vadd.f32 v13, v60;
	v33 =	vmul.f32 v61, v18;
	v14 =	vadd.f32 v32, v15;
	[tilespmem:s15+$0x0] =	vst.add.f32.msk $0xffff, v30  }
0x20c: {  	v3 =	vadd.f32 v48, v3;
	v34 =	vmul.f32 v17, v19;
	v4 =	vsub.f32 v4, v11;
	[tilespmem:s5+$0x0] =	vst.add.f32.msk $0xffff, v24  }
0x20d: {  	v43 =	vmul.f32 v57, v19;
	v7 =	vsub.f32 v7, v14;
	v2 =	vadd.f32 v33, v13;
	[tilespmem:s16+$0x0] =	vst.add.f32.msk $0xffff, v11  }
0x20e: {  	v37 =	vadd.f32 v17, v21;
	v17 =	vmul.f32 v17, v18;
	v13 =	vadd.f32 v34, v22;
	[tilespmem:s17+$0x0] =	vst.add.f32.msk $0xffff, v4  }
0x20f: {  	v36 =	vmul.f32 v16, v63;
	v12 =	vadd.f32 v44, v12;
	v7 =	vsub.f32 v7, v2;
	[tilespmem:s18+$0x0] =	vst.add.f32.msk $0xffff, v14  }
0x210: {  	v60 =	vmul.f32 v16, v62;
	v1 =	vadd.f32 v17, v1;
	v44 =	vsub.f32 v37, v13;
	[tilespmem:s19+$0x0] =	vst.add.f32.msk $0xffff, v2  }
0x211: {  	v38 =	vadd.f32 v36, v8;
	v8 =	vadd.f32 v43, v20;
	v45 =	vmul.f32 v57, v18;
	[tilespmem:s20+$0x0] =	vst.add.f32.msk $0xffff, v7  }
0x212: {  	v5 =	vadd.f32 v60, v5;
	v46 =	vmul.f32 v51, v19;
	v2 =	vsub.f32 v44, v1;
	[tilespmem:s21+$0x0] =	vst.add.f32.msk $0xffff, v13  }
0x213: {  	v48 =	vsub.f32 v10, v8;
	v9 =	vadd.f32 v45, v9;
	[tilespmem:s22+$0x0] =	vst.add.f32.msk $0xffff, v1  }
0x214: {  	v50 =	vmul.f32 v51, v18;
	v49 =	vadd.f32 v51, v25;
	v7 =	vadd.f32 v46, v12;
	[tilespmem:s23+$0x0] =	vst.add.f32.msk $0xffff, v2  }
0x215: {  	v53 =	vmul.f32 v39, v63;
	v52 =	vmul.f32 v42, v19;
	v1 =	vsub.f32 v48, v9;
	[tilespmem:s24+$0x0] =	vst.add.f32.msk $0xffff, v8  }
0x216: {  	v3 =	vadd.f32 v50, v3;
	v47 =	vmul.f32 v39, v62;
	v55 =	vsub.f32 v49, v7;
	[tilespmem:s25+$0x0] =	vst.add.f32.msk $0xffff, v9  }
0x217: {  	v56 =	vadd.f32 v42, v35;
	v5 =	vadd.f32 v52, v5;
	v57 =	vmul.f32 v42, v18;
	[tilespmem:s26+$0x0] =	vst.add.f32.msk $0xffff, v1  }
0x218: {  	v60 =	vmul.f32 v40, v19;
	v51 =	vadd.f32 v47, v6;
	v61 =	vsub.f32 v55, v3;
	[tilespmem:s28+$0x0] =	vst.add.f32.msk $0xffff, v7  }
0x219: {  	v62 =	vsub.f32 v56, v5;
	v4 =	vadd.f32 v57, v38;
	[tilespmem:s29+$0x0] =	vst.add.f32.msk $0xffff, v3  }
0x21a: {  	v63 =	vmul.f32 v40, v18;
	v59 =	vadd.f32 v53, v41;
	v2 =	vadd.f32 v60, v51;
	[tilespmem:s30+$0x0] =	vst.add.f32.msk $0xffff, v61  }
0x21b: {  	p0 =	slt.u32 s1, $0x16;
	v3 =	vsub.f32 v62, v4;
	[tilespmem:s31+$0x0] =	vst.add.f32.msk $0xffff, v5  }
.Ltmp0:
0x21c: {  	v0 =	vsub.f32 v0, v2;
	v1 =	vadd.f32 v63, v59;
	[tilespmem:s2+$0x0] =	vst.add.f32.msk $0xffff, v4;
	(pc) =	sbr.rel @p0 .LBB2_3-.Ltmp0, $4  }
0x21d: {  	[tilespmem:s0+$0x0] =	vst.add.f32.msk $0xffff, v3  }
0x21e: {  	v0 =	vsub.f32 v0, v1;
	[tilespmem:s9+$0x0] =	vst.add.f32.msk $0xffff, v2  }
0x21f: {  	[tilespmem:s3+$0x0] =	vst.add.f32.msk $0xffff, v1  }
0x220: {  	s1 =	sadd.s32 $0x2, s1;
	v58 =	vimm.s32 $0x0;
	[tilespmem:s5+$0x0] =	vst.add.f32.msk $0xffff, v0  }
0x221: {  	s1 =	sand.u32 $0x1FF0, s10  }
0x222: {  	s11 =	smul.u32 $0x32000, s6;
	v0 =	vld [tilespmem:s1+$0x19180];
	_ =	sdelay $0x1  }
0x223: {  	s1 =	sshrl.u32 s11, $0x2  }
0x224: {  	v2 =	vld [tilespmem:s1+$0xC000]  }
0x225: {  	v61 =	vld [tilespmem:s1+$0xC010]  }
0x226: {  	v62 =	vld [tilespmem:s1+$0xC020];
	vm0 =	vlt.s32 v0, $0x1  }
0x227: {  	v5 =	vld [tilespmem:s1+$0xC030];
	v1 =	vnsel vm0, $0x1, v0;
	v0 =	vand.u32 $0x1, v0  }
0x228: {  	v6 =	vld [tilespmem:s1+$0xC040];
	v1 =	vsub.s32 $0x1, v1;
	v17 =	vcvt.s32.f32 v0  }
0x229: {  	v51 =	vimm.s32 $0x2;
	v9 =	vld [tilespmem:s1+$0xC050];
	v18 =	vcvt.s32.f32 v1  }
0x22a: {  	v30 =	vimm.s32 $0x1;
	v12 =	vld [tilespmem:s1+$0xC060];
	v4 =	vperm.xlane v17, v58;
	v56 =	vperm.xlane v17, v51  }
0x22b: {  	v15 =	vld [tilespmem:s1+$0xC070];
	v3 =	vperm.xlane v18, v58;
	v27 =	vperm.xlane v18, v30  }
0x22c: {  	v46 =	vld [tilespmem:s1+$0xC100];
	v30 =	vperm.xlane v17, v30;
	v52 =	vperm.xlane v18, v51  }
0x22d: {  	v20 =	vld [tilespmem:s1+$0xC080];
	v8 =	vmul.f32 v2, v4;
	v11 =	vmul.f32 v61, v4  }
0x22e: {  	v25 =	vld [tilespmem:s1+$0xC090];
	v14 =	vmul.f32 v62, v4;
	v19 =	vmul.f32 v5, v4  }
0x22f: {  	v28 =	vld [tilespmem:s1+$0xC0A0];
	v22 =	vmul.f32 v6, v4;
	v24 =	vmul.f32 v9, v4  }
0x230: {  	v49 =	vld [tilespmem:s1+$0xC110];
	v29 =	vmul.f32 v12, v4;
	v4 =	vmul.f32 v15, v4  }
0x231: {  	v32 =	vld [tilespmem:s1+$0xC0B0];
	v60 =	vmul.f32 v46, v56;
	v7 =	vmul.f32 v2, v3  }
0x232: {  	v53 =	vld [tilespmem:s1+$0xC120];
	v10 =	vmul.f32 v61, v3;
	v13 =	vmul.f32 v62, v3  }
0x233: {  	v34 =	vld [tilespmem:s1+$0xC0C0];
	v0 =	vadd.f32 v25, v61;
	v16 =	vmul.f32 v5, v3;
	v21 =	vmul.f32 v6, v3  }
0x234: {  	v36 =	vld [tilespmem:s1+$0xC0D0];
	v1 =	vadd.f32 v28, v62;
	v23 =	vmul.f32 v9, v3;
	v26 =	vmul.f32 v12, v3  }
0x235: {  	v39 =	vld [tilespmem:s1+$0xC0E0];
	v0 =	vadd.f32 v49, v0;
	v3 =	vmul.f32 v15, v3;
	v31 =	vmul.f32 v20, v27  }
0x236: {  	v43 =	vld [tilespmem:s1+$0xC0F0];
	v2 =	vadd.f32 v20, v2;
	v20 =	vmul.f32 v20, v30;
	v63 =	vmul.f32 v25, v27  }
0x237: {  	v1 =	vadd.f32 v53, v1;
	v33 =	vmul.f32 v25, v30;
	v35 =	vmul.f32 v28, v27  }
0x238: {  	v37 =	vmul.f32 v28, v30;
	v38 =	vmul.f32 v32, v27;
	v5 =	vadd.f32 v32, v5  }
0x239: {  	v40 =	vmul.f32 v32, v30;
	v41 =	vmul.f32 v34, v27;
	v6 =	vadd.f32 v34, v6  }
0x23a: {  	v42 =	vmul.f32 v34, v30;
	v9 =	vadd.f32 v36, v9;
	v12 =	vadd.f32 v39, v12  }
0x23b: {  	v44 =	vmul.f32 v36, v27;
	v15 =	vadd.f32 v43, v15;
	v7 =	vadd.f32 v31, v7  }
0x23c: {  	v45 =	vmul.f32 v36, v30;
	v8 =	vadd.f32 v20, v8;
	v10 =	vadd.f32 v63, v10  }
0x23d: {  	v47 =	vmul.f32 v39, v27;
	v11 =	vadd.f32 v33, v11;
	v13 =	vadd.f32 v35, v13  }
0x23e: {  	v48 =	vmul.f32 v39, v30;
	v14 =	vadd.f32 v37, v14;
	v16 =	vadd.f32 v38, v16  }
0x23f: {  	v59 =	vld [tilespmem:s1+$0xC130];
	v50 =	vmul.f32 v43, v27;
	v19 =	vadd.f32 v40, v19;
	v20 =	vadd.f32 v41, v21  }
0x240: {  	v55 =	vmul.f32 v43, v30;
	v21 =	vadd.f32 v42, v22;
	v23 =	vadd.f32 v44, v23  }
0x241: {  	v57 =	vmul.f32 v46, v52;
	v22 =	vadd.f32 v45, v24;
	v25 =	vadd.f32 v47, v26  }
0x242: {  	v61 =	vmul.f32 v49, v52;
	v24 =	vadd.f32 v48, v29;
	v3 =	vadd.f32 v50, v3  }
0x243: {  	v62 =	vmul.f32 v49, v56;
	v36 =	vld [tilespmem:s1+$0xC150];
	v4 =	vadd.f32 v55, v4;
	v2 =	vadd.f32 v46, v2  }
0x244: {  	v39 =	vld [tilespmem:s1+$0xC160];
	v35 =	vmul.f32 v53, v52;
	v37 =	vmul.f32 v53, v56;
	v5 =	vadd.f32 v59, v5  }
0x245: {  	v43 =	vld [tilespmem:s1+$0xC170];
	v38 =	vmul.f32 v59, v52;
	v7 =	vadd.f32 v57, v7;
	v8 =	vadd.f32 v60, v8  }
0x246: {  	v49 =	vld [tilespmem:s1+$0xC190];
	v40 =	vmul.f32 v59, v56;
	v10 =	vadd.f32 v61, v10;
	v11 =	vadd.f32 v62, v11  }
0x247: {  	v63 =	vld [tilespmem:s1+$0xC140];
	v13 =	vadd.f32 v35, v13;
	v14 =	vadd.f32 v37, v14  }
0x248: {  	v51 =	vimm.s32 $0x3;
	v16 =	vadd.f32 v38, v16;
	v19 =	vadd.f32 v40, v19  }
0x249: {  	v44 =	vmul.f32 v36, v52;
	v45 =	vmul.f32 v36, v56;
	v9 =	vadd.f32 v36, v9  }
0x24a: {  	v46 =	vld [tilespmem:s1+$0xC180];
	v47 =	vmul.f32 v39, v52;
	v12 =	vadd.f32 v39, v12;
	v48 =	vmul.f32 v39, v56  }
0x24b: {  	v53 =	vld [tilespmem:s1+$0xC1A0];
	v50 =	vmul.f32 v43, v52;
	v55 =	vmul.f32 v43, v56;
	v15 =	vadd.f32 v43, v15  }
0x24c: {  	v59 =	vld [tilespmem:s1+$0xC1B0];
	v0 =	vadd.f32 v49, v0;
	v41 =	vmul.f32 v63, v52;
	v6 =	vadd.f32 v63, v6  }
0x24d: {  	v42 =	vmul.f32 v63, v56;
	v23 =	vadd.f32 v44, v23;
	v22 =	vadd.f32 v45, v22  }
0x24e: {  	v25 =	vadd.f32 v47, v25;
	v52 =	vperm.xlane v18, v51;
	v24 =	vadd.f32 v48, v24  }
0x24f: {  	v36 =	vld [tilespmem:s1+$0xC1D0];
	v56 =	vperm.xlane v17, v51;
	v3 =	vadd.f32 v50, v3;
	v4 =	vadd.f32 v55, v4  }
0x250: {  	v39 =	vld [tilespmem:s1+$0xC1E0];
	v2 =	vadd.f32 v46, v2;
	v1 =	vadd.f32 v53, v1  }
0x251: {  	v43 =	vld [tilespmem:s1+$0xC1F0];
	v5 =	vadd.f32 v59, v5;
	v57 =	vmul.f32 v46, v52;
	v60 =	vmul.f32 v46, v56  }
0x252: {  	v51 =	vimm.s32 $0x4;
	v61 =	vmul.f32 v49, v52;
	v62 =	vmul.f32 v49, v56  }
0x253: {  	v20 =	vadd.f32 v41, v20;
	v35 =	vmul.f32 v53, v52;
	v37 =	vmul.f32 v53, v56  }
0x254: {  	v21 =	vadd.f32 v42, v21;
	v38 =	vmul.f32 v59, v52;
	v40 =	vmul.f32 v59, v56  }
0x255: {  	v63 =	vld [tilespmem:s1+$0xC1C0];
	v44 =	vmul.f32 v36, v52;
	v45 =	vmul.f32 v36, v56;
	v9 =	vadd.f32 v36, v9  }
0x256: {  	v47 =	vmul.f32 v39, v52;
	v12 =	vadd.f32 v39, v12;
	v15 =	vadd.f32 v43, v15  }
0x257: {  	v48 =	vmul.f32 v39, v56;
	v7 =	vadd.f32 v57, v7;
	v8 =	vadd.f32 v60, v8  }
0x258: {  	v50 =	vmul.f32 v43, v52;
	v10 =	vadd.f32 v61, v10;
	v11 =	vadd.f32 v62, v11  }
0x259: {  	v46 =	vld [tilespmem:s1+$0xC200];
	v55 =	vmul.f32 v43, v56;
	v13 =	vadd.f32 v35, v13;
	v14 =	vadd.f32 v37, v14  }
0x25a: {  	v49 =	vld [tilespmem:s1+$0xC210];
	v16 =	vadd.f32 v38, v16;
	v19 =	vadd.f32 v40, v19;
	v41 =	vmul.f32 v63, v52  }
0x25b: {  	v53 =	vld [tilespmem:s1+$0xC220];
	v42 =	vmul.f32 v63, v56;
	v6 =	vadd.f32 v63, v6;
	v23 =	vadd.f32 v44, v23  }
0x25c: {  	v59 =	vld [tilespmem:s1+$0xC230];
	v22 =	vadd.f32 v45, v22;
	v25 =	vadd.f32 v47, v25;
	v52 =	vperm.xlane v18, v51  }
0x25d: {  	v36 =	vld [tilespmem:s1+$0xC250];
	v24 =	vadd.f32 v48, v24;
	v56 =	vperm.xlane v17, v51;
	v3 =	vadd.f32 v50, v3  }
0x25e: {  	v39 =	vld [tilespmem:s1+$0xC260];
	v4 =	vadd.f32 v55, v4;
	v51 =	vimm.s32 $0x5;
	v20 =	vadd.f32 v41, v20  }
0x25f: {  	v43 =	vld [tilespmem:s1+$0xC270];
	v21 =	vadd.f32 v42, v21;
	v57 =	vmul.f32 v46, v52;
	v60 =	vmul.f32 v46, v56  }
0x260: {  	v2 =	vadd.f32 v46, v2;
	v61 =	vmul.f32 v49, v52;
	v62 =	vmul.f32 v49, v56  }
0x261: {  	v0 =	vadd.f32 v49, v0;
	v35 =	vmul.f32 v53, v52;
	v37 =	vmul.f32 v53, v56  }
0x262: {  	v1 =	vadd.f32 v53, v1;
	v38 =	vmul.f32 v59, v52;
	v5 =	vadd.f32 v59, v5  }
0x263: {  	v40 =	vmul.f32 v59, v56;
	v44 =	vmul.f32 v36, v52;
	v9 =	vadd.f32 v36, v9  }
0x264: {  	v63 =	vld [tilespmem:s1+$0xC240];
	v45 =	vmul.f32 v36, v56;
	v12 =	vadd.f32 v39, v12;
	v15 =	vadd.f32 v43, v15  }
0x265: {  	v47 =	vmul.f32 v39, v52;
	v7 =	vadd.f32 v57, v7;
	v8 =	vadd.f32 v60, v8  }
0x266: {  	v48 =	vmul.f32 v39, v56;
	v10 =	vadd.f32 v61, v10;
	v11 =	vadd.f32 v62, v11  }
0x267: {  	v50 =	vmul.f32 v43, v52;
	v13 =	vadd.f32 v35, v13;
	v14 =	vadd.f32 v37, v14  }
0x268: {  	v46 =	vld [tilespmem:s1+$0xC280];
	v55 =	vmul.f32 v43, v56;
	v16 =	vadd.f32 v38, v16;
	v19 =	vadd.f32 v40, v19  }
0x269: {  	v49 =	vld [tilespmem:s1+$0xC290];
	v41 =	vmul.f32 v63, v52;
	v6 =	vadd.f32 v63, v6;
	v23 =	vadd.f32 v44, v23  }
0x26a: {  	v53 =	vld [tilespmem:s1+$0xC2A0];
	v42 =	vmul.f32 v63, v56;
	v22 =	vadd.f32 v45, v22;
	v25 =	vadd.f32 v47, v25  }
0x26b: {  	v59 =	vld [tilespmem:s1+$0xC2B0];
	v52 =	vperm.xlane v18, v51;
	v24 =	vadd.f32 v48, v24;
	v56 =	vperm.xlane v17, v51  }
0x26c: {  	v36 =	vld [tilespmem:s1+$0xC2D0];
	v3 =	vadd.f32 v50, v3;
	v4 =	vadd.f32 v55, v4;
	v51 =	vimm.s32 $0x6  }
0x26d: {  	v39 =	vld [tilespmem:s1+$0xC2E0];
	v20 =	vadd.f32 v41, v20;
	v21 =	vadd.f32 v42, v21;
	v57 =	vmul.f32 v46, v52  }
0x26e: {  	v43 =	vld [tilespmem:s1+$0xC2F0];
	v2 =	vadd.f32 v46, v2;
	v60 =	vmul.f32 v46, v56;
	v61 =	vmul.f32 v49, v52  }
0x26f: {  	v62 =	vmul.f32 v49, v56;
	v0 =	vadd.f32 v49, v0;
	v35 =	vmul.f32 v53, v52  }
0x270: {  	v37 =	vmul.f32 v53, v56;
	v1 =	vadd.f32 v53, v1;
	v38 =	vmul.f32 v59, v52  }
0x271: {  	v5 =	vadd.f32 v59, v5;
	v40 =	vmul.f32 v59, v56;
	v44 =	vmul.f32 v36, v52  }
0x272: {  	v63 =	vld [tilespmem:s1+$0xC2C0];
	v45 =	vmul.f32 v36, v56;
	v9 =	vadd.f32 v36, v9;
	v12 =	vadd.f32 v39, v12  }
0x273: {  	v47 =	vmul.f32 v39, v52;
	v15 =	vadd.f32 v43, v15;
	v7 =	vadd.f32 v57, v7  }
0x274: {  	v48 =	vmul.f32 v39, v56;
	v8 =	vadd.f32 v60, v8;
	v10 =	vadd.f32 v61, v10  }
0x275: {  	v50 =	vmul.f32 v43, v52;
	v11 =	vadd.f32 v62, v11;
	v13 =	vadd.f32 v35, v13  }
0x276: {  	v46 =	vld [tilespmem:s1+$0xC300];
	v55 =	vmul.f32 v43, v56;
	v14 =	vadd.f32 v37, v14;
	v16 =	vadd.f32 v38, v16  }
0x277: {  	v49 =	vld [tilespmem:s1+$0xC310];
	v19 =	vadd.f32 v40, v19;
	v41 =	vmul.f32 v63, v52;
	v6 =	vadd.f32 v63, v6  }
0x278: {  	v53 =	vld [tilespmem:s1+$0xC320];
	v42 =	vmul.f32 v63, v56;
	v23 =	vadd.f32 v44, v23;
	v22 =	vadd.f32 v45, v22  }
0x279: {  	v59 =	vld [tilespmem:s1+$0xC330];
	v25 =	vadd.f32 v47, v25;
	v52 =	vperm.xlane v18, v51;
	v24 =	vadd.f32 v48, v24  }
0x27a: {  	v56 =	vperm.xlane v17, v51;
	v3 =	vadd.f32 v50, v3;
	v4 =	vadd.f32 v55, v4  }
0x27b: {  	v20 =	vadd.f32 v41, v20;
	v21 =	vadd.f32 v42, v21;
	v57 =	vmul.f32 v46, v52  }
0x27c: {  	v37 =	vld [tilespmem:s1+$0xC350];
	v2 =	vadd.f32 v46, v2;
	v60 =	vmul.f32 v46, v56;
	v61 =	vmul.f32 v49, v52  }
0x27d: {  	v40 =	vld [tilespmem:s1+$0xC360];
	v62 =	vmul.f32 v49, v56;
	v0 =	vadd.f32 v49, v0;
	v36 =	vmul.f32 v53, v52  }
0x27e: {  	v63 =	vld [tilespmem:s1+$0xC340];
	v38 =	vmul.f32 v53, v56;
	v1 =	vadd.f32 v53, v1;
	v5 =	vadd.f32 v59, v5  }
0x27f: {  	v44 =	vld [tilespmem:s1+$0xC370];
	v39 =	vmul.f32 v59, v52;
	v7 =	vadd.f32 v57, v7;
	v8 =	vadd.f32 v60, v8  }
0x280: {  	v47 =	vld [tilespmem:s1+$0xC380];
	v41 =	vmul.f32 v59, v56;
	v10 =	vadd.f32 v61, v10;
	v11 =	vadd.f32 v62, v11  }
0x281: {  	v50 =	vld [tilespmem:s1+$0xC390];
	v13 =	vadd.f32 v36, v13;
	v14 =	vadd.f32 v38, v14  }
0x282: {  	v55 =	vld [tilespmem:s1+$0xC3A0];
	v16 =	vadd.f32 v39, v16;
	v19 =	vadd.f32 v41, v19;
	v45 =	vmul.f32 v37, v52  }
0x283: {  	v46 =	vmul.f32 v37, v56;
	v9 =	vadd.f32 v37, v9;
	v48 =	vmul.f32 v40, v52  }
0x284: {  	v12 =	vadd.f32 v40, v12;
	v49 =	vmul.f32 v40, v56;
	v42 =	vmul.f32 v63, v52  }
0x285: {  	v43 =	vmul.f32 v63, v56;
	v6 =	vadd.f32 v63, v6;
	v51 =	vmul.f32 v44, v52  }
0x286: {  	v52 =	vimm.s32 $0x7;
	v15 =	vadd.f32 v44, v15;
	v2 =	vadd.f32 v47, v2  }
0x287: {  	v60 =	vld [tilespmem:s1+$0xC3B0];
	v56 =	vmul.f32 v44, v56;
	v0 =	vadd.f32 v50, v0;
	v1 =	vadd.f32 v55, v1  }
0x288: {  	v36 =	vld [tilespmem:s1+$0xC3C0];
	v23 =	vadd.f32 v45, v23;
	v22 =	vadd.f32 v46, v22;
	v53 =	vperm.xlane v18, v52  }
0x289: {  	v38 =	vld [tilespmem:s1+$0xC3D0];
	v25 =	vadd.f32 v48, v25;
	v24 =	vadd.f32 v49, v24;
	v57 =	vperm.xlane v17, v52  }
0x28a: {  	v41 =	vld [tilespmem:s1+$0xC3E0];
	v20 =	vadd.f32 v42, v20;
	v21 =	vadd.f32 v43, v21;
	v59 =	vmul.f32 v47, v53  }
0x28b: {  	v3 =	vadd.f32 v51, v3;
	v61 =	vmul.f32 v47, v57;
	v62 =	vmul.f32 v50, v53  }
0x28c: {  	v4 =	vadd.f32 v56, v4;
	v63 =	vmul.f32 v50, v57;
	v37 =	vmul.f32 v55, v53  }
0x28d: {  	v39 =	vmul.f32 v55, v57;
	v40 =	vmul.f32 v60, v53;
	v5 =	vadd.f32 v60, v5  }
0x28e: {  	v42 =	vmul.f32 v60, v57;
	v6 =	vadd.f32 v36, v6;
	v9 =	vadd.f32 v38, v9  }
0x28f: {  	v43 =	vmul.f32 v36, v53;
	v12 =	vadd.f32 v41, v12;
	v7 =	vadd.f32 v59, v7  }
0x290: {  	v44 =	vmul.f32 v36, v57;
	v8 =	vadd.f32 v61, v8;
	v10 =	vadd.f32 v62, v10  }
0x291: {  	v45 =	vld [tilespmem:s1+$0xC3F0];
	v46 =	vmul.f32 v38, v53;
	v11 =	vadd.f32 v63, v11;
	v13 =	vadd.f32 v37, v13  }
0x292: {  	v48 =	vld [tilespmem:s1+$0xC400];
	v47 =	vmul.f32 v38, v57;
	v14 =	vadd.f32 v39, v14;
	v16 =	vadd.f32 v40, v16  }
0x293: {  	v51 =	vld [tilespmem:s1+$0xC410];
	v49 =	vmul.f32 v41, v53;
	v19 =	vadd.f32 v42, v19;
	v20 =	vadd.f32 v43, v20  }
0x294: {  	v56 =	vld [tilespmem:s1+$0xC420];
	v50 =	vmul.f32 v41, v57;
	v21 =	vadd.f32 v44, v21;
	v23 =	vadd.f32 v46, v23  }
0x295: {  	v22 =	vadd.f32 v47, v22;
	v25 =	vadd.f32 v49, v25  }
0x296: {  	v61 =	vld [tilespmem:s1+$0xC430];
	v52 =	vmul.f32 v45, v53;
	v53 =	vimm.s32 $0x8;
	v24 =	vadd.f32 v50, v24  }
0x297: {  	v37 =	vld [tilespmem:s1+$0xC440];
	v15 =	vadd.f32 v45, v15;
	v55 =	vperm.xlane v18, v53;
	v59 =	vperm.xlane v17, v53  }
0x298: {  	v39 =	vld [tilespmem:s1+$0xC450];
	v57 =	vmul.f32 v45, v57;
	v2 =	vadd.f32 v48, v2;
	v0 =	vadd.f32 v51, v0  }
0x299: {  	v1 =	vadd.f32 v56, v1;
	v60 =	vmul.f32 v48, v55;
	v62 =	vmul.f32 v48, v59  }
0x29a: {  	v3 =	vadd.f32 v52, v3;
	v63 =	vmul.f32 v51, v55;
	v36 =	vmul.f32 v51, v59  }
0x29b: {  	v42 =	vld [tilespmem:s1+$0xC460];
	v4 =	vadd.f32 v57, v4;
	v38 =	vmul.f32 v56, v55;
	v40 =	vmul.f32 v56, v59  }
0x29c: {  	v46 =	vld [tilespmem:s1+$0xC470];
	v41 =	vmul.f32 v61, v55;
	v5 =	vadd.f32 v61, v5;
	v43 =	vmul.f32 v61, v59  }
0x29d: {  	v49 =	vld [tilespmem:s1+$0xC480];
	v44 =	vmul.f32 v37, v55;
	v6 =	vadd.f32 v37, v6;
	v9 =	vadd.f32 v39, v9  }
0x29e: {  	v45 =	vmul.f32 v37, v59;
	v7 =	vadd.f32 v60, v7;
	v8 =	vadd.f32 v62, v8  }
0x29f: {  	v47 =	vmul.f32 v39, v55;
	v10 =	vadd.f32 v63, v10;
	v11 =	vadd.f32 v36, v11  }
0x2a0: {  	v48 =	vmul.f32 v39, v59;
	v13 =	vadd.f32 v38, v13;
	v14 =	vadd.f32 v40, v14  }
0x2a1: {  	v50 =	vmul.f32 v42, v55;
	v12 =	vadd.f32 v42, v12;
	v51 =	vmul.f32 v42, v59  }
0x2a2: {  	v53 =	vmul.f32 v46, v55;
	v15 =	vadd.f32 v46, v15;
	v2 =	vadd.f32 v49, v2  }
0x2a3: {  	v52 =	vld [tilespmem:s1+$0xC490];
	v55 =	vimm.s32 $0x9;
	v16 =	vadd.f32 v41, v16;
	v19 =	vadd.f32 v43, v19  }
0x2a4: {  	v57 =	vld [tilespmem:s1+$0xC4A0];
	v59 =	vmul.f32 v46, v59;
	v20 =	vadd.f32 v44, v20;
	v21 =	vadd.f32 v45, v21  }
0x2a5: {  	v23 =	vadd.f32 v47, v23;
	v22 =	vadd.f32 v48, v22;
	v56 =	vperm.xlane v18, v55  }
0x2a6: {  	v60 =	vperm.xlane v17, v55;
	v25 =	vadd.f32 v50, v25;
	v24 =	vadd.f32 v51, v24  }
0x2a7: {  	v62 =	vld [tilespmem:s1+$0xC4B0];
	v3 =	vadd.f32 v53, v3;
	v4 =	vadd.f32 v59, v4;
	v61 =	vmul.f32 v49, v56  }
0x2a8: {  	v38 =	vld [tilespmem:s1+$0xC4C0];
	v0 =	vadd.f32 v52, v0;
	v63 =	vmul.f32 v49, v60;
	v36 =	vmul.f32 v52, v56  }
0x2a9: {  	v40 =	vld [tilespmem:s1+$0xC4D0];
	v1 =	vadd.f32 v57, v1;
	v37 =	vmul.f32 v52, v60;
	v39 =	vmul.f32 v57, v56  }
0x2aa: {  	v43 =	vld [tilespmem:s1+$0xC4E0];
	v41 =	vmul.f32 v57, v60;
	v7 =	vadd.f32 v61, v7;
	v8 =	vadd.f32 v63, v8  }
0x2ab: {  	v47 =	vld [tilespmem:s1+$0xC4F0];
	v10 =	vadd.f32 v36, v10;
	v11 =	vadd.f32 v37, v11  }
0x2ac: {  	v13 =	vadd.f32 v39, v13;
	v42 =	vmul.f32 v62, v56;
	v14 =	vadd.f32 v41, v14  }
0x2ad: {  	v5 =	vadd.f32 v62, v5;
	v44 =	vmul.f32 v62, v60;
	v45 =	vmul.f32 v38, v56  }
0x2ae: {  	v50 =	vld [tilespmem:s1+$0xC500];
	v46 =	vmul.f32 v38, v60;
	v6 =	vadd.f32 v38, v6;
	v48 =	vmul.f32 v40, v56  }
0x2af: {  	v53 =	vld [tilespmem:s1+$0xC510];
	v49 =	vmul.f32 v40, v60;
	v9 =	vadd.f32 v40, v9;
	v51 =	vmul.f32 v43, v56  }
0x2b0: {  	v59 =	vld [tilespmem:s1+$0xC520];
	v12 =	vadd.f32 v43, v12;
	v52 =	vmul.f32 v43, v60;
	v15 =	vadd.f32 v47, v15  }
0x2b1: {  	v55 =	vmul.f32 v47, v56;
	v16 =	vadd.f32 v42, v16;
	v19 =	vadd.f32 v44, v19  }
0x2b2: {  	v56 =	vimm.s32 $0xA;
	v20 =	vadd.f32 v45, v20;
	v21 =	vadd.f32 v46, v21  }
0x2b3: {  	v63 =	vld [tilespmem:s1+$0xC530];
	v23 =	vadd.f32 v48, v23;
	v22 =	vadd.f32 v49, v22;
	v57 =	vperm.xlane v18, v56  }
0x2b4: {  	v39 =	vld [tilespmem:s1+$0xC540];
	v61 =	vperm.xlane v17, v56;
	v2 =	vadd.f32 v50, v2;
	v0 =	vadd.f32 v53, v0  }
0x2b5: {  	v41 =	vld [tilespmem:s1+$0xC550];
	v60 =	vmul.f32 v47, v60;
	v1 =	vadd.f32 v59, v1;
	v25 =	vadd.f32 v51, v25  }
0x2b6: {  	v24 =	vadd.f32 v52, v24;
	v62 =	vmul.f32 v50, v57;
	v36 =	vmul.f32 v50, v61  }
0x2b7: {  	v3 =	vadd.f32 v55, v3;
	v37 =	vmul.f32 v53, v57;
	v38 =	vmul.f32 v53, v61  }
0x2b8: {  	v4 =	vadd.f32 v60, v4;
	v40 =	vmul.f32 v59, v57;
	v42 =	vmul.f32 v59, v61  }
0x2b9: {  	v43 =	vmul.f32 v63, v57;
	v5 =	vadd.f32 v63, v5;
	v6 =	vadd.f32 v39, v6  }
0x2ba: {  	v45 =	vmul.f32 v63, v61;
	v9 =	vadd.f32 v41, v9;
	v7 =	vadd.f32 v62, v7  }
0x2bb: {  	v44 =	vld [tilespmem:s1+$0xC560];
	v46 =	vmul.f32 v39, v57;
	v8 =	vadd.f32 v36, v8;
	v10 =	vadd.f32 v37, v10  }
0x2bc: {  	v48 =	vld [tilespmem:s1+$0xC570];
	v47 =	vmul.f32 v39, v61;
	v11 =	vadd.f32 v38, v11;
	v13 =	vadd.f32 v40, v13  }
0x2bd: {  	v51 =	vld [tilespmem:s1+$0xC580];
	v49 =	vmul.f32 v41, v57;
	v14 =	vadd.f32 v42, v14;
	v16 =	vadd.f32 v43, v16  }
0x2be: {  	v55 =	vld [tilespmem:s1+$0xC590];
	v50 =	vmul.f32 v41, v61;
	v19 =	vadd.f32 v45, v19;
	v20 =	vadd.f32 v46, v20  }
0x2bf: {  	v60 =	vld [tilespmem:s1+$0xC5A0];
	v21 =	vadd.f32 v47, v21;
	v23 =	vadd.f32 v49, v23  }
0x2c0: {  	v52 =	vmul.f32 v44, v57;
	v22 =	vadd.f32 v50, v22;
	v12 =	vadd.f32 v44, v12  }
0x2c1: {  	v53 =	vmul.f32 v44, v61;
	v56 =	vmul.f32 v48, v57;
	v57 =	vimm.s32 $0xB  }
0x2c2: {  	v36 =	vld [tilespmem:s1+$0xC5B0];
	v61 =	vmul.f32 v48, v61;
	v15 =	vadd.f32 v48, v15;
	v59 =	vperm.xlane v18, v57  }
0x2c3: {  	v40 =	vld [tilespmem:s1+$0xC5C0];
	v62 =	vperm.xlane v17, v57;
	v2 =	vadd.f32 v51, v2;
	v0 =	vadd.f32 v55, v0  }
0x2c4: {  	v42 =	vld [tilespmem:s1+$0xC5D0];
	v1 =	vadd.f32 v60, v1;
	v25 =	vadd.f32 v52, v25;
	v63 =	vmul.f32 v51, v59  }
0x2c5: {  	v24 =	vadd.f32 v53, v24;
	v37 =	vmul.f32 v51, v62;
	v38 =	vmul.f32 v55, v59  }
0x2c6: {  	v3 =	vadd.f32 v56, v3;
	v39 =	vmul.f32 v55, v62;
	v41 =	vmul.f32 v60, v59  }
0x2c7: {  	v45 =	vld [tilespmem:s1+$0xC5E0];
	v4 =	vadd.f32 v61, v4;
	v43 =	vmul.f32 v60, v62;
	v44 =	vmul.f32 v36, v59  }
0x2c8: {  	v49 =	vld [tilespmem:s1+$0xC5F0];
	v5 =	vadd.f32 v36, v5;
	v46 =	vmul.f32 v36, v62;
	v47 =	vmul.f32 v40, v59  }
0x2c9: {  	v48 =	vmul.f32 v40, v62;
	v6 =	vadd.f32 v40, v6;
	v9 =	vadd.f32 v42, v9  }
0x2ca: {  	v50 =	vmul.f32 v42, v59;
	v7 =	vadd.f32 v63, v7;
	v8 =	vadd.f32 v37, v8  }
0x2cb: {  	v51 =	vmul.f32 v42, v62;
	v10 =	vadd.f32 v38, v10;
	v11 =	vadd.f32 v39, v11  }
0x2cc: {  	v13 =	vadd.f32 v41, v13;
	v14 =	vadd.f32 v43, v14;
	v53 =	vmul.f32 v45, v59  }
0x2cd: {  	v52 =	vld [tilespmem:s1+$0xC600];
	v12 =	vadd.f32 v45, v12;
	v55 =	vmul.f32 v45, v62;
	v15 =	vadd.f32 v49, v15  }
0x2ce: {  	v56 =	vld [tilespmem:s1+$0xC610];
	v57 =	vmul.f32 v49, v59;
	v16 =	vadd.f32 v44, v16;
	v19 =	vadd.f32 v46, v19  }
0x2cf: {  	v61 =	vld [tilespmem:s1+$0xC620];
	v59 =	vimm.s32 $0xC;
	v20 =	vadd.f32 v47, v20;
	v21 =	vadd.f32 v48, v21  }
0x2d0: {  	v62 =	vmul.f32 v49, v62;
	v23 =	vadd.f32 v50, v23;
	v22 =	vadd.f32 v51, v22  }
0x2d1: {  	v60 =	vperm.xlane v18, v59;
	v25 =	vadd.f32 v53, v25;
	v24 =	vadd.f32 v55, v24  }
0x2d2: {  	v63 =	vperm.xlane v17, v59;
	v3 =	vadd.f32 v57, v3;
	v4 =	vadd.f32 v62, v4  }
0x2d3: {  	v37 =	vld [tilespmem:s1+$0xC630];
	v2 =	vadd.f32 v52, v2;
	v0 =	vadd.f32 v56, v0;
	v36 =	vmul.f32 v52, v60  }
0x2d4: {  	v41 =	vld [tilespmem:s1+$0xC640];
	v1 =	vadd.f32 v61, v1;
	v38 =	vmul.f32 v52, v63;
	v39 =	vmul.f32 v56, v60  }
0x2d5: {  	v43 =	vld [tilespmem:s1+$0xC650];
	v40 =	vmul.f32 v56, v63;
	v42 =	vmul.f32 v61, v60;
	v7 =	vadd.f32 v36, v7  }
0x2d6: {  	v46 =	vld [tilespmem:s1+$0xC660];
	v44 =	vmul.f32 v61, v63;
	v8 =	vadd.f32 v38, v8;
	v10 =	vadd.f32 v39, v10  }
0x2d7: {  	v50 =	vld [tilespmem:s1+$0xC670];
	v11 =	vadd.f32 v40, v11;
	v13 =	vadd.f32 v42, v13  }
0x2d8: {  	v45 =	vmul.f32 v37, v60;
	v14 =	vadd.f32 v44, v14;
	v47 =	vmul.f32 v37, v63  }
0x2d9: {  	v5 =	vadd.f32 v37, v5;
	v48 =	vmul.f32 v41, v60;
	v49 =	vmul.f32 v41, v63  }
0x2da: {  	v53 =	vld [tilespmem:s1+$0xC680];
	v6 =	vadd.f32 v41, v6;
	v51 =	vmul.f32 v43, v60;
	v52 =	vmul.f32 v43, v63  }
0x2db: {  	v57 =	vld [tilespmem:s1+$0xC690];
	v9 =	vadd.f32 v43, v9;
	v55 =	vmul.f32 v46, v60;
	v12 =	vadd.f32 v46, v12  }
0x2dc: {  	v62 =	vld [tilespmem:s1+$0xC6A0];
	v56 =	vmul.f32 v46, v63;
	v59 =	vmul.f32 v50, v60;
	v15 =	vadd.f32 v50, v15  }
0x2dd: {  	v60 =	vimm.s32 $0xD;
	v16 =	vadd.f32 v45, v16;
	v19 =	vadd.f32 v47, v19  }
0x2de: {  	v63 =	vmul.f32 v50, v63;
	v20 =	vadd.f32 v48, v20;
	v21 =	vadd.f32 v49, v21  }
0x2df: {  	v23 =	vadd.f32 v51, v23;
	v22 =	vadd.f32 v52, v22;
	v61 =	vperm.xlane v18, v60  }
0x2e0: {  	v38 =	vld [tilespmem:s1+$0xC6B0];
	v36 =	vperm.xlane v17, v60;
	v2 =	vadd.f32 v53, v2;
	v60 =	vimm.s32 $0xE  }
0x2e1: {  	v42 =	vld [tilespmem:s1+$0xC6C0];
	v0 =	vadd.f32 v57, v0;
	v1 =	vadd.f32 v62, v1;
	v31 =	vperm.xlane v18, v60  }
0x2e2: {  	v44 =	vld [tilespmem:s1+$0xC6D0];
	v25 =	vadd.f32 v55, v25;
	v30 =	vperm.xlane v17, v60;
	v18 =	vperm.xlane v18, v54  }
0x2e3: {  	v24 =	vadd.f32 v56, v24;
	v37 =	vmul.f32 v53, v61;
	v39 =	vmul.f32 v53, v36  }
0x2e4: {  	v3 =	vadd.f32 v59, v3;
	v40 =	vmul.f32 v57, v61;
	v41 =	vmul.f32 v57, v36  }
0x2e5: {  	v4 =	vadd.f32 v63, v4;
	v43 =	vmul.f32 v62, v61;
	v45 =	vmul.f32 v62, v36  }
0x2e6: {  	v46 =	vmul.f32 v38, v61;
	v5 =	vadd.f32 v38, v5;
	v6 =	vadd.f32 v42, v6  }
0x2e7: {  	v47 =	vmul.f32 v38, v36;
	v9 =	vadd.f32 v44, v9;
	v7 =	vadd.f32 v37, v7  }
0x2e8: {  	v48 =	vld [tilespmem:s1+$0xC6E0];
	v49 =	vmul.f32 v42, v61;
	v8 =	vadd.f32 v39, v8;
	v10 =	vadd.f32 v40, v10  }
0x2e9: {  	v51 =	vld [tilespmem:s1+$0xC6F0];
	v50 =	vmul.f32 v42, v36;
	v11 =	vadd.f32 v41, v11;
	v13 =	vadd.f32 v43, v13  }
0x2ea: {  	v55 =	vld [tilespmem:s1+$0xC700];
	v52 =	vmul.f32 v44, v61;
	v14 =	vadd.f32 v45, v14;
	v16 =	vadd.f32 v46, v16  }
0x2eb: {  	v59 =	vld [tilespmem:s1+$0xC710];
	v53 =	vmul.f32 v44, v36;
	v19 =	vadd.f32 v47, v19;
	v20 =	vadd.f32 v49, v20  }
0x2ec: {  	v17 =	vperm.xlane v17, v54;
	v21 =	vadd.f32 v50, v21;
	v23 =	vadd.f32 v52, v23  }
0x2ed: {  	v62 =	vld [tilespmem:s1+$0xC720];
	v22 =	vadd.f32 v53, v22;
	v56 =	vmul.f32 v48, v61;
	v57 =	vmul.f32 v48, v36  }
0x2ee: {  	v12 =	vadd.f32 v48, v12;
	v27 =	vmul.f32 v51, v61;
	v61 =	vmul.f32 v51, v36  }
0x2ef: {  	v15 =	vadd.f32 v51, v15;
	v63 =	vmul.f32 v55, v31;
	v2 =	vadd.f32 v55, v2  }
0x2f0: {  	v44 =	vld [tilespmem:s1+$0xC780];
	v37 =	vmul.f32 v55, v30;
	v0 =	vadd.f32 v59, v0;
	v25 =	vadd.f32 v56, v25  }
0x2f1: {  	v39 =	vld [tilespmem:s1+$0xC740];
	v38 =	vmul.f32 v59, v31;
	v24 =	vadd.f32 v57, v24;
	v3 =	vadd.f32 v27, v3  }
0x2f2: {  	v36 =	vld [tilespmem:s1+$0xC730];
	v40 =	vmul.f32 v59, v30;
	v4 =	vadd.f32 v61, v4;
	v1 =	vadd.f32 v62, v1  }
0x2f3: {  	v46 =	vld [tilespmem:s1+$0xC750];
	v41 =	vmul.f32 v62, v31;
	v7 =	vadd.f32 v63, v7;
	v8 =	vadd.f32 v37, v8  }
0x2f4: {  	v50 =	vld [tilespmem:s1+$0xC790];
	v42 =	vmul.f32 v62, v30;
	v10 =	vadd.f32 v38, v10;
	v11 =	vadd.f32 v40, v11  }
0x2f5: {  	v52 =	vld [tilespmem:s1+$0xC7A0];
	v51 =	vmul.f32 v44, v18;
	v2 =	vadd.f32 v44, v2;
	v53 =	vmul.f32 v44, v17  }
0x2f6: {  	v55 =	vld [tilespmem:s1+$0xC7C0];
	v13 =	vadd.f32 v41, v13;
	v14 =	vadd.f32 v42, v14;
	v47 =	vmul.f32 v39, v31  }
0x2f7: {  	v49 =	vmul.f32 v39, v30;
	v6 =	vadd.f32 v39, v6;
	v5 =	vadd.f32 v36, v5  }
0x2f8: {  	v26 =	vld [tilespmem:s1+$0xC770];
	v43 =	vmul.f32 v36, v31;
	v9 =	vadd.f32 v46, v9;
	v7 =	vadd.f32 v51, v7  }
0x2f9: {  	v48 =	vld [tilespmem:s1+$0xC760];
	v45 =	vmul.f32 v36, v30;
	v8 =	vadd.f32 v53, v8;
	v0 =	vadd.f32 v50, v0  }
0x2fa: {  	v59 =	vld [tilespmem:s1+$0xC7E0];
	v35 =	vmul.f32 v46, v31;
	v1 =	vadd.f32 v52, v1;
	v20 =	vadd.f32 v47, v20  }
0x2fb: {  	v57 =	vld [tilespmem:s1+$0xC7D0];
	v56 =	vmul.f32 v50, v18;
	v21 =	vadd.f32 v49, v21;
	v42 =	vadd.f32 v55, v6  }
0x2fc: {  	v29 =	vmul.f32 v46, v30;
	v36 =	vld [tilespmem:s1+$0xC7B0];
	v16 =	vadd.f32 v43, v16;
	v2 =	vsub.f32 v2, v7  }
0x2fd: {  	v38 =	vld [tilespmem:s1+$0xC7F0];
	v60 =	vmul.f32 v50, v17;
	v19 =	vadd.f32 v45, v19;
	v10 =	vadd.f32 v56, v10  }
0x2fe: {  	v61 =	vmul.f32 v52, v18;
	v23 =	vadd.f32 v35, v23;
	[tilespmem:s12+$0x0] =	vst.add.f32.msk $0xffff, v7;
	v2 =	vsub.f32 v2, v8  }
0x2ff: {  	v37 =	vmul.f32 v48, v31;
	v11 =	vadd.f32 v60, v11;
	[tilespmem:s13+$0x0] =	vst.add.f32.msk $0xffff, v8;
	v0 =	vsub.f32 v0, v10  }
0x300: {  	v62 =	vmul.f32 v52, v17;
	v22 =	vadd.f32 v29, v22;
	v7 =	vadd.f32 v61, v13;
	[tilespmem:s14+$0x0] =	vst.add.f32.msk $0xffff, v2  }
0x301: {  	v25 =	vadd.f32 v37, v25;
	v28 =	vmul.f32 v36, v18;
	v0 =	vsub.f32 v0, v11;
	[tilespmem:s15+$0x0] =	vst.add.f32.msk $0xffff, v10  }
0x302: {  	v34 =	vmul.f32 v48, v30;
	v63 =	vadd.f32 v62, v14;
	v1 =	vsub.f32 v1, v7;
	[tilespmem:s16+$0x0] =	vst.add.f32.msk $0xffff, v11  }
0x303: {  	v5 =	vadd.f32 v36, v5;
	v36 =	vmul.f32 v36, v17;
	v8 =	vadd.f32 v28, v16;
	[tilespmem:s17+$0x0] =	vst.add.f32.msk $0xffff, v0  }
0x304: {  	v39 =	vmul.f32 v55, v18;
	v29 =	vadd.f32 v48, v12;
	v1 =	vsub.f32 v1, v63;
	[tilespmem:s18+$0x0] =	vst.add.f32.msk $0xffff, v7  }
0x305: {  	v40 =	vadd.f32 v36, v19;
	v41 =	vsub.f32 v5, v8;
	[tilespmem:s19+$0x0] =	vst.add.f32.msk $0xffff, v63  }
0x306: {  	v44 =	vmul.f32 v55, v17;
	v37 =	vadd.f32 v34, v24;
	v43 =	vadd.f32 v39, v20;
	[tilespmem:s20+$0x0] =	vst.add.f32.msk $0xffff, v1  }
0x307: {  	v45 =	vadd.f32 v26, v15;
	v46 =	vmul.f32 v57, v18;
	v2 =	vsub.f32 v41, v40;
	[tilespmem:s21+$0x0] =	vst.add.f32.msk $0xffff, v8  }
0x308: {  	v47 =	vmul.f32 v26, v31;
	v11 =	vadd.f32 v44, v21;
	v5 =	vsub.f32 v42, v43;
	[tilespmem:s22+$0x0] =	vst.add.f32.msk $0xffff, v40  }
0x309: {  	v48 =	vadd.f32 v57, v9;
	v50 =	vmul.f32 v57, v17;
	v49 =	vadd.f32 v46, v23;
	[tilespmem:s23+$0x0] =	vst.add.f32.msk $0xffff, v2  }
0x30a: {  	v52 =	vmul.f32 v59, v18;
	v51 =	vadd.f32 v47, v3;
	v5 =	vsub.f32 v5, v11;
	[tilespmem:s24+$0x0] =	vst.add.f32.msk $0xffff, v43  }
0x30b: {  	v53 =	vmul.f32 v26, v30;
	v55 =	vadd.f32 v50, v22;
	v7 =	vsub.f32 v48, v49;
	[tilespmem:s25+$0x0] =	vst.add.f32.msk $0xffff, v11  }
0x30c: {  	v56 =	vmul.f32 v59, v17;
	v3 =	vadd.f32 v52, v25;
	v10 =	vadd.f32 v59, v29;
	[tilespmem:s26+$0x0] =	vst.add.f32.msk $0xffff, v5  }
0x30d: {  	v4 =	vadd.f32 v53, v4;
	v57 =	vmul.f32 v38, v18;
	v59 =	vsub.f32 v7, v55;
	[tilespmem:s28+$0x0] =	vst.add.f32.msk $0xffff, v49  }
0x30e: {  	v0 =	vadd.f32 v56, v37;
	v60 =	vsub.f32 v10, v3;
	[tilespmem:s29+$0x0] =	vst.add.f32.msk $0xffff, v55  }
0x30f: {  	v61 =	vmul.f32 v38, v17;
	v1 =	vadd.f32 v38, v45;
	v2 =	vadd.f32 v57, v51;
	[tilespmem:s30+$0x0] =	vst.add.f32.msk $0xffff, v59  }
0x310: {  	p0 =	sne.s32 s8, $0xD;
	v62 =	vsub.f32 v60, v0;
	[tilespmem:s31+$0x0] =	vst.add.f32.msk $0xffff, v3  }
.Ltmp1:
0x311: {  	v4 =	vadd.f32 v61, v4;
	v63 =	vsub.f32 v1, v2;
	[tilespmem:s2+$0x0] =	vst.add.f32.msk $0xffff, v0;
	(pc) =	sbr.rel @p0 .LBB2_2-.Ltmp1, $4  }
0x312: {  	[tilespmem:s0+$0x0] =	vst.add.f32.msk $0xffff, v62  }
0x313: {  	v0 =	vsub.f32 v63, v4;
	[tilespmem:s9+$0x0] =	vst.add.f32.msk $0xffff, v2  }
0x314: {  	[tilespmem:s3+$0x0] =	vst.add.f32.msk $0xffff, v4  }
0x315: {  	[tilespmem:s5+$0x0] =	vst.add.f32.msk $0xffff, v0  }
0x316: {  	s1 =	rddreg [dreg:$0x7]  }
0x317: {  	s4 =	simm.s32 $0x80;
	s6 =	simm.s32 $0x400;
	s8 =	simm.s32 $0x3  }
0x318: {  	[hbm4b:s1+s4] =	stream.strided.scatter [tilespmem:s12], [sflag:$0x3], $0x180, s6, s4, $0x38;
	[tilespmem:$0x1A600] =	vst v63  }
0x319: {  	_ =	swait.ge [sflag:s8], $0x180  }
0x31a: {  	s10 =	rddreg [dreg:$0x9]  }
0x31b: {  	s11 =	rddreg [dreg:$0x8];
	s6 =	sadd.s32 $0x1, s10  }
0x31c: {  	p0 =	sne.s32 s6, s11  }
.Ltmp2:
0x31d: {  	_ = 	snop;
	(pc) =	sbr.rel @p0 .LBB2_1-.Ltmp2, $3  }
0x31e: {  	_ =	sdelay $0x1  }
0x31f: {  	[sflag:s8] =	ssyncset.done $0x0  }
0x320: {  	[sflag:s8] =	ssyncadd.s32 $0xFFFFFE80  }
0x321: {  	_ =	sfence.sel $0x180000  }
0x322: {  	[bflag:$0x0] =	sbarrier.arrive $0xFFFF  }
0x323: {  	_ =	strace $0x90000047  }
0x324: {  	s0 =	stileid.u32;
	[bflag:$0x2] =	sbarrier.arrive $0xFFFF  }
0x325: {  	p0 =	sne.s32 s0, $0x0;
	s0 =	rddreg [dreg:$0x3]  }
0x326: {  	s0 =	sadd.s32 @!p0 $0x100000, s0  }
0x327: {  	[sflag:s0] =	ssyncadd.tile.s32 @!p0 $0x1;
	_ =	shalt  }
.Lfunc_end2:
_tile_overlayer_lowered:
.L_overlay_start_2:
0x328: {  	(tag) =	ssettag $0x2  }
0x329: {  	s0 =	rddreg [dreg:$0x0];
	s2 =	stileid.u32  }
0x32a: {  	s1 =	rddreg [dreg:$0x1];
	p0 =	sne.s32 s2, $0x0  }
0x32b: {  	s3 =	rddreg [dreg:$0x2];
	[bflag:$0x3] =	sbarrier.arrive $0xFFFF;
	s2 =	simm.s32 @!p0 $0x1C03  }
0x32c: {  	[timem:s3], [sflag:s2] =	dma.local @!p0 [hbm:s0], s1  }
0x32d: {  	s0 =	simm.s32 @!p0 $0x3  }
0x32e: {  	_ =	swait.ge @!p0 [sflag:s0], s1  }
0x32f: {  	s1 =	ssub.s32 @!p0 $0x0, s1;
	[sflag:s0] =	ssyncset.done @!p0 $0x0  }
0x330: {  	[sflag:s0] =	ssyncadd.s32 @!p0 s1  }
0x331: {  	[bflag:$0x3] =	sbarrier.arrive $0xFFFF  }
0x332: {  	_ =	shalt  }

</sc_bundles>
